<compile_context>
chip_gen: v7x
topology: tpu7x:2x2x1
jax: 0.10.2.dev20260603
libtpu: 0.0.44.dev20260713+nightly
codegen_flags: <defaults>
</compile_context>

<pallas_src>
import functools

import jax
import jax.numpy as jnp
from jax import lax
from jax.experimental import pallas as pl
from jax.experimental.pallas import tpu as pltpu
from jax.experimental.pallas import tpu_sc as plsc

N = 10000
D = 128
KCAP = 2048
BLK = 512
CHUNK = 128
NW = 32


def _sc_scatter_msgs(sdst, ssrc, starts, rank, offs, feat, e_real, e_pad):
  rows_per_worker = e_pad // NW
  nchunks = rows_per_worker // CHUNK
  grp = 8
  ngrp = nchunks // grp
  mesh = plsc.VectorSubcoreMesh(core_axis_name="c", subcore_axis_name="s")

  @functools.partial(
      pl.kernel,
      mesh=mesh,
      out_type=jax.ShapeDtypeStruct((e_pad, D), jnp.float32),
      scratch_types=[
          pltpu.VMEM((nchunks, CHUNK), jnp.int32),
          pltpu.VMEM((nchunks, CHUNK), jnp.int32),
          pltpu.VMEM((nchunks, CHUNK), jnp.int32),
          pltpu.VMEM((nchunks, CHUNK), jnp.int32),
          pltpu.VMEM((nchunks, CHUNK), jnp.int32),
          pltpu.VMEM((2, CHUNK, D), jnp.float32),
          pltpu.SemaphoreType.DMA,
          pltpu.SemaphoreType.DMA,
          pltpu.SemaphoreType.DMA,
          pltpu.SemaphoreType.DMA,
      ],
  )
  def k(sdst_hbm, ssrc_hbm, starts_hbm, rank_hbm, offs_hbm, feat_hbm, out_hbm,
        sdst_v, ssrc_v, st_v, rk_v, of_v, rows_v, sem, gsem, ssemA, ssemB):
    wid = lax.axis_index("s") * 2 + lax.axis_index("c")
    base = wid * rows_per_worker

    pltpu.sync_copy(
        sdst_hbm.at[pl.ds(wid * nchunks, nchunks)], sdst_v)
    pltpu.make_async_copy(
        ssrc_hbm.at[pl.ds(wid * nchunks, nchunks)], ssrc_v, sem).start()

    def fire_st_rk(g, carry):
      for u in range(grp):
        c = g * grp + u
        pltpu.make_async_copy(
            starts_hbm.at[sdst_v.at[c]], st_v.at[c], sem).start()
        pltpu.make_async_copy(
            rank_hbm.at[sdst_v.at[c]], rk_v.at[c], sem).start()
      for u in range(grp):
        c = g * grp + u
        pltpu.make_async_copy(
            starts_hbm.at[sdst_v.at[c]], st_v.at[c], sem).wait()
        pltpu.make_async_copy(
            rank_hbm.at[sdst_v.at[c]], rk_v.at[c], sem).wait()
      return carry

    lax.fori_loop(0, ngrp, fire_st_rk, 0)
    pltpu.make_async_copy(
        ssrc_hbm.at[pl.ds(wid * nchunks, nchunks)], ssrc_v, sem).wait()

    def compute_pos(c, carry):
      for j in range(CHUNK // 16):
        gidx = lax.iota(jnp.int32, 16) + (base + c * CHUNK + j * 16)
        st16 = st_v[c, pl.ds(j * 16, 16)]
        st_v[c, pl.ds(j * 16, 16)] = jnp.clip(gidx - st16, 0, KCAP - 1)
      return carry

    lax.fori_loop(0, nchunks, compute_pos, 0)

    def fire_offs(g, carry):
      for u in range(grp):
        c = g * grp + u
        pltpu.make_async_copy(
            offs_hbm.at[st_v.at[c]], of_v.at[c], sem).start()
      for u in range(grp):
        c = g * grp + u
        pltpu.make_async_copy(
            offs_hbm.at[st_v.at[c]], of_v.at[c], sem).wait()
      return carry

    lax.fori_loop(0, ngrp, fire_offs, 0)

    def compute_sm(c, carry):
      for j in range(CHUNK // 16):
        gidx = lax.iota(jnp.int32, 16) + (base + c * CHUNK + j * 16)
        of16 = of_v[c, pl.ds(j * 16, 16)]
        rk16 = rk_v[c, pl.ds(j * 16, 16)]
        of_v[c, pl.ds(j * 16, 16)] = jnp.where(gidx >= e_real, gidx,
                                               of16 + rk16)
      return carry

    lax.fori_loop(0, nchunks, compute_sm, 0)

    def gather_c(c, p):
      return pltpu.make_async_copy(
          feat_hbm.at[ssrc_v.at[c]], rows_v.at[p], gsem)

    def scatter_c(c, p, ssem):
      return pltpu.make_async_copy(
          rows_v.at[p], out_hbm.at[of_v.at[c]], ssem)

    gather_c(0, 0).start()

    def move(c, carry):
      p = lax.rem(c, 2)
      gather_c(c, p).wait()

      @pl.when(c + 1 < nchunks)
      def _():
        @pl.when(c >= 1)
        def _():
          lax.cond(
              p == 0,
              lambda: scatter_c(c - 1, 1 - p, ssemB).wait(),
              lambda: scatter_c(c - 1, 1 - p, ssemA).wait())
        gather_c(c + 1, 1 - p).start()

      lax.cond(
          p == 0,
          lambda: scatter_c(c, p, ssemA).start(),
          lambda: scatter_c(c, p, ssemB).start())
      return carry

    lax.fori_loop(0, nchunks, move, 0)
    last = nchunks - 1
    lax.cond(
        lax.rem(last, 2) == 0,
        lambda: scatter_c(last, 0, ssemA).wait(),
        lambda: scatter_c(last, 1, ssemB).wait())
    lax.cond(
        lax.rem(last - 1, 2) == 0,
        lambda: scatter_c(last - 1, 0, ssemA).wait(),
        lambda: scatter_c(last - 1, 1, ssemB).wait())

  return k(sdst.reshape(-1, CHUNK), ssrc.reshape(-1, CHUNK),
           starts, rank, offs, feat)


def _sc_gather_rows(table, idx, rows_per_worker):
  nchunks = rows_per_worker // CHUNK
  n_out = NW * rows_per_worker
  mesh = plsc.VectorSubcoreMesh(core_axis_name="c", subcore_axis_name="s")

  @functools.partial(
      pl.kernel,
      mesh=mesh,
      out_type=jax.ShapeDtypeStruct((n_out, D), jnp.float32),
      scratch_types=[
          pltpu.VMEM((CHUNK,), jnp.int32),
          pltpu.VMEM((CHUNK, D), jnp.float32),
          pltpu.SemaphoreType.DMA,
      ],
  )
  def k(table_hbm, idx_hbm, out_hbm, idx_v, rows_v, sem):
    wid = lax.axis_index("s") * 2 + lax.axis_index("c")
    base = wid * rows_per_worker

    def body(i, carry):
      off = base + i * CHUNK
      pltpu.sync_copy(idx_hbm.at[pl.ds(off, CHUNK)], idx_v)
      pltpu.async_copy(table_hbm.at[idx_v], rows_v, sem).wait()
      pltpu.sync_copy(rows_v, out_hbm.at[pl.ds(off, CHUNK)])
      return carry

    lax.fori_loop(0, nchunks, body, 0)

  return k(table, idx)


def _lstm_body(a_smem, msgs_hbm, wih_ref, whh_ref, bias_ref, invd_ref,
               out_ref, h_ref, c_ref, xs_ref, sem):
  h_ref[...] = jnp.zeros_like(h_ref)
  c_ref[...] = jnp.zeros_like(c_ref)

  def step_cond(carry):
    t, _ = carry
    return jnp.logical_and(t < KCAP, a_smem[t] > 0)

  def step_body(carry):
    t, row_off = carry
    a_t = a_smem[t]
    nblk = (a_t + (BLK - 1)) // BLK

    def blk_body(b, carry2):
      r0 = b * BLK
      cp = pltpu.make_async_copy(
          msgs_hbm.at[pl.ds(row_off + r0, BLK)], xs_ref, sem)
      cp.start()
      cp.wait()
      xs = xs_ref[...]
      hb = h_ref[pl.ds(r0, BLK), :]
      cb = c_ref[pl.ds(r0, BLK), :]
      gates = (
          jnp.dot(xs, wih_ref[...], preferred_element_type=jnp.float32)
          + jnp.dot(hb, whh_ref[...], preferred_element_type=jnp.float32)
          + bias_ref[...])
      ii = jax.nn.sigmoid(gates[:, 0:D])
      ff = jax.nn.sigmoid(gates[:, D:2 * D])
      gg = jnp.tanh(gates[:, 2 * D:3 * D])
      oo = jax.nn.sigmoid(gates[:, 3 * D:4 * D])
      cn = ff * cb + ii * gg
      hn = oo * jnp.tanh(cn)
      m = (r0 + lax.broadcasted_iota(jnp.int32, (BLK, 1), 0)) < a_t
      h_ref[pl.ds(r0, BLK), :] = jnp.where(m, hn, hb)
      c_ref[pl.ds(r0, BLK), :] = jnp.where(m, cn, cb)
      return carry2

    lax.fori_loop(0, nblk, blk_body, 0)
    return (t + 1, row_off + a_t)

  lax.while_loop(step_cond, step_body, (jnp.int32(0), jnp.int32(0)))
  out_ref[...] = h_ref[0:N, :] * invd_ref[...]


def _final_body(feat_ref, ah_ref, w1_ref, w2_ref, bias_ref, o_ref):
  o_ref[...] = (
      jnp.dot(feat_ref[...], w1_ref[...], preferred_element_type=jnp.float32)
      + jnp.dot(ah_ref[...], w2_ref[...], preferred_element_type=jnp.float32)
      + bias_ref[...])


def kernel(feat, edge_index, in_norm, W1, b1, W2, b2, W_ih, W_hh, b_ih, b_hh):
  del in_norm
  E = edge_index.shape[1]
  src = edge_index[0]
  dst = edge_index[1]

  counts = jnp.bincount(dst, length=N).astype(jnp.int32)
  neg_sorted, node_perm = lax.sort(
      (-counts, jnp.arange(N, dtype=jnp.int32)), num_keys=1, is_stable=True)
  sorted_counts = -neg_sorted
  rank = jnp.zeros((N,), jnp.int32).at[node_perm].set(
      jnp.arange(N, dtype=jnp.int32))
  sdst, ssrc = lax.sort((dst, src), num_keys=1, is_stable=True)
  starts = jnp.concatenate(
      [jnp.zeros((1,), jnp.int32), jnp.cumsum(counts)[:-1].astype(jnp.int32)])

  cd = jnp.bincount(jnp.minimum(counts, KCAP), length=KCAP + 1)
  a_steps = (N - jnp.cumsum(cd)[:KCAP]).astype(jnp.int32)
  offs = jnp.concatenate(
      [jnp.zeros((1,), jnp.int32), jnp.cumsum(a_steps)[:-1].astype(jnp.int32)])

  quantum = NW * CHUNK * 8
  e_pad = ((E + quantum - 1) // quantum) * quantum
  pad = e_pad - E
  sdst_p = jnp.concatenate([sdst, jnp.zeros((pad,), jnp.int32)])
  ssrc_p = jnp.concatenate([ssrc, jnp.zeros((pad,), jnp.int32)])

  inv_deg_rank = (
      1.0 / jnp.maximum(sorted_counts, 1).astype(jnp.float32))[:, None]

  msgs = _sc_scatter_msgs(sdst_p, ssrc_p, starts, rank, offs, feat, E, e_pad)

  n_pad = ((N + BLK - 1) // BLK) * BLK
  wihT = W_ih.T
  whhT = W_hh.T
  bias = (b_ih + b_hh)[None, :]
  ah_rank = pl.pallas_call(
      _lstm_body,
      out_shape=jax.ShapeDtypeStruct((N, D), jnp.float32),
      in_specs=[
          pl.BlockSpec(memory_space=pltpu.SMEM),
          pl.BlockSpec(memory_space=pl.ANY),
          pl.BlockSpec(memory_space=pltpu.VMEM),
          pl.BlockSpec(memory_space=pltpu.VMEM),
          pl.BlockSpec(memory_space=pltpu.VMEM),
          pl.BlockSpec(memory_space=pltpu.VMEM),
      ],
      out_specs=pl.BlockSpec(memory_space=pltpu.VMEM),
      scratch_shapes=[
          pltpu.VMEM((n_pad, D), jnp.float32),
          pltpu.VMEM((n_pad, D), jnp.float32),
          pltpu.VMEM((BLK, D), jnp.float32),
          pltpu.SemaphoreType.DMA,
      ],
  )(a_steps, msgs, wihT, whhT, bias, inv_deg_rank)

  rpw_c = ((N + NW * CHUNK - 1) // (NW * CHUNK)) * CHUNK
  rank_pad = jnp.concatenate(
      [rank, jnp.zeros((NW * rpw_c - N,), jnp.int32)])
  ah_nat = _sc_gather_rows(ah_rank, rank_pad, rpw_c)[:N]

  fin_blk = 1000
  out = pl.pallas_call(
      _final_body,
      grid=(N // fin_blk,),
      out_shape=jax.ShapeDtypeStruct((N, D), jnp.float32),
      in_specs=[
          pl.BlockSpec((fin_blk, D), lambda i: (i, 0)),
          pl.BlockSpec((fin_blk, D), lambda i: (i, 0)),
          pl.BlockSpec((D, D), lambda i: (0, 0)),
          pl.BlockSpec((D, D), lambda i: (0, 0)),
          pl.BlockSpec((1, D), lambda i: (0, 0)),
      ],
      out_specs=pl.BlockSpec((fin_blk, D), lambda i: (i, 0)),
  )(feat, ah_nat, W1.T, W2.T, (b1 + b2)[None, :])
  return out

# --- scband reference (transcript-rebuilt; emitter-appended) ---
"""Pipeline reference for scband-graph-sagelayer-lstm-22565758173858 (READ-ONLY COPY).

The authoritative reference and input builder live on the scoring server;
editing this copy changes nothing except your own understanding.
"""

import jax, jax.numpy as jnp
import numpy as np

N, E, D = 10000, 320000, 128

def setup_inputs(seed: int = 0) -> dict:
    key = jax.random.key(seed)
    ks = jax.random.split(key, 12)
    feat = jax.random.normal(ks[0], (N, D), dtype=jnp.float32)
    edge_index = jax.random.randint(ks[1], (2, E), 0, N, dtype=jnp.int32)
    in_norm = jax.random.uniform(ks[2], (N,), dtype=jnp.float32, minval=1.0, maxval=64.0)
    stdv = 1.0 / np.sqrt(D)
    W1 = jax.random.uniform(ks[3], (D, D), dtype=jnp.float32, minval=-stdv, maxval=stdv)
    b1 = jax.random.uniform(ks[4], (D,), dtype=jnp.float32, minval=-stdv, maxval=stdv)
    W2 = jax.random.uniform(ks[5], (D, D), dtype=jnp.float32, minval=-stdv, maxval=stdv)
    b2 = jax.random.uniform(ks[6], (D,), dtype=jnp.float32, minval=-stdv, maxval=stdv)
    W_ih = jax.random.uniform(ks[7], (4 * D, D), dtype=jnp.float32, minval=-stdv, maxval=stdv)
    W_hh = jax.random.uniform(ks[8], (4 * D, D), dtype=jnp.float32, minval=-stdv, maxval=stdv)
    b_ih = jax.random.uniform(ks[9], (4 * D,), dtype=jnp.float32, minval=-stdv, maxval=stdv)
    b_hh = jax.random.uniform(ks[10], (4 * D,), dtype=jnp.float32, minval=-stdv, maxval=stdv)
    return {"feat": feat, "edge_index": edge_index, "in_norm": in_norm,
            "W1": W1, "b1": b1, "W2": W2, "b2": b2,
            "W_ih": W_ih, "W_hh": W_hh, "b_ih": b_ih, "b_hh": b_hh}

def _mailbox_layout(edge_index, n_nodes):
    # Degree-bucketing equivalent: sort edges by dst, rank within group.
    src, dst = edge_index[0], edge_index[1]
    order = jnp.argsort(dst)
    sdst = dst[order]
    ssrc = src[order]
    counts = jnp.bincount(dst, length=n_nodes)
    starts = jnp.concatenate([jnp.zeros((1,), counts.dtype), jnp.cumsum(counts)[:-1]])
    pos = jnp.arange(sdst.shape[0], dtype=counts.dtype) - starts[sdst]
    kmax = counts.max()
    return ssrc, sdst, pos, counts, kmax

def _lstm_reduce(feat, ssrc, sdst, pos, counts, kmax, W_ih, W_hh, b_ih, b_hh):
    n_nodes, d = feat.shape
    msgs = feat[ssrc]  # gather neighbor messages (copy_u)
    h0 = jnp.zeros((n_nodes, d), feat.dtype)
    c0 = jnp.zeros((n_nodes, d), feat.dtype)
    def step(t, carry):
        h, c = carry
        idx = jnp.where(pos == t, sdst, n_nodes)
        x_t = jnp.zeros((n_nodes, d), feat.dtype).at[idx].set(msgs, mode="drop")
        m_t = (t < counts).astype(feat.dtype)[:, None]
        gates = x_t @ W_ih.T + h @ W_hh.T + b_ih + b_hh
        i, f, g, o = jnp.split(gates, 4, axis=-1)
        i = jax.nn.sigmoid(i); f = jax.nn.sigmoid(f)
        g = jnp.tanh(g); o = jax.nn.sigmoid(o)
        c_new = f * c + i * g
        h_new = o * jnp.tanh(c_new)
        h = m_t * h_new + (1.0 - m_t) * h
        c = m_t * c_new + (1.0 - m_t) * c
        return (h, c)
    hT, _ = jax.lax.fori_loop(0, kmax, step, (h0, c0))
    return hT

def reference(feat, edge_index, in_norm, W1, b1, W2, b2, W_ih, W_hh, b_ih, b_hh):
    # Eval-path forward of GraphSAGELayer_lstm (use_pp=False):
    #   ah = LSTM-aggregated neighbor states / in_degrees
    #   out = linear1(feat) + linear2(ah)
    n_nodes = feat.shape[0]
    ssrc, sdst, pos, counts, kmax = _mailbox_layout(edge_index, n_nodes)
    hT = _lstm_reduce(feat, ssrc, sdst, pos, counts, kmax, W_ih, W_hh, b_ih, b_hh)
    degs = jnp.maximum(counts, 1).astype(feat.dtype)[:, None]
    ah = hT / degs
    out = feat @ W1.T + b1 + ah @ W2.T + b2
    return out

if __name__ == "__main__":
    import jax
    _d = setup_inputs()
    print(jax.jit(kernel)(*tuple(_d.values())))

</pallas_src>

<mosaic_0001>
#map = affine_map<(d0, d1) -> (0, 0)>
#map1 = affine_map<(d0, d1) -> (0)>
module attributes {stable_mosaic.version = 14 : i64} {
  func.func @k(%arg0: i32, %arg1: i32, %arg2: memref<10000x128xf32, #tpu.memory_space<hbm>>, %arg3: memref<12288xi32, #tpu.memory_space<hbm>>, %arg4: memref<12288x128xf32, #tpu.memory_space<hbm>>, %arg5: memref<128xi32, #tpu.memory_space<vmem>>, %arg6: memref<128x128xf32, #tpu.memory_space<vmem>>, %arg7: memref<!tpu.dma_semaphore, #tpu.memory_space<semaphore_mem>>) attributes {dimension_semantics = [#tpu.dimension_semantics<core_parallel>, #tpu.dimension_semantics<subcore_parallel>], iteration_bounds = array<i64: 2, 16>, scalar_prefetch = 0 : i64, scratch_operands = 3 : i64, tpu.core_type = #tpu.core_type<sc_vector_subcore>, window_params = [{transform_indices = #map}, {transform_indices = #map1}, {transform_indices = #map}]} {
    %mul3A = arith.constant 2 : i32
    %mul3A_0 = arith.muli %arg1, %mul3A : i32
    %add3A = arith.addi %mul3A_0, %arg0 : i32
    %mul3A_1 = arith.constant 384 : i32
    %mul3A_2 = arith.muli %add3A, %mul3A_1 : i32
    %scan3A = arith.constant 0 : i32
    %scan3A_3 = arith.constant 0 : i32
    %scan3A_4 = arith.constant 3 : i32
    %scan3A_5 = arith.addi %scan3A_3, %scan3A_4 : i32
    %scan3A_6 = arith.constant 1 : i32
    scf.for %scan3A_8 = %scan3A_3 to %scan3A_5 step %scan3A_6  : i32 {
      %mul3A_9 = arith.constant 128 : i32
      %mul3A_10 = arith.muli %scan3A_8, %mul3A_9 : i32
      %add3A_11 = arith.addi %mul3A_2, %mul3A_10 : i32
      "tpu.region"() ({
        %run_scoped3A = tpu.sem_alloc : memref<!tpu.dma_semaphore, #tpu.memory_space<semaphore_mem>>
        %dma_start3A_16 = tpu.memref_slice %arg3[%add3A_11] : memref<12288xi32, #tpu.memory_space<hbm>> -> memref<128xi32, #tpu.memory_space<hbm>>
        %dma_start3A_17 = tpu.memref_slice %arg3[%add3A_11] : memref<12288xi32, #tpu.memory_space<hbm>> -> memref<128xi32, #tpu.memory_space<hbm>>
        tpu.enqueue_dma source(%dma_start3A_17 : memref<128xi32, #tpu.memory_space<hbm>>) target(%arg5 : memref<128xi32, #tpu.memory_space<vmem>>) target_semaphore(%run_scoped3A : memref<!tpu.dma_semaphore, #tpu.memory_space<semaphore_mem>>)
        %dma_wait3A_18 = tpu.memref_slice %arg3[%add3A_11] : memref<12288xi32, #tpu.memory_space<hbm>> -> memref<128xi32, #tpu.memory_space<hbm>>
        %dma_wait3A_19 = tpu.memref_slice %arg3[%add3A_11] : memref<12288xi32, #tpu.memory_space<hbm>> -> memref<128xi32, #tpu.memory_space<hbm>>
        tpu.wait_dma2 semaphore(%run_scoped3A : memref<!tpu.dma_semaphore, #tpu.memory_space<semaphore_mem>>) src(%dma_wait3A_19 : memref<128xi32, #tpu.memory_space<hbm>>) dst(%arg5 : memref<128xi32, #tpu.memory_space<vmem>>)
        tpu.yield
      }) : () -> ()
      %dma_start3A = arith.constant 0 : i32
      %dma_start3A_12 = arith.constant 0 : i32
      %dma_start3A_13 = tpu.memref_slice %arg2[%dma_start3A, %dma_start3A_12] : memref<10000x128xf32, #tpu.memory_space<hbm>> -> memref<10000x128xf32, #tpu.memory_space<hbm>>
      tpu.enqueue_indirect_dma source(%dma_start3A_13 : memref<10000x128xf32, #tpu.memory_space<hbm>>) target(%arg6 : memref<128x128xf32, #tpu.memory_space<vmem>>) offsets(%arg5 : memref<128xi32, #tpu.memory_space<vmem>>) semaphore(%arg7 : memref<!tpu.dma_semaphore, #tpu.memory_space<semaphore_mem>>)
      %dma_wait3A = arith.constant 0 : i32
      %dma_wait3A_14 = arith.constant 0 : i32
      %dma_wait3A_15 = tpu.memref_slice %arg2[%dma_wait3A, %dma_wait3A_14] : memref<10000x128xf32, #tpu.memory_space<hbm>> -> memref<10000x128xf32, #tpu.memory_space<hbm>>
      tpu.wait_indirect_dma semaphore(%arg7 : memref<!tpu.dma_semaphore, #tpu.memory_space<semaphore_mem>>) src(%dma_wait3A_15 : memref<10000x128xf32, #tpu.memory_space<hbm>>) dst(%arg6 : memref<128x128xf32, #tpu.memory_space<vmem>>)
      "tpu.region"() ({
        %run_scoped3A = tpu.sem_alloc : memref<!tpu.dma_semaphore, #tpu.memory_space<semaphore_mem>>
        %dma_start3A_16 = arith.constant 0 : i32
        %dma_start3A_17 = tpu.memref_slice %arg4[%add3A_11, %dma_start3A_16] : memref<12288x128xf32, #tpu.memory_space<hbm>> -> memref<128x128xf32, #tpu.memory_space<hbm>>
        %dma_start3A_18 = arith.constant 0 : i32
        %dma_start3A_19 = tpu.memref_slice %arg4[%add3A_11, %dma_start3A_18] : memref<12288x128xf32, #tpu.memory_space<hbm>> -> memref<128x128xf32, #tpu.memory_space<hbm>>
        tpu.enqueue_dma source(%arg6 : memref<128x128xf32, #tpu.memory_space<vmem>>) target(%dma_start3A_19 : memref<128x128xf32, #tpu.memory_space<hbm>>) target_semaphore(%run_scoped3A : memref<!tpu.dma_semaphore, #tpu.memory_space<semaphore_mem>>)
        %dma_wait3A_20 = arith.constant 0 : i32
        %dma_wait3A_21 = tpu.memref_slice %arg4[%add3A_11, %dma_wait3A_20] : memref<12288x128xf32, #tpu.memory_space<hbm>> -> memref<128x128xf32, #tpu.memory_space<hbm>>
        %dma_wait3A_22 = arith.constant 0 : i32
        %dma_wait3A_23 = tpu.memref_slice %arg4[%add3A_11, %dma_wait3A_22] : memref<12288x128xf32, #tpu.memory_space<hbm>> -> memref<128x128xf32, #tpu.memory_space<hbm>>
        tpu.wait_dma2 semaphore(%run_scoped3A : memref<!tpu.dma_semaphore, #tpu.memory_space<semaphore_mem>>) src(%arg6 : memref<128x128xf32, #tpu.memory_space<vmem>>) dst(%dma_wait3A_23 : memref<128x128xf32, #tpu.memory_space<hbm>>)
        tpu.yield
      }) : () -> ()
    }
    %scan3A_7 = arith.constant 3 : i32
    return
  }
}

#map = affine_map<(d0, d1) -> (0, 0)>
#map1 = affine_map<(d0, d1) -> (0)>
module attributes {stable_mosaic.version = 14 : i64} {
  func.func @k(%arg0: i32, %arg1: i32, %arg2: memref<2560x128xi32, #tpu.memory_space<hbm>>, %arg3: memref<2560x128xi32, #tpu.memory_space<hbm>>, %arg4: memref<10000xi32, #tpu.memory_space<hbm>>, %arg5: memref<10000xi32, #tpu.memory_space<hbm>>, %arg6: memref<2048xi32, #tpu.memory_space<hbm>>, %arg7: memref<10000x128xf32, #tpu.memory_space<hbm>>, %arg8: memref<327680x128xf32, #tpu.memory_space<hbm>>, %arg9: memref<80x128xi32, #tpu.memory_space<vmem>>, %arg10: memref<80x128xi32, #tpu.memory_space<vmem>>, %arg11: memref<80x128xi32, #tpu.memory_space<vmem>>, %arg12: memref<80x128xi32, #tpu.memory_space<vmem>>, %arg13: memref<80x128xi32, #tpu.memory_space<vmem>>, %arg14: memref<2x128x128xf32, #tpu.memory_space<vmem>>, %arg15: memref<!tpu.dma_semaphore, #tpu.memory_space<semaphore_mem>>, %arg16: memref<!tpu.dma_semaphore, #tpu.memory_space<semaphore_mem>>, %arg17: memref<!tpu.dma_semaphore, #tpu.memory_space<semaphore_mem>>, %arg18: memref<!tpu.dma_semaphore, #tpu.memory_space<semaphore_mem>>) attributes {dimension_semantics = [#tpu.dimension_semantics<core_parallel>, #tpu.dimension_semantics<subcore_parallel>], iteration_bounds = array<i64: 2, 16>, scalar_prefetch = 0 : i64, scratch_operands = 10 : i64, tpu.core_type = #tpu.core_type<sc_vector_subcore>, window_params = [{transform_indices = #map}, {transform_indices = #map}, {transform_indices = #map1}, {transform_indices = #map1}, {transform_indices = #map1}, {transform_indices = #map}, {transform_indices = #map}]} {
    %mul3A = arith.constant 2 : i32
    %mul3A_0 = arith.muli %arg1, %mul3A : i32
    %add3A = arith.addi %mul3A_0, %arg0 : i32
    %mul3A_1 = arith.constant 10240 : i32
    %mul3A_2 = arith.muli %add3A, %mul3A_1 : i32
    %mul3A_3 = arith.constant 80 : i32
    %mul3A_4 = arith.muli %add3A, %mul3A_3 : i32
    "tpu.region"() ({
      %run_scoped3A = tpu.sem_alloc : memref<!tpu.dma_semaphore, #tpu.memory_space<semaphore_mem>>
      %dma_start3A_68 = arith.constant 0 : i32
      %dma_start3A_69 = tpu.memref_slice %arg2[%mul3A_4, %dma_start3A_68] : memref<2560x128xi32, #tpu.memory_space<hbm>> -> memref<80x128xi32, #tpu.memory_space<hbm>>
      %dma_start3A_70 = arith.constant 0 : i32
      %dma_start3A_71 = tpu.memref_slice %arg2[%mul3A_4, %dma_start3A_70] : memref<2560x128xi32, #tpu.memory_space<hbm>> -> memref<80x128xi32, #tpu.memory_space<hbm>>
      tpu.enqueue_dma source(%dma_start3A_71 : memref<80x128xi32, #tpu.memory_space<hbm>>) target(%arg9 : memref<80x128xi32, #tpu.memory_space<vmem>>) target_semaphore(%run_scoped3A : memref<!tpu.dma_semaphore, #tpu.memory_space<semaphore_mem>>)
      %dma_wait3A_72 = arith.constant 0 : i32
      %dma_wait3A_73 = tpu.memref_slice %arg2[%mul3A_4, %dma_wait3A_72] : memref<2560x128xi32, #tpu.memory_space<hbm>> -> memref<80x128xi32, #tpu.memory_space<hbm>>
      %dma_wait3A_74 = arith.constant 0 : i32
      %dma_wait3A_75 = tpu.memref_slice %arg2[%mul3A_4, %dma_wait3A_74] : memref<2560x128xi32, #tpu.memory_space<hbm>> -> memref<80x128xi32, #tpu.memory_space<hbm>>
      tpu.wait_dma2 semaphore(%run_scoped3A : memref<!tpu.dma_semaphore, #tpu.memory_space<semaphore_mem>>) src(%dma_wait3A_75 : memref<80x128xi32, #tpu.memory_space<hbm>>) dst(%arg9 : memref<80x128xi32, #tpu.memory_space<vmem>>)
      tpu.yield
    }) : () -> ()
    %mul3A_5 = arith.constant 80 : i32
    %mul3A_6 = arith.muli %add3A, %mul3A_5 : i32
    %dma_start3A = arith.constant 0 : i32
    %dma_start3A_7 = tpu.memref_slice %arg3[%mul3A_6, %dma_start3A] : memref<2560x128xi32, #tpu.memory_space<hbm>> -> memref<80x128xi32, #tpu.memory_space<hbm>>
    %dma_start3A_8 = arith.constant 0 : i32
    %dma_start3A_9 = tpu.memref_slice %arg3[%mul3A_6, %dma_start3A_8] : memref<2560x128xi32, #tpu.memory_space<hbm>> -> memref<80x128xi32, #tpu.memory_space<hbm>>
    tpu.enqueue_dma source(%dma_start3A_9 : memref<80x128xi32, #tpu.memory_space<hbm>>) target(%arg10 : memref<80x128xi32, #tpu.memory_space<vmem>>) target_semaphore(%arg15 : memref<!tpu.dma_semaphore, #tpu.memory_space<semaphore_mem>>)
    %scan3A = arith.constant 0 : i32
    %scan3A_10 = arith.constant 0 : i32
    %scan3A_11 = arith.constant 10 : i32
    %scan3A_12 = arith.addi %scan3A_10, %scan3A_11 : i32
    %scan3A_13 = arith.constant 1 : i32
    scf.for %scan3A_68 = %scan3A_10 to %scan3A_12 step %scan3A_13  : i32 {
      %mul3A_69 = arith.constant 8 : i32
      %mul3A_70 = arith.muli %scan3A_68, %mul3A_69 : i32
      %add3A_71 = arith.constant 0 : i32
      %add3A_72 = arith.addi %mul3A_70, %add3A_71 : i32
      %dma_start3A_73 = arith.constant 0 : i32
      %dma_start3A_74 = tpu.memref_slice %arg11[%add3A_72, %dma_start3A_73] : memref<80x128xi32, #tpu.memory_space<vmem>> -> memref<1x128xi32, #tpu.memory_space<vmem>>
      %dma_start3A_75 = tpu.memref_squeeze %dma_start3A_74 : memref<1x128xi32, #tpu.memory_space<vmem>> -> memref<128xi32, #tpu.memory_space<vmem>>
      %dma_start3A_76 = arith.constant 0 : i32
      %dma_start3A_77 = tpu.memref_slice %arg9[%add3A_72, %dma_start3A_76] : memref<80x128xi32, #tpu.memory_space<vmem>> -> memref<1x128xi32, #tpu.memory_space<vmem>>
      %dma_start3A_78 = tpu.memref_squeeze %dma_start3A_77 : memref<1x128xi32, #tpu.memory_space<vmem>> -> memref<128xi32, #tpu.memory_space<vmem>>
      %dma_start3A_79 = arith.constant 0 : i32
      %dma_start3A_80 = tpu.memref_slice %arg4[%dma_start3A_79] : memref<10000xi32, #tpu.memory_space<hbm>> -> memref<10000xi32, #tpu.memory_space<hbm>>
      tpu.enqueue_indirect_dma source(%dma_start3A_80 : memref<10000xi32, #tpu.memory_space<hbm>>) target(%dma_start3A_75 : memref<128xi32, #tpu.memory_space<vmem>>) offsets(%dma_start3A_78 : memref<128xi32, #tpu.memory_space<vmem>>) semaphore(%arg15 : memref<!tpu.dma_semaphore, #tpu.memory_space<semaphore_mem>>)
      %dma_start3A_81 = arith.constant 0 : i32
      %dma_start3A_82 = tpu.memref_slice %arg12[%add3A_72, %dma_start3A_81] : memref<80x128xi32, #tpu.memory_space<vmem>> -> memref<1x128xi32, #tpu.memory_space<vmem>>
      %dma_start3A_83 = tpu.memref_squeeze %dma_start3A_82 : memref<1x128xi32, #tpu.memory_space<vmem>> -> memref<128xi32, #tpu.memory_space<vmem>>
      %dma_start3A_84 = arith.constant 0 : i32
      %dma_start3A_85 = tpu.memref_slice %arg9[%add3A_72, %dma_start3A_84] : memref<80x128xi32, #tpu.memory_space<vmem>> -> memref<1x128xi32, #tpu.memory_space<vmem>>
      %dma_start3A_86 = tpu.memref_squeeze %dma_start3A_85 : memref<1x128xi32, #tpu.memory_space<vmem>> -> memref<128xi32, #tpu.memory_space<vmem>>
      %dma_start3A_87 = arith.constant 0 : i32
      %dma_start3A_88 = tpu.memref_slice %arg5[%dma_start3A_87] : memref<10000xi32, #tpu.memory_space<hbm>> -> memref<10000xi32, #tpu.memory_space<hbm>>
      tpu.enqueue_indirect_dma source(%dma_start3A_88 : memref<10000xi32, #tpu.memory_space<hbm>>) target(%dma_start3A_83 : memref<128xi32, #tpu.memory_space<vmem>>) offsets(%dma_start3A_86 : memref<128xi32, #tpu.memory_space<vmem>>) semaphore(%arg15 : memref<!tpu.dma_semaphore, #tpu.memory_space<semaphore_mem>>)
      %mul3A_89 = arith.constant 8 : i32
      %mul3A_90 = arith.muli %scan3A_68, %mul3A_89 : i32
      %add3A_91 = arith.constant 1 : i32
      %add3A_92 = arith.addi %mul3A_90, %add3A_91 : i32
      %dma_start3A_93 = arith.constant 0 : i32
      %dma_start3A_94 = tpu.memref_slice %arg11[%add3A_92, %dma_start3A_93] : memref<80x128xi32, #tpu.memory_space<vmem>> -> memref<1x128xi32, #tpu.memory_space<vmem>>
      %dma_start3A_95 = tpu.memref_squeeze %dma_start3A_94 : memref<1x128xi32, #tpu.memory_space<vmem>> -> memref<128xi32, #tpu.memory_space<vmem>>
      %dma_start3A_96 = arith.constant 0 : i32
      %dma_start3A_97 = tpu.memref_slice %arg9[%add3A_92, %dma_start3A_96] : memref<80x128xi32, #tpu.memory_space<vmem>> -> memref<1x128xi32, #tpu.memory_space<vmem>>
      %dma_start3A_98 = tpu.memref_squeeze %dma_start3A_97 : memref<1x128xi32, #tpu.memory_space<vmem>> -> memref<128xi32, #tpu.memory_space<vmem>>
      %dma_start3A_99 = arith.constant 0 : i32
      %dma_start3A_100 = tpu.memref_slice %arg4[%dma_start3A_99] : memref<10000xi32, #tpu.memory_space<hbm>> -> memref<10000xi32, #tpu.memory_space<hbm>>
      tpu.enqueue_indirect_dma source(%dma_start3A_100 : memref<10000xi32, #tpu.memory_space<hbm>>) target(%dma_start3A_95 : memref<128xi32, #tpu.memory_space<vmem>>) offsets(%dma_start3A_98 : memref<128xi32, #tpu.memory_space<vmem>>) semaphore(%arg15 : memref<!tpu.dma_semaphore, #tpu.memory_space<semaphore_mem>>)
      %dma_start3A_101 = arith.constant 0 : i32
      %dma_start3A_102 = tpu.memref_slice %arg12[%add3A_92, %dma_start3A_101] : memref<80x128xi32, #tpu.memory_space<vmem>> -> memref<1x128xi32, #tpu.memory_space<vmem>>
      %dma_start3A_103 = tpu.memref_squeeze %dma_start3A_102 : memref<1x128xi32, #tpu.memory_space<vmem>> -> memref<128xi32, #tpu.memory_space<vmem>>
      %dma_start3A_104 = arith.constant 0 : i32
      %dma_start3A_105 = tpu.memref_slice %arg9[%add3A_92, %dma_start3A_104] : memref<80x128xi32, #tpu.memory_space<vmem>> -> memref<1x128xi32, #tpu.memory_space<vmem>>
      %dma_start3A_106 = tpu.memref_squeeze %dma_start3A_105 : memref<1x128xi32, #tpu.memory_space<vmem>> -> memref<128xi32, #tpu.memory_space<vmem>>
      %dma_start3A_107 = arith.constant 0 : i32
      %dma_start3A_108 = tpu.memref_slice %arg5[%dma_start3A_107] : memref<10000xi32, #tpu.memory_space<hbm>> -> memref<10000xi32, #tpu.memory_space<hbm>>
      tpu.enqueue_indirect_dma source(%dma_start3A_108 : memref<10000xi32, #tpu.memory_space<hbm>>) target(%dma_start3A_103 : memref<128xi32, #tpu.memory_space<vmem>>) offsets(%dma_start3A_106 : memref<128xi32, #tpu.memory_space<vmem>>) semaphore(%arg15 : memref<!tpu.dma_semaphore, #tpu.memory_space<semaphore_mem>>)
      %mul3A_109 = arith.constant 8 : i32
      %mul3A_110 = arith.muli %scan3A_68, %mul3A_109 : i32
      %add3A_111 = arith.constant 2 : i32
      %add3A_112 = arith.addi %mul3A_110, %add3A_111 : i32
      %dma_start3A_113 = arith.constant 0 : i32
      %dma_start3A_114 = tpu.memref_slice %arg11[%add3A_112, %dma_start3A_113] : memref<80x128xi32, #tpu.memory_space<vmem>> -> memref<1x128xi32, #tpu.memory_space<vmem>>
      %dma_start3A_115 = tpu.memref_squeeze %dma_start3A_114 : memref<1x128xi32, #tpu.memory_space<vmem>> -> memref<128xi32, #tpu.memory_space<vmem>>
      %dma_start3A_116 = arith.constant 0 : i32
      %dma_start3A_117 = tpu.memref_slice %arg9[%add3A_112, %dma_start3A_116] : memref<80x128xi32, #tpu.memory_space<vmem>> -> memref<1x128xi32, #tpu.memory_space<vmem>>
      %dma_start3A_118 = tpu.memref_squeeze %dma_start3A_117 : memref<1x128xi32, #tpu.memory_space<vmem>> -> memref<128xi32, #tpu.memory_space<vmem>>
      %dma_start3A_119 = arith.constant 0 : i32
      %dma_start3A_120 = tpu.memref_slice %arg4[%dma_start3A_119] : memref<10000xi32, #tpu.memory_space<hbm>> -> memref<10000xi32, #tpu.memory_space<hbm>>
      tpu.enqueue_indirect_dma source(%dma_start3A_120 : memref<10000xi32, #tpu.memory_space<hbm>>) target(%dma_start3A_115 : memref<128xi32, #tpu.memory_space<vmem>>) offsets(%dma_start3A_118 : memref<128xi32, #tpu.memory_space<vmem>>) semaphore(%arg15 : memref<!tpu.dma_semaphore, #tpu.memory_space<semaphore_mem>>)
      %dma_start3A_121 = arith.constant 0 : i32
      %dma_start3A_122 = tpu.memref_slice %arg12[%add3A_112, %dma_start3A_121] : memref<80x128xi32, #tpu.memory_space<vmem>> -> memref<1x128xi32, #tpu.memory_space<vmem>>
      %dma_start3A_123 = tpu.memref_squeeze %dma_start3A_122 : memref<1x128xi32, #tpu.memory_space<vmem>> -> memref<128xi32, #tpu.memory_space<vmem>>
      %dma_start3A_124 = arith.constant 0 : i32
      %dma_start3A_125 = tpu.memref_slice %arg9[%add3A_112, %dma_start3A_124] : memref<80x128xi32, #tpu.memory_space<vmem>> -> memref<1x128xi32, #tpu.memory_space<vmem>>
      %dma_start3A_126 = tpu.memref_squeeze %dma_start3A_125 : memref<1x128xi32, #tpu.memory_space<vmem>> -> memref<128xi32, #tpu.memory_space<vmem>>
      %dma_start3A_127 = arith.constant 0 : i32
      %dma_start3A_128 = tpu.memref_slice %arg5[%dma_start3A_127] : memref<10000xi32, #tpu.memory_space<hbm>> -> memref<10000xi32, #tpu.memory_space<hbm>>
      tpu.enqueue_indirect_dma source(%dma_start3A_128 : memref<10000xi32, #tpu.memory_space<hbm>>) target(%dma_start3A_123 : memref<128xi32, #tpu.memory_space<vmem>>) offsets(%dma_start3A_126 : memref<128xi32, #tpu.memory_space<vmem>>) semaphore(%arg15 : memref<!tpu.dma_semaphore, #tpu.memory_space<semaphore_mem>>)
      %mul3A_129 = arith.constant 8 : i32
      %mul3A_130 = arith.muli %scan3A_68, %mul3A_129 : i32
      %add3A_131 = arith.constant 3 : i32
      %add3A_132 = arith.addi %mul3A_130, %add3A_131 : i32
      %dma_start3A_133 = arith.constant 0 : i32
      %dma_start3A_134 = tpu.memref_slice %arg11[%add3A_132, %dma_start3A_133] : memref<80x128xi32, #tpu.memory_space<vmem>> -> memref<1x128xi32, #tpu.memory_space<vmem>>
      %dma_start3A_135 = tpu.memref_squeeze %dma_start3A_134 : memref<1x128xi32, #tpu.memory_space<vmem>> -> memref<128xi32, #tpu.memory_space<vmem>>
      %dma_start3A_136 = arith.constant 0 : i32
      %dma_start3A_137 = tpu.memref_slice %arg9[%add3A_132, %dma_start3A_136] : memref<80x128xi32, #tpu.memory_space<vmem>> -> memref<1x128xi32, #tpu.memory_space<vmem>>
      %dma_start3A_138 = tpu.memref_squeeze %dma_start3A_137 : memref<1x128xi32, #tpu.memory_space<vmem>> -> memref<128xi32, #tpu.memory_space<vmem>>
      %dma_start3A_139 = arith.constant 0 : i32
      %dma_start3A_140 = tpu.memref_slice %arg4[%dma_start3A_139] : memref<10000xi32, #tpu.memory_space<hbm>> -> memref<10000xi32, #tpu.memory_space<hbm>>
      tpu.enqueue_indirect_dma source(%dma_start3A_140 : memref<10000xi32, #tpu.memory_space<hbm>>) target(%dma_start3A_135 : memref<128xi32, #tpu.memory_space<vmem>>) offsets(%dma_start3A_138 : memref<128xi32, #tpu.memory_space<vmem>>) semaphore(%arg15 : memref<!tpu.dma_semaphore, #tpu.memory_space<semaphore_mem>>)
      %dma_start3A_141 = arith.constant 0 : i32
      %dma_start3A_142 = tpu.memref_slice %arg12[%add3A_132, %dma_start3A_141] : memref<80x128xi32, #tpu.memory_space<vmem>> -> memref<1x128xi32, #tpu.memory_space<vmem>>
      %dma_start3A_143 = tpu.memref_squeeze %dma_start3A_142 : memref<1x128xi32, #tpu.memory_space<vmem>> -> memref<128xi32, #tpu.memory_space<vmem>>
      %dma_start3A_144 = arith.constant 0 : i32
      %dma_start3A_145 = tpu.memref_slice %arg9[%add3A_132, %dma_start3A_144] : memref<80x128xi32, #tpu.memory_space<vmem>> -> memref<1x128xi32, #tpu.memory_space<vmem>>
      %dma_start3A_146 = tpu.memref_squeeze %dma_start3A_145 : memref<1x128xi32, #tpu.memory_space<vmem>> -> memref<128xi32, #tpu.memory_space<vmem>>
      %dma_start3A_147 = arith.constant 0 : i32
      %dma_start3A_148 = tpu.memref_slice %arg5[%dma_start3A_147] : memref<10000xi32, #tpu.memory_space<hbm>> -> memref<10000xi32, #tpu.memory_space<hbm>>
      tpu.enqueue_indirect_dma source(%dma_start3A_148 : memref<10000xi32, #tpu.memory_space<hbm>>) target(%dma_start3A_143 : memref<128xi32, #tpu.memory_space<vmem>>) offsets(%dma_start3A_146 : memref<128xi32, #tpu.memory_space<vmem>>) semaphore(%arg15 : memref<!tpu.dma_semaphore, #tpu.memory_space<semaphore_mem>>)
      %mul3A_149 = arith.constant 8 : i32
      %mul3A_150 = arith.muli %scan3A_68, %mul3A_149 : i32
      %add3A_151 = arith.constant 4 : i32
      %add3A_152 = arith.addi %mul3A_150, %add3A_151 : i32
      %dma_start3A_153 = arith.constant 0 : i32
      %dma_start3A_154 = tpu.memref_slice %arg11[%add3A_152, %dma_start3A_153] : memref<80x128xi32, #tpu.memory_space<vmem>> -> memref<1x128xi32, #tpu.memory_space<vmem>>
      %dma_start3A_155 = tpu.memref_squeeze %dma_start3A_154 : memref<1x128xi32, #tpu.memory_space<vmem>> -> memref<128xi32, #tpu.memory_space<vmem>>
      %dma_start3A_156 = arith.constant 0 : i32
      %dma_start3A_157 = tpu.memref_slice %arg9[%add3A_152, %dma_start3A_156] : memref<80x128xi32, #tpu.memory_space<vmem>> -> memref<1x128xi32, #tpu.memory_space<vmem>>
      %dma_start3A_158 = tpu.memref_squeeze %dma_start3A_157 : memref<1x128xi32, #tpu.memory_space<vmem>> -> memref<128xi32, #tpu.memory_space<vmem>>
      %dma_start3A_159 = arith.constant 0 : i32
      %dma_start3A_160 = tpu.memref_slice %arg4[%dma_start3A_159] : memref<10000xi32, #tpu.memory_space<hbm>> -> memref<10000xi32, #tpu.memory_space<hbm>>
      tpu.enqueue_indirect_dma source(%dma_start3A_160 : memref<10000xi32, #tpu.memory_space<hbm>>) target(%dma_start3A_155 : memref<128xi32, #tpu.memory_space<vmem>>) offsets(%dma_start3A_158 : memref<128xi32, #tpu.memory_space<vmem>>) semaphore(%arg15 : memref<!tpu.dma_semaphore, #tpu.memory_space<semaphore_mem>>)
      %dma_start3A_161 = arith.constant 0 : i32
      %dma_start3A_162 = tpu.memref_slice %arg12[%add3A_152, %dma_start3A_161] : memref<80x128xi32, #tpu.memory_space<vmem>> -> memref<1x128xi32, #tpu.memory_space<vmem>>
      %dma_start3A_163 = tpu.memref_squeeze %dma_start3A_162 : memref<1x128xi32, #tpu.memory_space<vmem>> -> memref<128xi32, #tpu.memory_space<vmem>>
      %dma_start3A_164 = arith.constant 0 : i32
      %dma_start3A_165 = tpu.memref_slice %arg9[%add3A_152, %dma_start3A_164] : memref<80x128xi32, #tpu.memory_space<vmem>> -> memref<1x128xi32, #tpu.memory_space<vmem>>
      %dma_start3A_166 = tpu.memref_squeeze %dma_start3A_165 : memref<1x128xi32, #tpu.memory_space<vmem>> -> memref<128xi32, #tpu.memory_space<vmem>>
      %dma_start3A_167 = arith.constant 0 : i32
      %dma_start3A_168 = tpu.memref_slice %arg5[%dma_start3A_167] : memref<10000xi32, #tpu.memory_space<hbm>> -> memref<10000xi32, #tpu.memory_space<hbm>>
      tpu.enqueue_indirect_dma source(%dma_start3A_168 : memref<10000xi32, #tpu.memory_space<hbm>>) target(%dma_start3A_163 : memref<128xi32, #tpu.memory_space<vmem>>) offsets(%dma_start3A_166 : memref<128xi32, #tpu.memory_space<vmem>>) semaphore(%arg15 : memref<!tpu.dma_semaphore, #tpu.memory_space<semaphore_mem>>)
      %mul3A_169 = arith.constant 8 : i32
      %mul3A_170 = arith.muli %scan3A_68, %mul3A_169 : i32
      %add3A_171 = arith.constant 5 : i32
      %add3A_172 = arith.addi %mul3A_170, %add3A_171 : i32
      %dma_start3A_173 = arith.constant 0 : i32
      %dma_start3A_174 = tpu.memref_slice %arg11[%add3A_172, %dma_start3A_173] : memref<80x128xi32, #tpu.memory_space<vmem>> -> memref<1x128xi32, #tpu.memory_space<vmem>>
      %dma_start3A_175 = tpu.memref_squeeze %dma_start3A_174 : memref<1x128xi32, #tpu.memory_space<vmem>> -> memref<128xi32, #tpu.memory_space<vmem>>
      %dma_start3A_176 = arith.constant 0 : i32
      %dma_start3A_177 = tpu.memref_slice %arg9[%add3A_172, %dma_start3A_176] : memref<80x128xi32, #tpu.memory_space<vmem>> -> memref<1x128xi32, #tpu.memory_space<vmem>>
      %dma_start3A_178 = tpu.memref_squeeze %dma_start3A_177 : memref<1x128xi32, #tpu.memory_space<vmem>> -> memref<128xi32, #tpu.memory_space<vmem>>
      %dma_start3A_179 = arith.constant 0 : i32
      %dma_start3A_180 = tpu.memref_slice %arg4[%dma_start3A_179] : memref<10000xi32, #tpu.memory_space<hbm>> -> memref<10000xi32, #tpu.memory_space<hbm>>
      tpu.enqueue_indirect_dma source(%dma_start3A_180 : memref<10000xi32, #tpu.memory_space<hbm>>) target(%dma_start3A_175 : memref<128xi32, #tpu.memory_space<vmem>>) offsets(%dma_start3A_178 : memref<128xi32, #tpu.memory_space<vmem>>) semaphore(%arg15 : memref<!tpu.dma_semaphore, #tpu.memory_space<semaphore_mem>>)
      %dma_start3A_181 = arith.constant 0 : i32
      %dma_start3A_182 = tpu.memref_slice %arg12[%add3A_172, %dma_start3A_181] : memref<80x128xi32, #tpu.memory_space<vmem>> -> memref<1x128xi32, #tpu.memory_space<vmem>>
      %dma_start3A_183 = tpu.memref_squeeze %dma_start3A_182 : memref<1x128xi32, #tpu.memory_space<vmem>> -> memref<128xi32, #tpu.memory_space<vmem>>
      %dma_start3A_184 = arith.constant 0 : i32
      %dma_start3A_185 = tpu.memref_slice %arg9[%add3A_172, %dma_start3A_184] : memref<80x128xi32, #tpu.memory_space<vmem>> -> memref<1x128xi32, #tpu.memory_space<vmem>>
      %dma_start3A_186 = tpu.memref_squeeze %dma_start3A_185 : memref<1x128xi32, #tpu.memory_space<vmem>> -> memref<128xi32, #tpu.memory_space<vmem>>
      %dma_start3A_187 = arith.constant 0 : i32
      %dma_start3A_188 = tpu.memref_slice %arg5[%dma_start3A_187] : memref<10000xi32, #tpu.memory_space<hbm>> -> memref<10000xi32, #tpu.memory_space<hbm>>
      tpu.enqueue_indirect_dma source(%dma_start3A_188 : memref<10000xi32, #tpu.memory_space<hbm>>) target(%dma_start3A_183 : memref<128xi32, #tpu.memory_space<vmem>>) offsets(%dma_start3A_186 : memref<128xi32, #tpu.memory_space<vmem>>) semaphore(%arg15 : memref<!tpu.dma_semaphore, #tpu.memory_space<semaphore_mem>>)
      %mul3A_189 = arith.constant 8 : i32
      %mul3A_190 = arith.muli %scan3A_68, %mul3A_189 : i32
      %add3A_191 = arith.constant 6 : i32
      %add3A_192 = arith.addi %mul3A_190, %add3A_191 : i32
      %dma_start3A_193 = arith.constant 0 : i32
      %dma_start3A_194 = tpu.memref_slice %arg11[%add3A_192, %dma_start3A_193] : memref<80x128xi32, #tpu.memory_space<vmem>> -> memref<1x128xi32, #tpu.memory_space<vmem>>
      %dma_start3A_195 = tpu.memref_squeeze %dma_start3A_194 : memref<1x128xi32, #tpu.memory_space<vmem>> -> memref<128xi32, #tpu.memory_space<vmem>>
      %dma_start3A_196 = arith.constant 0 : i32
      %dma_start3A_197 = tpu.memref_slice %arg9[%add3A_192, %dma_start3A_196] : memref<80x128xi32, #tpu.memory_space<vmem>> -> memref<1x128xi32, #tpu.memory_space<vmem>>
      %dma_start3A_198 = tpu.memref_squeeze %dma_start3A_197 : memref<1x128xi32, #tpu.memory_space<vmem>> -> memref<128xi32, #tpu.memory_space<vmem>>
      %dma_start3A_199 = arith.constant 0 : i32
      %dma_start3A_200 = tpu.memref_slice %arg4[%dma_start3A_199] : memref<10000xi32, #tpu.memory_space<hbm>> -> memref<10000xi32, #tpu.memory_space<hbm>>
      tpu.enqueue_indirect_dma source(%dma_start3A_200 : memref<10000xi32, #tpu.memory_space<hbm>>) target(%dma_start3A_195 : memref<128xi32, #tpu.memory_space<vmem>>) offsets(%dma_start3A_198 : memref<128xi32, #tpu.memory_space<vmem>>) semaphore(%arg15 : memref<!tpu.dma_semaphore, #tpu.memory_space<semaphore_mem>>)
      %dma_start3A_201 = arith.constant 0 : i32
      %dma_start3A_202 = tpu.memref_slice %arg12[%add3A_192, %dma_start3A_201] : memref<80x128xi32, #tpu.memory_space<vmem>> -> memref<1x128xi32, #tpu.memory_space<vmem>>
      %dma_start3A_203 = tpu.memref_squeeze %dma_start3A_202 : memref<1x128xi32, #tpu.memory_space<vmem>> -> memref<128xi32, #tpu.memory_space<vmem>>
      %dma_start3A_204 = arith.constant 0 : i32
      %dma_start3A_205 = tpu.memref_slice %arg9[%add3A_192, %dma_start3A_204] : memref<80x128xi32, #tpu.memory_space<vmem>> -> memref<1x128xi32, #tpu.memory_space<vmem>>
      %dma_start3A_206 = tpu.memref_squeeze %dma_start3A_205 : memref<1x128xi32, #tpu.memory_space<vmem>> -> memref<128xi32, #tpu.memory_space<vmem>>
      %dma_start3A_207 = arith.constant 0 : i32
      %dma_start3A_208 = tpu.memref_slice %arg5[%dma_start3A_207] : memref<10000xi32, #tpu.memory_space<hbm>> -> memref<10000xi32, #tpu.memory_space<hbm>>
      tpu.enqueue_indirect_dma source(%dma_start3A_208 : memref<10000xi32, #tpu.memory_space<hbm>>) target(%dma_start3A_203 : memref<128xi32, #tpu.memory_space<vmem>>) offsets(%dma_start3A_206 : memref<128xi32, #tpu.memory_space<vmem>>) semaphore(%arg15 : memref<!tpu.dma_semaphore, #tpu.memory_space<semaphore_mem>>)
      %mul3A_209 = arith.constant 8 : i32
      %mul3A_210 = arith.muli %scan3A_68, %mul3A_209 : i32
      %add3A_211 = arith.constant 7 : i32
      %add3A_212 = arith.addi %mul3A_210, %add3A_211 : i32
      %dma_start3A_213 = arith.constant 0 : i32
      %dma_start3A_214 = tpu.memref_slice %arg11[%add3A_212, %dma_start3A_213] : memref<80x128xi32, #tpu.memory_space<vmem>> -> memref<1x128xi32, #tpu.memory_space<vmem>>
      %dma_start3A_215 = tpu.memref_squeeze %dma_start3A_214 : memref<1x128xi32, #tpu.memory_space<vmem>> -> memref<128xi32, #tpu.memory_space<vmem>>
      %dma_start3A_216 = arith.constant 0 : i32
      %dma_start3A_217 = tpu.memref_slice %arg9[%add3A_212, %dma_start3A_216] : memref<80x128xi32, #tpu.memory_space<vmem>> -> memref<1x128xi32, #tpu.memory_space<vmem>>
      %dma_start3A_218 = tpu.memref_squeeze %dma_start3A_217 : memref<1x128xi32, #tpu.memory_space<vmem>> -> memref<128xi32, #tpu.memory_space<vmem>>
      %dma_start3A_219 = arith.constant 0 : i32
      %dma_start3A_220 = tpu.memref_slice %arg4[%dma_start3A_219] : memref<10000xi32, #tpu.memory_space<hbm>> -> memref<10000xi32, #tpu.memory_space<hbm>>
      tpu.enqueue_indirect_dma source(%dma_start3A_220 : memref<10000xi32, #tpu.memory_space<hbm>>) target(%dma_start3A_215 : memref<128xi32, #tpu.memory_space<vmem>>) offsets(%dma_start3A_218 : memref<128xi32, #tpu.memory_space<vmem>>) semaphore(%arg15 : memref<!tpu.dma_semaphore, #tpu.memory_space<semaphore_mem>>)
      %dma_start3A_221 = arith.constant 0 : i32
      %dma_start3A_222 = tpu.memref_slice %arg12[%add3A_212, %dma_start3A_221] : memref<80x128xi32, #tpu.memory_space<vmem>> -> memref<1x128xi32, #tpu.memory_space<vmem>>
      %dma_start3A_223 = tpu.memref_squeeze %dma_start3A_222 : memref<1x128xi32, #tpu.memory_space<vmem>> -> memref<128xi32, #tpu.memory_space<vmem>>
      %dma_start3A_224 = arith.constant 0 : i32
      %dma_start3A_225 = tpu.memref_slice %arg9[%add3A_212, %dma_start3A_224] : memref<80x128xi32, #tpu.memory_space<vmem>> -> memref<1x128xi32, #tpu.memory_space<vmem>>
      %dma_start3A_226 = tpu.memref_squeeze %dma_start3A_225 : memref<1x128xi32, #tpu.memory_space<vmem>> -> memref<128xi32, #tpu.memory_space<vmem>>
      %dma_start3A_227 = arith.constant 0 : i32
      %dma_start3A_228 = tpu.memref_slice %arg5[%dma_start3A_227] : memref<10000xi32, #tpu.memory_space<hbm>> -> memref<10000xi32, #tpu.memory_space<hbm>>
      tpu.enqueue_indirect_dma source(%dma_start3A_228 : memref<10000xi32, #tpu.memory_space<hbm>>) target(%dma_start3A_223 : memref<128xi32, #tpu.memory_space<vmem>>) offsets(%dma_start3A_226 : memref<128xi32, #tpu.memory_space<vmem>>) semaphore(%arg15 : memref<!tpu.dma_semaphore, #tpu.memory_space<semaphore_mem>>)
      %mul3A_229 = arith.constant 8 : i32
      %mul3A_230 = arith.muli %scan3A_68, %mul3A_229 : i32
      %add3A_231 = arith.constant 0 : i32
      %add3A_232 = arith.addi %mul3A_230, %add3A_231 : i32
      %dma_wait3A_233 = arith.constant 0 : i32
      %dma_wait3A_234 = tpu.memref_slice %arg11[%add3A_232, %dma_wait3A_233] : memref<80x128xi32, #tpu.memory_space<vmem>> -> memref<1x128xi32, #tpu.memory_space<vmem>>
      %dma_wait3A_235 = tpu.memref_squeeze %dma_wait3A_234 : memref<1x128xi32, #tpu.memory_space<vmem>> -> memref<128xi32, #tpu.memory_space<vmem>>
      %dma_wait3A_236 = arith.constant 0 : i32
      %dma_wait3A_237 = tpu.memref_slice %arg9[%add3A_232, %dma_wait3A_236] : memref<80x128xi32, #tpu.memory_space<vmem>> -> memref<1x128xi32, #tpu.memory_space<vmem>>
      %dma_wait3A_238 = tpu.memref_squeeze %dma_wait3A_237 : memref<1x128xi32, #tpu.memory_space<vmem>> -> memref<128xi32, #tpu.memory_space<vmem>>
      %dma_wait3A_239 = arith.constant 0 : i32
      %dma_wait3A_240 = tpu.memref_slice %arg4[%dma_wait3A_239] : memref<10000xi32, #tpu.memory_space<hbm>> -> memref<10000xi32, #tpu.memory_space<hbm>>
      tpu.wait_indirect_dma semaphore(%arg15 : memref<!tpu.dma_semaphore, #tpu.memory_space<semaphore_mem>>) src(%dma_wait3A_240 : memref<10000xi32, #tpu.memory_space<hbm>>) dst(%dma_wait3A_235 : memref<128xi32, #tpu.memory_space<vmem>>)
      %dma_wait3A_241 = arith.constant 0 : i32
      %dma_wait3A_242 = tpu.memref_slice %arg12[%add3A_232, %dma_wait3A_241] : memref<80x128xi32, #tpu.memory_space<vmem>> -> memref<1x128xi32, #tpu.memory_space<vmem>>
      %dma_wait3A_243 = tpu.memref_squeeze %dma_wait3A_242 : memref<1x128xi32, #tpu.memory_space<vmem>> -> memref<128xi32, #tpu.memory_space<vmem>>
      %dma_wait3A_244 = arith.constant 0 : i32
      %dma_wait3A_245 = tpu.memref_slice %arg9[%add3A_232, %dma_wait3A_244] : memref<80x128xi32, #tpu.memory_space<vmem>> -> memref<1x128xi32, #tpu.memory_space<vmem>>
      %dma_wait3A_246 = tpu.memref_squeeze %dma_wait3A_245 : memref<1x128xi32, #tpu.memory_space<vmem>> -> memref<128xi32, #tpu.memory_space<vmem>>
      %dma_wait3A_247 = arith.constant 0 : i32
      %dma_wait3A_248 = tpu.memref_slice %arg5[%dma_wait3A_247] : memref<10000xi32, #tpu.memory_space<hbm>> -> memref<10000xi32, #tpu.memory_space<hbm>>
      tpu.wait_indirect_dma semaphore(%arg15 : memref<!tpu.dma_semaphore, #tpu.memory_space<semaphore_mem>>) src(%dma_wait3A_248 : memref<10000xi32, #tpu.memory_space<hbm>>) dst(%dma_wait3A_243 : memref<128xi32, #tpu.memory_space<vmem>>)
      %mul3A_249 = arith.constant 8 : i32
      %mul3A_250 = arith.muli %scan3A_68, %mul3A_249 : i32
      %add3A_251 = arith.constant 1 : i32
      %add3A_252 = arith.addi %mul3A_250, %add3A_251 : i32
      %dma_wait3A_253 = arith.constant 0 : i32
      %dma_wait3A_254 = tpu.memref_slice %arg11[%add3A_252, %dma_wait3A_253] : memref<80x128xi32, #tpu.memory_space<vmem>> -> memref<1x128xi32, #tpu.memory_space<vmem>>
      %dma_wait3A_255 = tpu.memref_squeeze %dma_wait3A_254 : memref<1x128xi32, #tpu.memory_space<vmem>> -> memref<128xi32, #tpu.memory_space<vmem>>
      %dma_wait3A_256 = arith.constant 0 : i32
      %dma_wait3A_257 = tpu.memref_slice %arg9[%add3A_252, %dma_wait3A_256] : memref<80x128xi32, #tpu.memory_space<vmem>> -> memref<1x128xi32, #tpu.memory_space<vmem>>
      %dma_wait3A_258 = tpu.memref_squeeze %dma_wait3A_257 : memref<1x128xi32, #tpu.memory_space<vmem>> -> memref<128xi32, #tpu.memory_space<vmem>>
      %dma_wait3A_259 = arith.constant 0 : i32
      %dma_wait3A_260 = tpu.memref_slice %arg4[%dma_wait3A_259] : memref<10000xi32, #tpu.memory_space<hbm>> -> memref<10000xi32, #tpu.memory_space<hbm>>
      tpu.wait_indirect_dma semaphore(%arg15 : memref<!tpu.dma_semaphore, #tpu.memory_space<semaphore_mem>>) src(%dma_wait3A_260 : memref<10000xi32, #tpu.memory_space<hbm>>) dst(%dma_wait3A_255 : memref<128xi32, #tpu.memory_space<vmem>>)
      %dma_wait3A_261 = arith.constant 0 : i32
      %dma_wait3A_262 = tpu.memref_slice %arg12[%add3A_252, %dma_wait3A_261] : memref<80x128xi32, #tpu.memory_space<vmem>> -> memref<1x128xi32, #tpu.memory_space<vmem>>
      %dma_wait3A_263 = tpu.memref_squeeze %dma_wait3A_262 : memref<1x128xi32, #tpu.memory_space<vmem>> -> memref<128xi32, #tpu.memory_space<vmem>>
      %dma_wait3A_264 = arith.constant 0 : i32
      %dma_wait3A_265 = tpu.memref_slice %arg9[%add3A_252, %dma_wait3A_264] : memref<80x128xi32, #tpu.memory_space<vmem>> -> memref<1x128xi32, #tpu.memory_space<vmem>>
      %dma_wait3A_266 = tpu.memref_squeeze %dma_wait3A_265 : memref<1x128xi32, #tpu.memory_space<vmem>> -> memref<128xi32, #tpu.memory_space<vmem>>
      %dma_wait3A_267 = arith.constant 0 : i32
      %dma_wait3A_268 = tpu.memref_slice %arg5[%dma_wait3A_267] : memref<10000xi32, #tpu.memory_space<hbm>> -> memref<10000xi32, #tpu.memory_space<hbm>>
      tpu.wait_indirect_dma semaphore(%arg15 : memref<!tpu.dma_semaphore, #tpu.memory_space<semaphore_mem>>) src(%dma_wait3A_268 : memref<10000xi32, #tpu.memory_space<hbm>>) dst(%dma_wait3A_263 : memref<128xi32, #tpu.memory_space<vmem>>)
      %mul3A_269 = arith.constant 8 : i32
      %mul3A_270 = arith.muli %scan3A_68, %mul3A_269 : i32
      %add3A_271 = arith.constant 2 : i32
      %add3A_272 = arith.addi %mul3A_270, %add3A_271 : i32
      %dma_wait3A_273 = arith.constant 0 : i32
      %dma_wait3A_274 = tpu.memref_slice %arg11[%add3A_272, %dma_wait3A_273] : memref<80x128xi32, #tpu.memory_space<vmem>> -> memref<1x128xi32, #tpu.memory_space<vmem>>
      %dma_wait3A_275 = tpu.memref_squeeze %dma_wait3A_274 : memref<1x128xi32, #tpu.memory_space<vmem>> -> memref<128xi32, #tpu.memory_space<vmem>>
      %dma_wait3A_276 = arith.constant 0 : i32
      %dma_wait3A_277 = tpu.memref_slice %arg9[%add3A_272, %dma_wait3A_276] : memref<80x128xi32, #tpu.memory_space<vmem>> -> memref<1x128xi32, #tpu.memory_space<vmem>>
      %dma_wait3A_278 = tpu.memref_squeeze %dma_wait3A_277 : memref<1x128xi32, #tpu.memory_space<vmem>> -> memref<128xi32, #tpu.memory_space<vmem>>
      %dma_wait3A_279 = arith.constant 0 : i32
      %dma_wait3A_280 = tpu.memref_slice %arg4[%dma_wait3A_279] : memref<10000xi32, #tpu.memory_space<hbm>> -> memref<10000xi32, #tpu.memory_space<hbm>>
      tpu.wait_indirect_dma semaphore(%arg15 : memref<!tpu.dma_semaphore, #tpu.memory_space<semaphore_mem>>) src(%dma_wait3A_280 : memref<10000xi32, #tpu.memory_space<hbm>>) dst(%dma_wait3A_275 : memref<128xi32, #tpu.memory_space<vmem>>)
      %dma_wait3A_281 = arith.constant 0 : i32
      %dma_wait3A_282 = tpu.memref_slice %arg12[%add3A_272, %dma_wait3A_281] : memref<80x128xi32, #tpu.memory_space<vmem>> -> memref<1x128xi32, #tpu.memory_space<vmem>>
      %dma_wait3A_283 = tpu.memref_squeeze %dma_wait3A_282 : memref<1x128xi32, #tpu.memory_space<vmem>> -> memref<128xi32, #tpu.memory_space<vmem>>
      %dma_wait3A_284 = arith.constant 0 : i32
      %dma_wait3A_285 = tpu.memref_slice %arg9[%add3A_272, %dma_wait3A_284] : memref<80x128xi32, #tpu.memory_space<vmem>> -> memref<1x128xi32, #tpu.memory_space<vmem>>
      %dma_wait3A_286 = tpu.memref_squeeze %dma_wait3A_285 : memref<1x128xi32, #tpu.memory_space<vmem>> -> memref<128xi32, #tpu.memory_space<vmem>>
      %dma_wait3A_287 = arith.constant 0 : i32
      %dma_wait3A_288 = tpu.memref_slice %arg5[%dma_wait3A_287] : memref<10000xi32, #tpu.memory_space<hbm>> -> memref<10000xi32, #tpu.memory_space<hbm>>
      tpu.wait_indirect_dma semaphore(%arg15 : memref<!tpu.dma_semaphore, #tpu.memory_space<semaphore_mem>>) src(%dma_wait3A_288 : memref<10000xi32, #tpu.memory_space<hbm>>) dst(%dma_wait3A_283 : memref<128xi32, #tpu.memory_space<vmem>>)
      %mul3A_289 = arith.constant 8 : i32
      %mul3A_290 = arith.muli %scan3A_68, %mul3A_289 : i32
      %add3A_291 = arith.constant 3 : i32
      %add3A_292 = arith.addi %mul3A_290, %add3A_291 : i32
      %dma_wait3A_293 = arith.constant 0 : i32
      %dma_wait3A_294 = tpu.memref_slice %arg11[%add3A_292, %dma_wait3A_293] : memref<80x128xi32, #tpu.memory_space<vmem>> -> memref<1x128xi32, #tpu.memory_space<vmem>>
      %dma_wait3A_295 = tpu.memref_squeeze %dma_wait3A_294 : memref<1x128xi32, #tpu.memory_space<vmem>> -> memref<128xi32, #tpu.memory_space<vmem>>
      %dma_wait3A_296 = arith.constant 0 : i32
      %dma_wait3A_297 = tpu.memref_slice %arg9[%add3A_292, %dma_wait3A_296] : memref<80x128xi32, #tpu.memory_space<vmem>> -> memref<1x128xi32, #tpu.memory_space<vmem>>
      %dma_wait3A_298 = tpu.memref_squeeze %dma_wait3A_297 : memref<1x128xi32, #tpu.memory_space<vmem>> -> memref<128xi32, #tpu.memory_space<vmem>>
      %dma_wait3A_299 = arith.constant 0 : i32
      %dma_wait3A_300 = tpu.memref_slice %arg4[%dma_wait3A_299] : memref<10000xi32, #tpu.memory_space<hbm>> -> memref<10000xi32, #tpu.memory_space<hbm>>
      tpu.wait_indirect_dma semaphore(%arg15 : memref<!tpu.dma_semaphore, #tpu.memory_space<semaphore_mem>>) src(%dma_wait3A_300 : memref<10000xi32, #tpu.memory_space<hbm>>) dst(%dma_wait3A_295 : memref<128xi32, #tpu.memory_space<vmem>>)
      %dma_wait3A_301 = arith.constant 0 : i32
      %dma_wait3A_302 = tpu.memref_slice %arg12[%add3A_292, %dma_wait3A_301] : memref<80x128xi32, #tpu.memory_space<vmem>> -> memref<1x128xi32, #tpu.memory_space<vmem>>
      %dma_wait3A_303 = tpu.memref_squeeze %dma_wait3A_302 : memref<1x128xi32, #tpu.memory_space<vmem>> -> memref<128xi32, #tpu.memory_space<vmem>>
      %dma_wait3A_304 = arith.constant 0 : i32
      %dma_wait3A_305 = tpu.memref_slice %arg9[%add3A_292, %dma_wait3A_304] : memref<80x128xi32, #tpu.memory_space<vmem>> -> memref<1x128xi32, #tpu.memory_space<vmem>>
      %dma_wait3A_306 = tpu.memref_squeeze %dma_wait3A_305 : memref<1x128xi32, #tpu.memory_space<vmem>> -> memref<128xi32, #tpu.memory_space<vmem>>
      %dma_wait3A_307 = arith.constant 0 : i32
      %dma_wait3A_308 = tpu.memref_slice %arg5[%dma_wait3A_307] : memref<10000xi32, #tpu.memory_space<hbm>> -> memref<10000xi32, #tpu.memory_space<hbm>>
      tpu.wait_indirect_dma semaphore(%arg15 : memref<!tpu.dma_semaphore, #tpu.memory_space<semaphore_mem>>) src(%dma_wait3A_308 : memref<10000xi32, #tpu.memory_space<hbm>>) dst(%dma_wait3A_303 : memref<128xi32, #tpu.memory_space<vmem>>)
      %mul3A_309 = arith.constant 8 : i32
      %mul3A_310 = arith.muli %scan3A_68, %mul3A_309 : i32
      %add3A_311 = arith.constant 4 : i32
      %add3A_312 = arith.addi %mul3A_310, %add3A_311 : i32
      %dma_wait3A_313 = arith.constant 0 : i32
      %dma_wait3A_314 = tpu.memref_slice %arg11[%add3A_312, %dma_wait3A_313] : memref<80x128xi32, #tpu.memory_space<vmem>> -> memref<1x128xi32, #tpu.memory_space<vmem>>
      %dma_wait3A_315 = tpu.memref_squeeze %dma_wait3A_314 : memref<1x128xi32, #tpu.memory_space<vmem>> -> memref<128xi32, #tpu.memory_space<vmem>>
      %dma_wait3A_316 = arith.constant 0 : i32
      %dma_wait3A_317 = tpu.memref_slice %arg9[%add3A_312, %dma_wait3A_316] : memref<80x128xi32, #tpu.memory_space<vmem>> -> memref<1x128xi32, #tpu.memory_space<vmem>>
      %dma_wait3A_318 = tpu.memref_squeeze %dma_wait3A_317 : memref<1x128xi32, #tpu.memory_space<vmem>> -> memref<128xi32, #tpu.memory_space<vmem>>
      %dma_wait3A_319 = arith.constant 0 : i32
      %dma_wait3A_320 = tpu.memref_slice %arg4[%dma_wait3A_319] : memref<10000xi32, #tpu.memory_space<hbm>> -> memref<10000xi32, #tpu.memory_space<hbm>>
      tpu.wait_indirect_dma semaphore(%arg15 : memref<!tpu.dma_semaphore, #tpu.memory_space<semaphore_mem>>) src(%dma_wait3A_320 : memref<10000xi32, #tpu.memory_space<hbm>>) dst(%dma_wait3A_315 : memref<128xi32, #tpu.memory_space<vmem>>)
      %dma_wait3A_321 = arith.constant 0 : i32
      %dma_wait3A_322 = tpu.memref_slice %arg12[%add3A_312, %dma_wait3A_321] : memref<80x128xi32, #tpu.memory_space<vmem>> -> memref<1x128xi32, #tpu.memory_space<vmem>>
      %dma_wait3A_323 = tpu.memref_squeeze %dma_wait3A_322 : memref<1x128xi32, #tpu.memory_space<vmem>> -> memref<128xi32, #tpu.memory_space<vmem>>
      %dma_wait3A_324 = arith.constant 0 : i32
      %dma_wait3A_325 = tpu.memref_slice %arg9[%add3A_312, %dma_wait3A_324] : memref<80x128xi32, #tpu.memory_space<vmem>> -> memref<1x128xi32, #tpu.memory_space<vmem>>
      %dma_wait3A_326 = tpu.memref_squeeze %dma_wait3A_325 : memref<1x128xi32, #tpu.memory_space<vmem>> -> memref<128xi32, #tpu.memory_space<vmem>>
      %dma_wait3A_327 = arith.constant 0 : i32
      %dma_wait3A_328 = tpu.memref_slice %arg5[%dma_wait3A_327] : memref<10000xi32, #tpu.memory_space<hbm>> -> memref<10000xi32, #tpu.memory_space<hbm>>
      tpu.wait_indirect_dma semaphore(%arg15 : memref<!tpu.dma_semaphore, #tpu.memory_space<semaphore_mem>>) src(%dma_wait3A_328 : memref<10000xi32, #tpu.memory_space<hbm>>) dst(%dma_wait3A_323 : memref<128xi32, #tpu.memory_space<vmem>>)
      %mul3A_329 = arith.constant 8 : i32
      %mul3A_330 = arith.muli %scan3A_68, %mul3A_329 : i32
      %add3A_331 = arith.constant 5 : i32
      %add3A_332 = arith.addi %mul3A_330, %add3A_331 : i32
      %dma_wait3A_333 = arith.constant 0 : i32
      %dma_wait3A_334 = tpu.memref_slice %arg11[%add3A_332, %dma_wait3A_333] : memref<80x128xi32, #tpu.memory_space<vmem>> -> memref<1x128xi32, #tpu.memory_space<vmem>>
      %dma_wait3A_335 = tpu.memref_squeeze %dma_wait3A_334 : memref<1x128xi32, #tpu.memory_space<vmem>> -> memref<128xi32, #tpu.memory_space<vmem>>
      %dma_wait3A_336 = arith.constant 0 : i32
      %dma_wait3A_337 = tpu.memref_slice %arg9[%add3A_332, %dma_wait3A_336] : memref<80x128xi32, #tpu.memory_space<vmem>> -> memref<1x128xi32, #tpu.memory_space<vmem>>
      %dma_wait3A_338 = tpu.memref_squeeze %dma_wait3A_337 : memref<1x128xi32, #tpu.memory_space<vmem>> -> memref<128xi32, #tpu.memory_space<vmem>>
      %dma_wait3A_339 = arith.constant 0 : i32
      %dma_wait3A_340 = tpu.memref_slice %arg4[%dma_wait3A_339] : memref<10000xi32, #tpu.memory_space<hbm>> -> memref<10000xi32, #tpu.memory_space<hbm>>
      tpu.wait_indirect_dma semaphore(%arg15 : memref<!tpu.dma_semaphore, #tpu.memory_space<semaphore_mem>>) src(%dma_wait3A_340 : memref<10000xi32, #tpu.memory_space<hbm>>) dst(%dma_wait3A_335 : memref<128xi32, #tpu.memory_space<vmem>>)
      %dma_wait3A_341 = arith.constant 0 : i32
      %dma_wait3A_342 = tpu.memref_slice %arg12[%add3A_332, %dma_wait3A_341] : memref<80x128xi32, #tpu.memory_space<vmem>> -> memref<1x128xi32, #tpu.memory_space<vmem>>
      %dma_wait3A_343 = tpu.memref_squeeze %dma_wait3A_342 : memref<1x128xi32, #tpu.memory_space<vmem>> -> memref<128xi32, #tpu.memory_space<vmem>>
      %dma_wait3A_344 = arith.constant 0 : i32
      %dma_wait3A_345 = tpu.memref_slice %arg9[%add3A_332, %dma_wait3A_344] : memref<80x128xi32, #tpu.memory_space<vmem>> -> memref<1x128xi32, #tpu.memory_space<vmem>>
      %dma_wait3A_346 = tpu.memref_squeeze %dma_wait3A_345 : memref<1x128xi32, #tpu.memory_space<vmem>> -> memref<128xi32, #tpu.memory_space<vmem>>
      %dma_wait3A_347 = arith.constant 0 : i32
      %dma_wait3A_348 = tpu.memref_slice %arg5[%dma_wait3A_347] : memref<10000xi32, #tpu.memory_space<hbm>> -> memref<10000xi32, #tpu.memory_space<hbm>>
      tpu.wait_indirect_dma semaphore(%arg15 : memref<!tpu.dma_semaphore, #tpu.memory_space<semaphore_mem>>) src(%dma_wait3A_348 : memref<10000xi32, #tpu.memory_space<hbm>>) dst(%dma_wait3A_343 : memref<128xi32, #tpu.memory_space<vmem>>)
      %mul3A_349 = arith.constant 8 : i32
      %mul3A_350 = arith.muli %scan3A_68, %mul3A_349 : i32
      %add3A_351 = arith.constant 6 : i32
      %add3A_352 = arith.addi %mul3A_350, %add3A_351 : i32
      %dma_wait3A_353 = arith.constant 0 : i32
      %dma_wait3A_354 = tpu.memref_slice %arg11[%add3A_352, %dma_wait3A_353] : memref<80x128xi32, #tpu.memory_space<vmem>> -> memref<1x128xi32, #tpu.memory_space<vmem>>
      %dma_wait3A_355 = tpu.memref_squeeze %dma_wait3A_354 : memref<1x128xi32, #tpu.memory_space<vmem>> -> memref<128xi32, #tpu.memory_space<vmem>>
      %dma_wait3A_356 = arith.constant 0 : i32
      %dma_wait3A_357 = tpu.memref_slice %arg9[%add3A_352, %dma_wait3A_356] : memref<80x128xi32, #tpu.memory_space<vmem>> -> memref<1x128xi32, #tpu.memory_space<vmem>>
      %dma_wait3A_358 = tpu.memref_squeeze %dma_wait3A_357 : memref<1x128xi32, #tpu.memory_space<vmem>> -> memref<128xi32, #tpu.memory_space<vmem>>
      %dma_wait3A_359 = arith.constant 0 : i32
      %dma_wait3A_360 = tpu.memref_slice %arg4[%dma_wait3A_359] : memref<10000xi32, #tpu.memory_space<hbm>> -> memref<10000xi32, #tpu.memory_space<hbm>>
      tpu.wait_indirect_dma semaphore(%arg15 : memref<!tpu.dma_semaphore, #tpu.memory_space<semaphore_mem>>) src(%dma_wait3A_360 : memref<10000xi32, #tpu.memory_space<hbm>>) dst(%dma_wait3A_355 : memref<128xi32, #tpu.memory_space<vmem>>)
      %dma_wait3A_361 = arith.constant 0 : i32
      %dma_wait3A_362 = tpu.memref_slice %arg12[%add3A_352, %dma_wait3A_361] : memref<80x128xi32, #tpu.memory_space<vmem>> -> memref<1x128xi32, #tpu.memory_space<vmem>>
      %dma_wait3A_363 = tpu.memref_squeeze %dma_wait3A_362 : memref<1x128xi32, #tpu.memory_space<vmem>> -> memref<128xi32, #tpu.memory_space<vmem>>
      %dma_wait3A_364 = arith.constant 0 : i32
      %dma_wait3A_365 = tpu.memref_slice %arg9[%add3A_352, %dma_wait3A_364] : memref<80x128xi32, #tpu.memory_space<vmem>> -> memref<1x128xi32, #tpu.memory_space<vmem>>
      %dma_wait3A_366 = tpu.memref_squeeze %dma_wait3A_365 : memref<1x128xi32, #tpu.memory_space<vmem>> -> memref<128xi32, #tpu.memory_space<vmem>>
      %dma_wait3A_367 = arith.constant 0 : i32
      %dma_wait3A_368 = tpu.memref_slice %arg5[%dma_wait3A_367] : memref<10000xi32, #tpu.memory_space<hbm>> -> memref<10000xi32, #tpu.memory_space<hbm>>
      tpu.wait_indirect_dma semaphore(%arg15 : memref<!tpu.dma_semaphore, #tpu.memory_space<semaphore_mem>>) src(%dma_wait3A_368 : memref<10000xi32, #tpu.memory_space<hbm>>) dst(%dma_wait3A_363 : memref<128xi32, #tpu.memory_space<vmem>>)
      %mul3A_369 = arith.constant 8 : i32
      %mul3A_370 = arith.muli %scan3A_68, %mul3A_369 : i32
      %add3A_371 = arith.constant 7 : i32
      %add3A_372 = arith.addi %mul3A_370, %add3A_371 : i32
      %dma_wait3A_373 = arith.constant 0 : i32
      %dma_wait3A_374 = tpu.memref_slice %arg11[%add3A_372, %dma_wait3A_373] : memref<80x128xi32, #tpu.memory_space<vmem>> -> memref<1x128xi32, #tpu.memory_space<vmem>>
      %dma_wait3A_375 = tpu.memref_squeeze %dma_wait3A_374 : memref<1x128xi32, #tpu.memory_space<vmem>> -> memref<128xi32, #tpu.memory_space<vmem>>
      %dma_wait3A_376 = arith.constant 0 : i32
      %dma_wait3A_377 = tpu.memref_slice %arg9[%add3A_372, %dma_wait3A_376] : memref<80x128xi32, #tpu.memory_space<vmem>> -> memref<1x128xi32, #tpu.memory_space<vmem>>
      %dma_wait3A_378 = tpu.memref_squeeze %dma_wait3A_377 : memref<1x128xi32, #tpu.memory_space<vmem>> -> memref<128xi32, #tpu.memory_space<vmem>>
      %dma_wait3A_379 = arith.constant 0 : i32
      %dma_wait3A_380 = tpu.memref_slice %arg4[%dma_wait3A_379] : memref<10000xi32, #tpu.memory_space<hbm>> -> memref<10000xi32, #tpu.memory_space<hbm>>
      tpu.wait_indirect_dma semaphore(%arg15 : memref<!tpu.dma_semaphore, #tpu.memory_space<semaphore_mem>>) src(%dma_wait3A_380 : memref<10000xi32, #tpu.memory_space<hbm>>) dst(%dma_wait3A_375 : memref<128xi32, #tpu.memory_space<vmem>>)
      %dma_wait3A_381 = arith.constant 0 : i32
      %dma_wait3A_382 = tpu.memref_slice %arg12[%add3A_372, %dma_wait3A_381] : memref<80x128xi32, #tpu.memory_space<vmem>> -> memref<1x128xi32, #tpu.memory_space<vmem>>
      %dma_wait3A_383 = tpu.memref_squeeze %dma_wait3A_382 : memref<1x128xi32, #tpu.memory_space<vmem>> -> memref<128xi32, #tpu.memory_space<vmem>>
      %dma_wait3A_384 = arith.constant 0 : i32
      %dma_wait3A_385 = tpu.memref_slice %arg9[%add3A_372, %dma_wait3A_384] : memref<80x128xi32, #tpu.memory_space<vmem>> -> memref<1x128xi32, #tpu.memory_space<vmem>>
      %dma_wait3A_386 = tpu.memref_squeeze %dma_wait3A_385 : memref<1x128xi32, #tpu.memory_space<vmem>> -> memref<128xi32, #tpu.memory_space<vmem>>
      %dma_wait3A_387 = arith.constant 0 : i32
      %dma_wait3A_388 = tpu.memref_slice %arg5[%dma_wait3A_387] : memref<10000xi32, #tpu.memory_space<hbm>> -> memref<10000xi32, #tpu.memory_space<hbm>>
      tpu.wait_indirect_dma semaphore(%arg15 : memref<!tpu.dma_semaphore, #tpu.memory_space<semaphore_mem>>) src(%dma_wait3A_388 : memref<10000xi32, #tpu.memory_space<hbm>>) dst(%dma_wait3A_383 : memref<128xi32, #tpu.memory_space<vmem>>)
    }
    %scan3A_14 = arith.constant 10 : i32
    %mul3A_15 = arith.constant 80 : i32
    %mul3A_16 = arith.muli %add3A, %mul3A_15 : i32
    %dma_wait3A = arith.constant 0 : i32
    %dma_wait3A_17 = tpu.memref_slice %arg3[%mul3A_16, %dma_wait3A] : memref<2560x128xi32, #tpu.memory_space<hbm>> -> memref<80x128xi32, #tpu.memory_space<hbm>>
    %dma_wait3A_18 = arith.constant 0 : i32
    %dma_wait3A_19 = tpu.memref_slice %arg3[%mul3A_16, %dma_wait3A_18] : memref<2560x128xi32, #tpu.memory_space<hbm>> -> memref<80x128xi32, #tpu.memory_space<hbm>>
    tpu.wait_dma2 semaphore(%arg15 : memref<!tpu.dma_semaphore, #tpu.memory_space<semaphore_mem>>) src(%dma_wait3A_19 : memref<80x128xi32, #tpu.memory_space<hbm>>) dst(%arg10 : memref<80x128xi32, #tpu.memory_space<vmem>>)
    %scan3A_20 = arith.constant 0 : i32
    %scan3A_21 = arith.constant 0 : i32
    %scan3A_22 = arith.constant 80 : i32
    %scan3A_23 = arith.addi %scan3A_21, %scan3A_22 : i32
    %scan3A_24 = arith.constant 1 : i32
    scf.for %scan3A_68 = %scan3A_21 to %scan3A_23 step %scan3A_24  : i32 {
      %iota3A = tpu.iota {dimensions = array<i32: 0>} : vector<16xi32>
      %mul3A_69 = arith.constant 128 : i32
      %mul3A_70 = arith.muli %scan3A_68, %mul3A_69 : i32
      %add3A_71 = arith.addi %mul3A_2, %mul3A_70 : i32
      %add3A_72 = arith.constant 0 : i32
      %add3A_73 = arith.addi %add3A_71, %add3A_72 : i32
      %add3A_74 = vector.broadcast %add3A_73 : i32 to vector<16xi32>
      %add3A_75 = arith.addi %iota3A, %add3A_74 : vector<16xi32>
      %get3A = arith.index_cast %scan3A_68 : i32 to index
      %get3A_76 = arith.constant 0 : index
      %get3A_77 = tpu.vector_load %arg11[%get3A, %get3A_76] {strides = array<i32>} : memref<80x128xi32, #tpu.memory_space<vmem>>, vector<1x16xi32>,
      %get3A_78 = vector.shape_cast %get3A_77 : vector<1x16xi32> to vector<16xi32>
      %sub3A = arith.subi %add3A_75, %get3A_78 : vector<16xi32>
      %jit3A = arith.constant 0 : i32
      %jit3A_79 = arith.constant 2047 : i32
      %max3A = vector.broadcast %jit3A : i32 to vector<16xi32>
      %max3A_80 = arith.maxsi %max3A, %sub3A : vector<16xi32>
      %min3A = vector.broadcast %jit3A_79 : i32 to vector<16xi32>
      %min3A_81 = arith.minsi %min3A, %max3A_80 : vector<16xi32>
      %swap3A = arith.index_cast %scan3A_68 : i32 to index
      %swap3A_82 = arith.constant 0 : index
      %swap3A_83 = tpu.vector_load %arg11[%swap3A, %swap3A_82] {strides = array<i32>} : memref<80x128xi32, #tpu.memory_space<vmem>>, vector<1x16xi32>,
      %swap3A_84 = vector.shape_cast %swap3A_83 : vector<1x16xi32> to vector<16xi32>
      %swap3A_85 = vector.shape_cast %min3A_81 : vector<16xi32> to vector<1x16xi32>
      tpu.vector_store %arg11[%swap3A, %swap3A_82], %swap3A_85 {strides = array<i32>} : memref<80x128xi32, #tpu.memory_space<vmem>>, vector<1x16xi32>,
      %iota3A_86 = tpu.iota {dimensions = array<i32: 0>} : vector<16xi32>
      %mul3A_87 = arith.constant 128 : i32
      %mul3A_88 = arith.muli %scan3A_68, %mul3A_87 : i32
      %add3A_89 = arith.addi %mul3A_2, %mul3A_88 : i32
      %add3A_90 = arith.constant 16 : i32
      %add3A_91 = arith.addi %add3A_89, %add3A_90 : i32
      %add3A_92 = vector.broadcast %add3A_91 : i32 to vector<16xi32>
      %add3A_93 = arith.addi %iota3A_86, %add3A_92 : vector<16xi32>
      %get3A_94 = arith.index_cast %scan3A_68 : i32 to index
      %get3A_95 = arith.constant 16 : index
      %get3A_96 = tpu.vector_load %arg11[%get3A_94, %get3A_95] {strides = array<i32>} : memref<80x128xi32, #tpu.memory_space<vmem>>, vector<1x16xi32>,
      %get3A_97 = vector.shape_cast %get3A_96 : vector<1x16xi32> to vector<16xi32>
      %sub3A_98 = arith.subi %add3A_93, %get3A_97 : vector<16xi32>
      %jit3A_99 = arith.constant 0 : i32
      %jit3A_100 = arith.constant 2047 : i32
      %max3A_101 = vector.broadcast %jit3A_99 : i32 to vector<16xi32>
      %max3A_102 = arith.maxsi %max3A_101, %sub3A_98 : vector<16xi32>
      %min3A_103 = vector.broadcast %jit3A_100 : i32 to vector<16xi32>
      %min3A_104 = arith.minsi %min3A_103, %max3A_102 : vector<16xi32>
      %swap3A_105 = arith.index_cast %scan3A_68 : i32 to index
      %swap3A_106 = arith.constant 16 : index
      %swap3A_107 = tpu.vector_load %arg11[%swap3A_105, %swap3A_106] {strides = array<i32>} : memref<80x128xi32, #tpu.memory_space<vmem>>, vector<1x16xi32>,
      %swap3A_108 = vector.shape_cast %swap3A_107 : vector<1x16xi32> to vector<16xi32>
      %swap3A_109 = vector.shape_cast %min3A_104 : vector<16xi32> to vector<1x16xi32>
      tpu.vector_store %arg11[%swap3A_105, %swap3A_106], %swap3A_109 {strides = array<i32>} : memref<80x128xi32, #tpu.memory_space<vmem>>, vector<1x16xi32>,
      %iota3A_110 = tpu.iota {dimensions = array<i32: 0>} : vector<16xi32>
      %mul3A_111 = arith.constant 128 : i32
      %mul3A_112 = arith.muli %scan3A_68, %mul3A_111 : i32
      %add3A_113 = arith.addi %mul3A_2, %mul3A_112 : i32
      %add3A_114 = arith.constant 32 : i32
      %add3A_115 = arith.addi %add3A_113, %add3A_114 : i32
      %add3A_116 = vector.broadcast %add3A_115 : i32 to vector<16xi32>
      %add3A_117 = arith.addi %iota3A_110, %add3A_116 : vector<16xi32>
      %get3A_118 = arith.index_cast %scan3A_68 : i32 to index
      %get3A_119 = arith.constant 32 : index
      %get3A_120 = tpu.vector_load %arg11[%get3A_118, %get3A_119] {strides = array<i32>} : memref<80x128xi32, #tpu.memory_space<vmem>>, vector<1x16xi32>,
      %get3A_121 = vector.shape_cast %get3A_120 : vector<1x16xi32> to vector<16xi32>
      %sub3A_122 = arith.subi %add3A_117, %get3A_121 : vector<16xi32>
      %jit3A_123 = arith.constant 0 : i32
      %jit3A_124 = arith.constant 2047 : i32
      %max3A_125 = vector.broadcast %jit3A_123 : i32 to vector<16xi32>
      %max3A_126 = arith.maxsi %max3A_125, %sub3A_122 : vector<16xi32>
      %min3A_127 = vector.broadcast %jit3A_124 : i32 to vector<16xi32>
      %min3A_128 = arith.minsi %min3A_127, %max3A_126 : vector<16xi32>
      %swap3A_129 = arith.index_cast %scan3A_68 : i32 to index
      %swap3A_130 = arith.constant 32 : index
      %swap3A_131 = tpu.vector_load %arg11[%swap3A_129, %swap3A_130] {strides = array<i32>} : memref<80x128xi32, #tpu.memory_space<vmem>>, vector<1x16xi32>,
      %swap3A_132 = vector.shape_cast %swap3A_131 : vector<1x16xi32> to vector<16xi32>
      %swap3A_133 = vector.shape_cast %min3A_128 : vector<16xi32> to vector<1x16xi32>
      tpu.vector_store %arg11[%swap3A_129, %swap3A_130], %swap3A_133 {strides = array<i32>} : memref<80x128xi32, #tpu.memory_space<vmem>>, vector<1x16xi32>,
      %iota3A_134 = tpu.iota {dimensions = array<i32: 0>} : vector<16xi32>
      %mul3A_135 = arith.constant 128 : i32
      %mul3A_136 = arith.muli %scan3A_68, %mul3A_135 : i32
      %add3A_137 = arith.addi %mul3A_2, %mul3A_136 : i32
      %add3A_138 = arith.constant 48 : i32
      %add3A_139 = arith.addi %add3A_137, %add3A_138 : i32
      %add3A_140 = vector.broadcast %add3A_139 : i32 to vector<16xi32>
      %add3A_141 = arith.addi %iota3A_134, %add3A_140 : vector<16xi32>
      %get3A_142 = arith.index_cast %scan3A_68 : i32 to index
      %get3A_143 = arith.constant 48 : index
      %get3A_144 = tpu.vector_load %arg11[%get3A_142, %get3A_143] {strides = array<i32>} : memref<80x128xi32, #tpu.memory_space<vmem>>, vector<1x16xi32>,
      %get3A_145 = vector.shape_cast %get3A_144 : vector<1x16xi32> to vector<16xi32>
      %sub3A_146 = arith.subi %add3A_141, %get3A_145 : vector<16xi32>
      %jit3A_147 = arith.constant 0 : i32
      %jit3A_148 = arith.constant 2047 : i32
      %max3A_149 = vector.broadcast %jit3A_147 : i32 to vector<16xi32>
      %max3A_150 = arith.maxsi %max3A_149, %sub3A_146 : vector<16xi32>
      %min3A_151 = vector.broadcast %jit3A_148 : i32 to vector<16xi32>
      %min3A_152 = arith.minsi %min3A_151, %max3A_150 : vector<16xi32>
      %swap3A_153 = arith.index_cast %scan3A_68 : i32 to index
      %swap3A_154 = arith.constant 48 : index
      %swap3A_155 = tpu.vector_load %arg11[%swap3A_153, %swap3A_154] {strides = array<i32>} : memref<80x128xi32, #tpu.memory_space<vmem>>, vector<1x16xi32>,
      %swap3A_156 = vector.shape_cast %swap3A_155 : vector<1x16xi32> to vector<16xi32>
      %swap3A_157 = vector.shape_cast %min3A_152 : vector<16xi32> to vector<1x16xi32>
      tpu.vector_store %arg11[%swap3A_153, %swap3A_154], %swap3A_157 {strides = array<i32>} : memref<80x128xi32, #tpu.memory_space<vmem>>, vector<1x16xi32>,
      %iota3A_158 = tpu.iota {dimensions = array<i32: 0>} : vector<16xi32>
      %mul3A_159 = arith.constant 128 : i32
      %mul3A_160 = arith.muli %scan3A_68, %mul3A_159 : i32
      %add3A_161 = arith.addi %mul3A_2, %mul3A_160 : i32
      %add3A_162 = arith.constant 64 : i32
      %add3A_163 = arith.addi %add3A_161, %add3A_162 : i32
      %add3A_164 = vector.broadcast %add3A_163 : i32 to vector<16xi32>
      %add3A_165 = arith.addi %iota3A_158, %add3A_164 : vector<16xi32>
      %get3A_166 = arith.index_cast %scan3A_68 : i32 to index
      %get3A_167 = arith.constant 64 : index
      %get3A_168 = tpu.vector_load %arg11[%get3A_166, %get3A_167] {strides = array<i32>} : memref<80x128xi32, #tpu.memory_space<vmem>>, vector<1x16xi32>,
      %get3A_169 = vector.shape_cast %get3A_168 : vector<1x16xi32> to vector<16xi32>
      %sub3A_170 = arith.subi %add3A_165, %get3A_169 : vector<16xi32>
      %jit3A_171 = arith.constant 0 : i32
      %jit3A_172 = arith.constant 2047 : i32
      %max3A_173 = vector.broadcast %jit3A_171 : i32 to vector<16xi32>
      %max3A_174 = arith.maxsi %max3A_173, %sub3A_170 : vector<16xi32>
      %min3A_175 = vector.broadcast %jit3A_172 : i32 to vector<16xi32>
      %min3A_176 = arith.minsi %min3A_175, %max3A_174 : vector<16xi32>
      %swap3A_177 = arith.index_cast %scan3A_68 : i32 to index
      %swap3A_178 = arith.constant 64 : index
      %swap3A_179 = tpu.vector_load %arg11[%swap3A_177, %swap3A_178] {strides = array<i32>} : memref<80x128xi32, #tpu.memory_space<vmem>>, vector<1x16xi32>,
      %swap3A_180 = vector.shape_cast %swap3A_179 : vector<1x16xi32> to vector<16xi32>
      %swap3A_181 = vector.shape_cast %min3A_176 : vector<16xi32> to vector<1x16xi32>
      tpu.vector_store %arg11[%swap3A_177, %swap3A_178], %swap3A_181 {strides = array<i32>} : memref<80x128xi32, #tpu.memory_space<vmem>>, vector<1x16xi32>,
      %iota3A_182 = tpu.iota {dimensions = array<i32: 0>} : vector<16xi32>
      %mul3A_183 = arith.constant 128 : i32
      %mul3A_184 = arith.muli %scan3A_68, %mul3A_183 : i32
      %add3A_185 = arith.addi %mul3A_2, %mul3A_184 : i32
      %add3A_186 = arith.constant 80 : i32
      %add3A_187 = arith.addi %add3A_185, %add3A_186 : i32
      %add3A_188 = vector.broadcast %add3A_187 : i32 to vector<16xi32>
      %add3A_189 = arith.addi %iota3A_182, %add3A_188 : vector<16xi32>
      %get3A_190 = arith.index_cast %scan3A_68 : i32 to index
      %get3A_191 = arith.constant 80 : index
      %get3A_192 = tpu.vector_load %arg11[%get3A_190, %get3A_191] {strides = array<i32>} : memref<80x128xi32, #tpu.memory_space<vmem>>, vector<1x16xi32>,
      %get3A_193 = vector.shape_cast %get3A_192 : vector<1x16xi32> to vector<16xi32>
      %sub3A_194 = arith.subi %add3A_189, %get3A_193 : vector<16xi32>
      %jit3A_195 = arith.constant 0 : i32
      %jit3A_196 = arith.constant 2047 : i32
      %max3A_197 = vector.broadcast %jit3A_195 : i32 to vector<16xi32>
      %max3A_198 = arith.maxsi %max3A_197, %sub3A_194 : vector<16xi32>
      %min3A_199 = vector.broadcast %jit3A_196 : i32 to vector<16xi32>
      %min3A_200 = arith.minsi %min3A_199, %max3A_198 : vector<16xi32>
      %swap3A_201 = arith.index_cast %scan3A_68 : i32 to index
      %swap3A_202 = arith.constant 80 : index
      %swap3A_203 = tpu.vector_load %arg11[%swap3A_201, %swap3A_202] {strides = array<i32>} : memref<80x128xi32, #tpu.memory_space<vmem>>, vector<1x16xi32>,
      %swap3A_204 = vector.shape_cast %swap3A_203 : vector<1x16xi32> to vector<16xi32>
      %swap3A_205 = vector.shape_cast %min3A_200 : vector<16xi32> to vector<1x16xi32>
      tpu.vector_store %arg11[%swap3A_201, %swap3A_202], %swap3A_205 {strides = array<i32>} : memref<80x128xi32, #tpu.memory_space<vmem>>, vector<1x16xi32>,
      %iota3A_206 = tpu.iota {dimensions = array<i32: 0>} : vector<16xi32>
      %mul3A_207 = arith.constant 128 : i32
      %mul3A_208 = arith.muli %scan3A_68, %mul3A_207 : i32
      %add3A_209 = arith.addi %mul3A_2, %mul3A_208 : i32
      %add3A_210 = arith.constant 96 : i32
      %add3A_211 = arith.addi %add3A_209, %add3A_210 : i32
      %add3A_212 = vector.broadcast %add3A_211 : i32 to vector<16xi32>
      %add3A_213 = arith.addi %iota3A_206, %add3A_212 : vector<16xi32>
      %get3A_214 = arith.index_cast %scan3A_68 : i32 to index
      %get3A_215 = arith.constant 96 : index
      %get3A_216 = tpu.vector_load %arg11[%get3A_214, %get3A_215] {strides = array<i32>} : memref<80x128xi32, #tpu.memory_space<vmem>>, vector<1x16xi32>,
      %get3A_217 = vector.shape_cast %get3A_216 : vector<1x16xi32> to vector<16xi32>
      %sub3A_218 = arith.subi %add3A_213, %get3A_217 : vector<16xi32>
      %jit3A_219 = arith.constant 0 : i32
      %jit3A_220 = arith.constant 2047 : i32
      %max3A_221 = vector.broadcast %jit3A_219 : i32 to vector<16xi32>
      %max3A_222 = arith.maxsi %max3A_221, %sub3A_218 : vector<16xi32>
      %min3A_223 = vector.broadcast %jit3A_220 : i32 to vector<16xi32>
      %min3A_224 = arith.minsi %min3A_223, %max3A_222 : vector<16xi32>
      %swap3A_225 = arith.index_cast %scan3A_68 : i32 to index
      %swap3A_226 = arith.constant 96 : index
      %swap3A_227 = tpu.vector_load %arg11[%swap3A_225, %swap3A_226] {strides = array<i32>} : memref<80x128xi32, #tpu.memory_space<vmem>>, vector<1x16xi32>,
      %swap3A_228 = vector.shape_cast %swap3A_227 : vector<1x16xi32> to vector<16xi32>
      %swap3A_229 = vector.shape_cast %min3A_224 : vector<16xi32> to vector<1x16xi32>
      tpu.vector_store %arg11[%swap3A_225, %swap3A_226], %swap3A_229 {strides = array<i32>} : memref<80x128xi32, #tpu.memory_space<vmem>>, vector<1x16xi32>,
      %iota3A_230 = tpu.iota {dimensions = array<i32: 0>} : vector<16xi32>
      %mul3A_231 = arith.constant 128 : i32
      %mul3A_232 = arith.muli %scan3A_68, %mul3A_231 : i32
      %add3A_233 = arith.addi %mul3A_2, %mul3A_232 : i32
      %add3A_234 = arith.constant 112 : i32
      %add3A_235 = arith.addi %add3A_233, %add3A_234 : i32
      %add3A_236 = vector.broadcast %add3A_235 : i32 to vector<16xi32>
      %add3A_237 = arith.addi %iota3A_230, %add3A_236 : vector<16xi32>
      %get3A_238 = arith.index_cast %scan3A_68 : i32 to index
      %get3A_239 = arith.constant 112 : index
      %get3A_240 = tpu.vector_load %arg11[%get3A_238, %get3A_239] {strides = array<i32>} : memref<80x128xi32, #tpu.memory_space<vmem>>, vector<1x16xi32>,
      %get3A_241 = vector.shape_cast %get3A_240 : vector<1x16xi32> to vector<16xi32>
      %sub3A_242 = arith.subi %add3A_237, %get3A_241 : vector<16xi32>
      %jit3A_243 = arith.constant 0 : i32
      %jit3A_244 = arith.constant 2047 : i32
      %max3A_245 = vector.broadcast %jit3A_243 : i32 to vector<16xi32>
      %max3A_246 = arith.maxsi %max3A_245, %sub3A_242 : vector<16xi32>
      %min3A_247 = vector.broadcast %jit3A_244 : i32 to vector<16xi32>
      %min3A_248 = arith.minsi %min3A_247, %max3A_246 : vector<16xi32>
      %swap3A_249 = arith.index_cast %scan3A_68 : i32 to index
      %swap3A_250 = arith.constant 112 : index
      %swap3A_251 = tpu.vector_load %arg11[%swap3A_249, %swap3A_250] {strides = array<i32>} : memref<80x128xi32, #tpu.memory_space<vmem>>, vector<1x16xi32>,
      %swap3A_252 = vector.shape_cast %swap3A_251 : vector<1x16xi32> to vector<16xi32>
      %swap3A_253 = vector.shape_cast %min3A_248 : vector<16xi32> to vector<1x16xi32>
      tpu.vector_store %arg11[%swap3A_249, %swap3A_250], %swap3A_253 {strides = array<i32>} : memref<80x128xi32, #tpu.memory_space<vmem>>, vector<1x16xi32>,
    }
    %scan3A_25 = arith.constant 80 : i32
    %scan3A_26 = arith.constant 0 : i32
    %scan3A_27 = arith.constant 0 : i32
    %scan3A_28 = arith.constant 10 : i32
    %scan3A_29 = arith.addi %scan3A_27, %scan3A_28 : i32
    %scan3A_30 = arith.constant 1 : i32
    scf.for %scan3A_68 = %scan3A_27 to %scan3A_29 step %scan3A_30  : i32 {
      %mul3A_69 = arith.constant 8 : i32
      %mul3A_70 = arith.muli %scan3A_68, %mul3A_69 : i32
      %add3A_71 = arith.constant 0 : i32
      %add3A_72 = arith.addi %mul3A_70, %add3A_71 : i32
      %dma_start3A_73 = arith.constant 0 : i32
      %dma_start3A_74 = tpu.memref_slice %arg13[%add3A_72, %dma_start3A_73] : memref<80x128xi32, #tpu.memory_space<vmem>> -> memref<1x128xi32, #tpu.memory_space<vmem>>
      %dma_start3A_75 = tpu.memref_squeeze %dma_start3A_74 : memref<1x128xi32, #tpu.memory_space<vmem>> -> memref<128xi32, #tpu.memory_space<vmem>>
      %dma_start3A_76 = arith.constant 0 : i32
      %dma_start3A_77 = tpu.memref_slice %arg11[%add3A_72, %dma_start3A_76] : memref<80x128xi32, #tpu.memory_space<vmem>> -> memref<1x128xi32, #tpu.memory_space<vmem>>
      %dma_start3A_78 = tpu.memref_squeeze %dma_start3A_77 : memref<1x128xi32, #tpu.memory_space<vmem>> -> memref<128xi32, #tpu.memory_space<vmem>>
      %dma_start3A_79 = arith.constant 0 : i32
      %dma_start3A_80 = tpu.memref_slice %arg6[%dma_start3A_79] : memref<2048xi32, #tpu.memory_space<hbm>> -> memref<2048xi32, #tpu.memory_space<hbm>>
      tpu.enqueue_indirect_dma source(%dma_start3A_80 : memref<2048xi32, #tpu.memory_space<hbm>>) target(%dma_start3A_75 : memref<128xi32, #tpu.memory_space<vmem>>) offsets(%dma_start3A_78 : memref<128xi32, #tpu.memory_space<vmem>>) semaphore(%arg15 : memref<!tpu.dma_semaphore, #tpu.memory_space<semaphore_mem>>)
      %mul3A_81 = arith.constant 8 : i32
      %mul3A_82 = arith.muli %scan3A_68, %mul3A_81 : i32
      %add3A_83 = arith.constant 1 : i32
      %add3A_84 = arith.addi %mul3A_82, %add3A_83 : i32
      %dma_start3A_85 = arith.constant 0 : i32
      %dma_start3A_86 = tpu.memref_slice %arg13[%add3A_84, %dma_start3A_85] : memref<80x128xi32, #tpu.memory_space<vmem>> -> memref<1x128xi32, #tpu.memory_space<vmem>>
      %dma_start3A_87 = tpu.memref_squeeze %dma_start3A_86 : memref<1x128xi32, #tpu.memory_space<vmem>> -> memref<128xi32, #tpu.memory_space<vmem>>
      %dma_start3A_88 = arith.constant 0 : i32
      %dma_start3A_89 = tpu.memref_slice %arg11[%add3A_84, %dma_start3A_88] : memref<80x128xi32, #tpu.memory_space<vmem>> -> memref<1x128xi32, #tpu.memory_space<vmem>>
      %dma_start3A_90 = tpu.memref_squeeze %dma_start3A_89 : memref<1x128xi32, #tpu.memory_space<vmem>> -> memref<128xi32, #tpu.memory_space<vmem>>
      %dma_start3A_91 = arith.constant 0 : i32
      %dma_start3A_92 = tpu.memref_slice %arg6[%dma_start3A_91] : memref<2048xi32, #tpu.memory_space<hbm>> -> memref<2048xi32, #tpu.memory_space<hbm>>
      tpu.enqueue_indirect_dma source(%dma_start3A_92 : memref<2048xi32, #tpu.memory_space<hbm>>) target(%dma_start3A_87 : memref<128xi32, #tpu.memory_space<vmem>>) offsets(%dma_start3A_90 : memref<128xi32, #tpu.memory_space<vmem>>) semaphore(%arg15 : memref<!tpu.dma_semaphore, #tpu.memory_space<semaphore_mem>>)
      %mul3A_93 = arith.constant 8 : i32
      %mul3A_94 = arith.muli %scan3A_68, %mul3A_93 : i32
      %add3A_95 = arith.constant 2 : i32
      %add3A_96 = arith.addi %mul3A_94, %add3A_95 : i32
      %dma_start3A_97 = arith.constant 0 : i32
      %dma_start3A_98 = tpu.memref_slice %arg13[%add3A_96, %dma_start3A_97] : memref<80x128xi32, #tpu.memory_space<vmem>> -> memref<1x128xi32, #tpu.memory_space<vmem>>
      %dma_start3A_99 = tpu.memref_squeeze %dma_start3A_98 : memref<1x128xi32, #tpu.memory_space<vmem>> -> memref<128xi32, #tpu.memory_space<vmem>>
      %dma_start3A_100 = arith.constant 0 : i32
      %dma_start3A_101 = tpu.memref_slice %arg11[%add3A_96, %dma_start3A_100] : memref<80x128xi32, #tpu.memory_space<vmem>> -> memref<1x128xi32, #tpu.memory_space<vmem>>
      %dma_start3A_102 = tpu.memref_squeeze %dma_start3A_101 : memref<1x128xi32, #tpu.memory_space<vmem>> -> memref<128xi32, #tpu.memory_space<vmem>>
      %dma_start3A_103 = arith.constant 0 : i32
      %dma_start3A_104 = tpu.memref_slice %arg6[%dma_start3A_103] : memref<2048xi32, #tpu.memory_space<hbm>> -> memref<2048xi32, #tpu.memory_space<hbm>>
      tpu.enqueue_indirect_dma source(%dma_start3A_104 : memref<2048xi32, #tpu.memory_space<hbm>>) target(%dma_start3A_99 : memref<128xi32, #tpu.memory_space<vmem>>) offsets(%dma_start3A_102 : memref<128xi32, #tpu.memory_space<vmem>>) semaphore(%arg15 : memref<!tpu.dma_semaphore, #tpu.memory_space<semaphore_mem>>)
      %mul3A_105 = arith.constant 8 : i32
      %mul3A_106 = arith.muli %scan3A_68, %mul3A_105 : i32
      %add3A_107 = arith.constant 3 : i32
      %add3A_108 = arith.addi %mul3A_106, %add3A_107 : i32
      %dma_start3A_109 = arith.constant 0 : i32
      %dma_start3A_110 = tpu.memref_slice %arg13[%add3A_108, %dma_start3A_109] : memref<80x128xi32, #tpu.memory_space<vmem>> -> memref<1x128xi32, #tpu.memory_space<vmem>>
      %dma_start3A_111 = tpu.memref_squeeze %dma_start3A_110 : memref<1x128xi32, #tpu.memory_space<vmem>> -> memref<128xi32, #tpu.memory_space<vmem>>
      %dma_start3A_112 = arith.constant 0 : i32
      %dma_start3A_113 = tpu.memref_slice %arg11[%add3A_108, %dma_start3A_112] : memref<80x128xi32, #tpu.memory_space<vmem>> -> memref<1x128xi32, #tpu.memory_space<vmem>>
      %dma_start3A_114 = tpu.memref_squeeze %dma_start3A_113 : memref<1x128xi32, #tpu.memory_space<vmem>> -> memref<128xi32, #tpu.memory_space<vmem>>
      %dma_start3A_115 = arith.constant 0 : i32
      %dma_start3A_116 = tpu.memref_slice %arg6[%dma_start3A_115] : memref<2048xi32, #tpu.memory_space<hbm>> -> memref<2048xi32, #tpu.memory_space<hbm>>
      tpu.enqueue_indirect_dma source(%dma_start3A_116 : memref<2048xi32, #tpu.memory_space<hbm>>) target(%dma_start3A_111 : memref<128xi32, #tpu.memory_space<vmem>>) offsets(%dma_start3A_114 : memref<128xi32, #tpu.memory_space<vmem>>) semaphore(%arg15 : memref<!tpu.dma_semaphore, #tpu.memory_space<semaphore_mem>>)
      %mul3A_117 = arith.constant 8 : i32
      %mul3A_118 = arith.muli %scan3A_68, %mul3A_117 : i32
      %add3A_119 = arith.constant 4 : i32
      %add3A_120 = arith.addi %mul3A_118, %add3A_119 : i32
      %dma_start3A_121 = arith.constant 0 : i32
      %dma_start3A_122 = tpu.memref_slice %arg13[%add3A_120, %dma_start3A_121] : memref<80x128xi32, #tpu.memory_space<vmem>> -> memref<1x128xi32, #tpu.memory_space<vmem>>
      %dma_start3A_123 = tpu.memref_squeeze %dma_start3A_122 : memref<1x128xi32, #tpu.memory_space<vmem>> -> memref<128xi32, #tpu.memory_space<vmem>>
      %dma_start3A_124 = arith.constant 0 : i32
      %dma_start3A_125 = tpu.memref_slice %arg11[%add3A_120, %dma_start3A_124] : memref<80x128xi32, #tpu.memory_space<vmem>> -> memref<1x128xi32, #tpu.memory_space<vmem>>
      %dma_start3A_126 = tpu.memref_squeeze %dma_start3A_125 : memref<1x128xi32, #tpu.memory_space<vmem>> -> memref<128xi32, #tpu.memory_space<vmem>>
      %dma_start3A_127 = arith.constant 0 : i32
      %dma_start3A_128 = tpu.memref_slice %arg6[%dma_start3A_127] : memref<2048xi32, #tpu.memory_space<hbm>> -> memref<2048xi32, #tpu.memory_space<hbm>>
      tpu.enqueue_indirect_dma source(%dma_start3A_128 : memref<2048xi32, #tpu.memory_space<hbm>>) target(%dma_start3A_123 : memref<128xi32, #tpu.memory_space<vmem>>) offsets(%dma_start3A_126 : memref<128xi32, #tpu.memory_space<vmem>>) semaphore(%arg15 : memref<!tpu.dma_semaphore, #tpu.memory_space<semaphore_mem>>)
      %mul3A_129 = arith.constant 8 : i32
      %mul3A_130 = arith.muli %scan3A_68, %mul3A_129 : i32
      %add3A_131 = arith.constant 5 : i32
      %add3A_132 = arith.addi %mul3A_130, %add3A_131 : i32
      %dma_start3A_133 = arith.constant 0 : i32
      %dma_start3A_134 = tpu.memref_slice %arg13[%add3A_132, %dma_start3A_133] : memref<80x128xi32, #tpu.memory_space<vmem>> -> memref<1x128xi32, #tpu.memory_space<vmem>>
      %dma_start3A_135 = tpu.memref_squeeze %dma_start3A_134 : memref<1x128xi32, #tpu.memory_space<vmem>> -> memref<128xi32, #tpu.memory_space<vmem>>
      %dma_start3A_136 = arith.constant 0 : i32
      %dma_start3A_137 = tpu.memref_slice %arg11[%add3A_132, %dma_start3A_136] : memref<80x128xi32, #tpu.memory_space<vmem>> -> memref<1x128xi32, #tpu.memory_space<vmem>>
      %dma_start3A_138 = tpu.memref_squeeze %dma_start3A_137 : memref<1x128xi32, #tpu.memory_space<vmem>> -> memref<128xi32, #tpu.memory_space<vmem>>
      %dma_start3A_139 = arith.constant 0 : i32
      %dma_start3A_140 = tpu.memref_slice %arg6[%dma_start3A_139] : memref<2048xi32, #tpu.memory_space<hbm>> -> memref<2048xi32, #tpu.memory_space<hbm>>
      tpu.enqueue_indirect_dma source(%dma_start3A_140 : memref<2048xi32, #tpu.memory_space<hbm>>) target(%dma_start3A_135 : memref<128xi32, #tpu.memory_space<vmem>>) offsets(%dma_start3A_138 : memref<128xi32, #tpu.memory_space<vmem>>) semaphore(%arg15 : memref<!tpu.dma_semaphore, #tpu.memory_space<semaphore_mem>>)
      %mul3A_141 = arith.constant 8 : i32
      %mul3A_142 = arith.muli %scan3A_68, %mul3A_141 : i32
      %add3A_143 = arith.constant 6 : i32
      %add3A_144 = arith.addi %mul3A_142, %add3A_143 : i32
      %dma_start3A_145 = arith.constant 0 : i32
      %dma_start3A_146 = tpu.memref_slice %arg13[%add3A_144, %dma_start3A_145] : memref<80x128xi32, #tpu.memory_space<vmem>> -> memref<1x128xi32, #tpu.memory_space<vmem>>
      %dma_start3A_147 = tpu.memref_squeeze %dma_start3A_146 : memref<1x128xi32, #tpu.memory_space<vmem>> -> memref<128xi32, #tpu.memory_space<vmem>>
      %dma_start3A_148 = arith.constant 0 : i32
      %dma_start3A_149 = tpu.memref_slice %arg11[%add3A_144, %dma_start3A_148] : memref<80x128xi32, #tpu.memory_space<vmem>> -> memref<1x128xi32, #tpu.memory_space<vmem>>
      %dma_start3A_150 = tpu.memref_squeeze %dma_start3A_149 : memref<1x128xi32, #tpu.memory_space<vmem>> -> memref<128xi32, #tpu.memory_space<vmem>>
      %dma_start3A_151 = arith.constant 0 : i32
      %dma_start3A_152 = tpu.memref_slice %arg6[%dma_start3A_151] : memref<2048xi32, #tpu.memory_space<hbm>> -> memref<2048xi32, #tpu.memory_space<hbm>>
      tpu.enqueue_indirect_dma source(%dma_start3A_152 : memref<2048xi32, #tpu.memory_space<hbm>>) target(%dma_start3A_147 : memref<128xi32, #tpu.memory_space<vmem>>) offsets(%dma_start3A_150 : memref<128xi32, #tpu.memory_space<vmem>>) semaphore(%arg15 : memref<!tpu.dma_semaphore, #tpu.memory_space<semaphore_mem>>)
      %mul3A_153 = arith.constant 8 : i32
      %mul3A_154 = arith.muli %scan3A_68, %mul3A_153 : i32
      %add3A_155 = arith.constant 7 : i32
      %add3A_156 = arith.addi %mul3A_154, %add3A_155 : i32
      %dma_start3A_157 = arith.constant 0 : i32
      %dma_start3A_158 = tpu.memref_slice %arg13[%add3A_156, %dma_start3A_157] : memref<80x128xi32, #tpu.memory_space<vmem>> -> memref<1x128xi32, #tpu.memory_space<vmem>>
      %dma_start3A_159 = tpu.memref_squeeze %dma_start3A_158 : memref<1x128xi32, #tpu.memory_space<vmem>> -> memref<128xi32, #tpu.memory_space<vmem>>
      %dma_start3A_160 = arith.constant 0 : i32
      %dma_start3A_161 = tpu.memref_slice %arg11[%add3A_156, %dma_start3A_160] : memref<80x128xi32, #tpu.memory_space<vmem>> -> memref<1x128xi32, #tpu.memory_space<vmem>>
      %dma_start3A_162 = tpu.memref_squeeze %dma_start3A_161 : memref<1x128xi32, #tpu.memory_space<vmem>> -> memref<128xi32, #tpu.memory_space<vmem>>
      %dma_start3A_163 = arith.constant 0 : i32
      %dma_start3A_164 = tpu.memref_slice %arg6[%dma_start3A_163] : memref<2048xi32, #tpu.memory_space<hbm>> -> memref<2048xi32, #tpu.memory_space<hbm>>
      tpu.enqueue_indirect_dma source(%dma_start3A_164 : memref<2048xi32, #tpu.memory_space<hbm>>) target(%dma_start3A_159 : memref<128xi32, #tpu.memory_space<vmem>>) offsets(%dma_start3A_162 : memref<128xi32, #tpu.memory_space<vmem>>) semaphore(%arg15 : memref<!tpu.dma_semaphore, #tpu.memory_space<semaphore_mem>>)
      %mul3A_165 = arith.constant 8 : i32
      %mul3A_166 = arith.muli %scan3A_68, %mul3A_165 : i32
      %add3A_167 = arith.constant 0 : i32
      %add3A_168 = arith.addi %mul3A_166, %add3A_167 : i32
      %dma_wait3A_169 = arith.constant 0 : i32
      %dma_wait3A_170 = tpu.memref_slice %arg13[%add3A_168, %dma_wait3A_169] : memref<80x128xi32, #tpu.memory_space<vmem>> -> memref<1x128xi32, #tpu.memory_space<vmem>>
      %dma_wait3A_171 = tpu.memref_squeeze %dma_wait3A_170 : memref<1x128xi32, #tpu.memory_space<vmem>> -> memref<128xi32, #tpu.memory_space<vmem>>
      %dma_wait3A_172 = arith.constant 0 : i32
      %dma_wait3A_173 = tpu.memref_slice %arg11[%add3A_168, %dma_wait3A_172] : memref<80x128xi32, #tpu.memory_space<vmem>> -> memref<1x128xi32, #tpu.memory_space<vmem>>
      %dma_wait3A_174 = tpu.memref_squeeze %dma_wait3A_173 : memref<1x128xi32, #tpu.memory_space<vmem>> -> memref<128xi32, #tpu.memory_space<vmem>>
      %dma_wait3A_175 = arith.constant 0 : i32
      %dma_wait3A_176 = tpu.memref_slice %arg6[%dma_wait3A_175] : memref<2048xi32, #tpu.memory_space<hbm>> -> memref<2048xi32, #tpu.memory_space<hbm>>
      tpu.wait_indirect_dma semaphore(%arg15 : memref<!tpu.dma_semaphore, #tpu.memory_space<semaphore_mem>>) src(%dma_wait3A_176 : memref<2048xi32, #tpu.memory_space<hbm>>) dst(%dma_wait3A_171 : memref<128xi32, #tpu.memory_space<vmem>>)
      %mul3A_177 = arith.constant 8 : i32
      %mul3A_178 = arith.muli %scan3A_68, %mul3A_177 : i32
      %add3A_179 = arith.constant 1 : i32
      %add3A_180 = arith.addi %mul3A_178, %add3A_179 : i32
      %dma_wait3A_181 = arith.constant 0 : i32
      %dma_wait3A_182 = tpu.memref_slice %arg13[%add3A_180, %dma_wait3A_181] : memref<80x128xi32, #tpu.memory_space<vmem>> -> memref<1x128xi32, #tpu.memory_space<vmem>>
      %dma_wait3A_183 = tpu.memref_squeeze %dma_wait3A_182 : memref<1x128xi32, #tpu.memory_space<vmem>> -> memref<128xi32, #tpu.memory_space<vmem>>
      %dma_wait3A_184 = arith.constant 0 : i32
      %dma_wait3A_185 = tpu.memref_slice %arg11[%add3A_180, %dma_wait3A_184] : memref<80x128xi32, #tpu.memory_space<vmem>> -> memref<1x128xi32, #tpu.memory_space<vmem>>
      %dma_wait3A_186 = tpu.memref_squeeze %dma_wait3A_185 : memref<1x128xi32, #tpu.memory_space<vmem>> -> memref<128xi32, #tpu.memory_space<vmem>>
      %dma_wait3A_187 = arith.constant 0 : i32
      %dma_wait3A_188 = tpu.memref_slice %arg6[%dma_wait3A_187] : memref<2048xi32, #tpu.memory_space<hbm>> -> memref<2048xi32, #tpu.memory_space<hbm>>
      tpu.wait_indirect_dma semaphore(%arg15 : memref<!tpu.dma_semaphore, #tpu.memory_space<semaphore_mem>>) src(%dma_wait3A_188 : memref<2048xi32, #tpu.memory_space<hbm>>) dst(%dma_wait3A_183 : memref<128xi32, #tpu.memory_space<vmem>>)
      %mul3A_189 = arith.constant 8 : i32
      %mul3A_190 = arith.muli %scan3A_68, %mul3A_189 : i32
      %add3A_191 = arith.constant 2 : i32
      %add3A_192 = arith.addi %mul3A_190, %add3A_191 : i32
      %dma_wait3A_193 = arith.constant 0 : i32
      %dma_wait3A_194 = tpu.memref_slice %arg13[%add3A_192, %dma_wait3A_193] : memref<80x128xi32, #tpu.memory_space<vmem>> -> memref<1x128xi32, #tpu.memory_space<vmem>>
      %dma_wait3A_195 = tpu.memref_squeeze %dma_wait3A_194 : memref<1x128xi32, #tpu.memory_space<vmem>> -> memref<128xi32, #tpu.memory_space<vmem>>
      %dma_wait3A_196 = arith.constant 0 : i32
      %dma_wait3A_197 = tpu.memref_slice %arg11[%add3A_192, %dma_wait3A_196] : memref<80x128xi32, #tpu.memory_space<vmem>> -> memref<1x128xi32, #tpu.memory_space<vmem>>
      %dma_wait3A_198 = tpu.memref_squeeze %dma_wait3A_197 : memref<1x128xi32, #tpu.memory_space<vmem>> -> memref<128xi32, #tpu.memory_space<vmem>>
      %dma_wait3A_199 = arith.constant 0 : i32
      %dma_wait3A_200 = tpu.memref_slice %arg6[%dma_wait3A_199] : memref<2048xi32, #tpu.memory_space<hbm>> -> memref<2048xi32, #tpu.memory_space<hbm>>
      tpu.wait_indirect_dma semaphore(%arg15 : memref<!tpu.dma_semaphore, #tpu.memory_space<semaphore_mem>>) src(%dma_wait3A_200 : memref<2048xi32, #tpu.memory_space<hbm>>) dst(%dma_wait3A_195 : memref<128xi32, #tpu.memory_space<vmem>>)
      %mul3A_201 = arith.constant 8 : i32
      %mul3A_202 = arith.muli %scan3A_68, %mul3A_201 : i32
      %add3A_203 = arith.constant 3 : i32
      %add3A_204 = arith.addi %mul3A_202, %add3A_203 : i32
      %dma_wait3A_205 = arith.constant 0 : i32
      %dma_wait3A_206 = tpu.memref_slice %arg13[%add3A_204, %dma_wait3A_205] : memref<80x128xi32, #tpu.memory_space<vmem>> -> memref<1x128xi32, #tpu.memory_space<vmem>>
      %dma_wait3A_207 = tpu.memref_squeeze %dma_wait3A_206 : memref<1x128xi32, #tpu.memory_space<vmem>> -> memref<128xi32, #tpu.memory_space<vmem>>
      %dma_wait3A_208 = arith.constant 0 : i32
      %dma_wait3A_209 = tpu.memref_slice %arg11[%add3A_204, %dma_wait3A_208] : memref<80x128xi32, #tpu.memory_space<vmem>> -> memref<1x128xi32, #tpu.memory_space<vmem>>
      %dma_wait3A_210 = tpu.memref_squeeze %dma_wait3A_209 : memref<1x128xi32, #tpu.memory_space<vmem>> -> memref<128xi32, #tpu.memory_space<vmem>>
      %dma_wait3A_211 = arith.constant 0 : i32
      %dma_wait3A_212 = tpu.memref_slice %arg6[%dma_wait3A_211] : memref<2048xi32, #tpu.memory_space<hbm>> -> memref<2048xi32, #tpu.memory_space<hbm>>
      tpu.wait_indirect_dma semaphore(%arg15 : memref<!tpu.dma_semaphore, #tpu.memory_space<semaphore_mem>>) src(%dma_wait3A_212 : memref<2048xi32, #tpu.memory_space<hbm>>) dst(%dma_wait3A_207 : memref<128xi32, #tpu.memory_space<vmem>>)
      %mul3A_213 = arith.constant 8 : i32
      %mul3A_214 = arith.muli %scan3A_68, %mul3A_213 : i32
      %add3A_215 = arith.constant 4 : i32
      %add3A_216 = arith.addi %mul3A_214, %add3A_215 : i32
      %dma_wait3A_217 = arith.constant 0 : i32
      %dma_wait3A_218 = tpu.memref_slice %arg13[%add3A_216, %dma_wait3A_217] : memref<80x128xi32, #tpu.memory_space<vmem>> -> memref<1x128xi32, #tpu.memory_space<vmem>>
      %dma_wait3A_219 = tpu.memref_squeeze %dma_wait3A_218 : memref<1x128xi32, #tpu.memory_space<vmem>> -> memref<128xi32, #tpu.memory_space<vmem>>
      %dma_wait3A_220 = arith.constant 0 : i32
      %dma_wait3A_221 = tpu.memref_slice %arg11[%add3A_216, %dma_wait3A_220] : memref<80x128xi32, #tpu.memory_space<vmem>> -> memref<1x128xi32, #tpu.memory_space<vmem>>
      %dma_wait3A_222 = tpu.memref_squeeze %dma_wait3A_221 : memref<1x128xi32, #tpu.memory_space<vmem>> -> memref<128xi32, #tpu.memory_space<vmem>>
      %dma_wait3A_223 = arith.constant 0 : i32
      %dma_wait3A_224 = tpu.memref_slice %arg6[%dma_wait3A_223] : memref<2048xi32, #tpu.memory_space<hbm>> -> memref<2048xi32, #tpu.memory_space<hbm>>
      tpu.wait_indirect_dma semaphore(%arg15 : memref<!tpu.dma_semaphore, #tpu.memory_space<semaphore_mem>>) src(%dma_wait3A_224 : memref<2048xi32, #tpu.memory_space<hbm>>) dst(%dma_wait3A_219 : memref<128xi32, #tpu.memory_space<vmem>>)
      %mul3A_225 = arith.constant 8 : i32
      %mul3A_226 = arith.muli %scan3A_68, %mul3A_225 : i32
      %add3A_227 = arith.constant 5 : i32
      %add3A_228 = arith.addi %mul3A_226, %add3A_227 : i32
      %dma_wait3A_229 = arith.constant 0 : i32
      %dma_wait3A_230 = tpu.memref_slice %arg13[%add3A_228, %dma_wait3A_229] : memref<80x128xi32, #tpu.memory_space<vmem>> -> memref<1x128xi32, #tpu.memory_space<vmem>>
      %dma_wait3A_231 = tpu.memref_squeeze %dma_wait3A_230 : memref<1x128xi32, #tpu.memory_space<vmem>> -> memref<128xi32, #tpu.memory_space<vmem>>
      %dma_wait3A_232 = arith.constant 0 : i32
      %dma_wait3A_233 = tpu.memref_slice %arg11[%add3A_228, %dma_wait3A_232] : memref<80x128xi32, #tpu.memory_space<vmem>> -> memref<1x128xi32, #tpu.memory_space<vmem>>
      %dma_wait3A_234 = tpu.memref_squeeze %dma_wait3A_233 : memref<1x128xi32, #tpu.memory_space<vmem>> -> memref<128xi32, #tpu.memory_space<vmem>>
      %dma_wait3A_235 = arith.constant 0 : i32
      %dma_wait3A_236 = tpu.memref_slice %arg6[%dma_wait3A_235] : memref<2048xi32, #tpu.memory_space<hbm>> -> memref<2048xi32, #tpu.memory_space<hbm>>
      tpu.wait_indirect_dma semaphore(%arg15 : memref<!tpu.dma_semaphore, #tpu.memory_space<semaphore_mem>>) src(%dma_wait3A_236 : memref<2048xi32, #tpu.memory_space<hbm>>) dst(%dma_wait3A_231 : memref<128xi32, #tpu.memory_space<vmem>>)
      %mul3A_237 = arith.constant 8 : i32
      %mul3A_238 = arith.muli %scan3A_68, %mul3A_237 : i32
      %add3A_239 = arith.constant 6 : i32
      %add3A_240 = arith.addi %mul3A_238, %add3A_239 : i32
      %dma_wait3A_241 = arith.constant 0 : i32
      %dma_wait3A_242 = tpu.memref_slice %arg13[%add3A_240, %dma_wait3A_241] : memref<80x128xi32, #tpu.memory_space<vmem>> -> memref<1x128xi32, #tpu.memory_space<vmem>>
      %dma_wait3A_243 = tpu.memref_squeeze %dma_wait3A_242 : memref<1x128xi32, #tpu.memory_space<vmem>> -> memref<128xi32, #tpu.memory_space<vmem>>
      %dma_wait3A_244 = arith.constant 0 : i32
      %dma_wait3A_245 = tpu.memref_slice %arg11[%add3A_240, %dma_wait3A_244] : memref<80x128xi32, #tpu.memory_space<vmem>> -> memref<1x128xi32, #tpu.memory_space<vmem>>
      %dma_wait3A_246 = tpu.memref_squeeze %dma_wait3A_245 : memref<1x128xi32, #tpu.memory_space<vmem>> -> memref<128xi32, #tpu.memory_space<vmem>>
      %dma_wait3A_247 = arith.constant 0 : i32
      %dma_wait3A_248 = tpu.memref_slice %arg6[%dma_wait3A_247] : memref<2048xi32, #tpu.memory_space<hbm>> -> memref<2048xi32, #tpu.memory_space<hbm>>
      tpu.wait_indirect_dma semaphore(%arg15 : memref<!tpu.dma_semaphore, #tpu.memory_space<semaphore_mem>>) src(%dma_wait3A_248 : memref<2048xi32, #tpu.memory_space<hbm>>) dst(%dma_wait3A_243 : memref<128xi32, #tpu.memory_space<vmem>>)
      %mul3A_249 = arith.constant 8 : i32
      %mul3A_250 = arith.muli %scan3A_68, %mul3A_249 : i32
      %add3A_251 = arith.constant 7 : i32
      %add3A_252 = arith.addi %mul3A_250, %add3A_251 : i32
      %dma_wait3A_253 = arith.constant 0 : i32
      %dma_wait3A_254 = tpu.memref_slice %arg13[%add3A_252, %dma_wait3A_253] : memref<80x128xi32, #tpu.memory_space<vmem>> -> memref<1x128xi32, #tpu.memory_space<vmem>>
      %dma_wait3A_255 = tpu.memref_squeeze %dma_wait3A_254 : memref<1x128xi32, #tpu.memory_space<vmem>> -> memref<128xi32, #tpu.memory_space<vmem>>
      %dma_wait3A_256 = arith.constant 0 : i32
      %dma_wait3A_257 = tpu.memref_slice %arg11[%add3A_252, %dma_wait3A_256] : memref<80x128xi32, #tpu.memory_space<vmem>> -> memref<1x128xi32, #tpu.memory_space<vmem>>
      %dma_wait3A_258 = tpu.memref_squeeze %dma_wait3A_257 : memref<1x128xi32, #tpu.memory_space<vmem>> -> memref<128xi32, #tpu.memory_space<vmem>>
      %dma_wait3A_259 = arith.constant 0 : i32
      %dma_wait3A_260 = tpu.memref_slice %arg6[%dma_wait3A_259] : memref<2048xi32, #tpu.memory_space<hbm>> -> memref<2048xi32, #tpu.memory_space<hbm>>
      tpu.wait_indirect_dma semaphore(%arg15 : memref<!tpu.dma_semaphore, #tpu.memory_space<semaphore_mem>>) src(%dma_wait3A_260 : memref<2048xi32, #tpu.memory_space<hbm>>) dst(%dma_wait3A_255 : memref<128xi32, #tpu.memory_space<vmem>>)
    }
    %scan3A_31 = arith.constant 10 : i32
    %scan3A_32 = arith.constant 0 : i32
    %scan3A_33 = arith.constant 0 : i32
    %scan3A_34 = arith.constant 80 : i32
    %scan3A_35 = arith.addi %scan3A_33, %scan3A_34 : i32
    %scan3A_36 = arith.constant 1 : i32
    scf.for %scan3A_68 = %scan3A_33 to %scan3A_35 step %scan3A_36  : i32 {
      %iota3A = tpu.iota {dimensions = array<i32: 0>} : vector<16xi32>
      %mul3A_69 = arith.constant 128 : i32
      %mul3A_70 = arith.muli %scan3A_68, %mul3A_69 : i32
      %add3A_71 = arith.addi %mul3A_2, %mul3A_70 : i32
      %add3A_72 = arith.constant 0 : i32
      %add3A_73 = arith.addi %add3A_71, %add3A_72 : i32
      %add3A_74 = vector.broadcast %add3A_73 : i32 to vector<16xi32>
      %add3A_75 = arith.addi %iota3A, %add3A_74 : vector<16xi32>
      %get3A = arith.index_cast %scan3A_68 : i32 to index
      %get3A_76 = arith.constant 0 : index
      %get3A_77 = tpu.vector_load %arg13[%get3A, %get3A_76] {strides = array<i32>} : memref<80x128xi32, #tpu.memory_space<vmem>>, vector<1x16xi32>,
      %get3A_78 = vector.shape_cast %get3A_77 : vector<1x16xi32> to vector<16xi32>
      %get3A_79 = arith.index_cast %scan3A_68 : i32 to index
      %get3A_80 = arith.constant 0 : index
      %get3A_81 = tpu.vector_load %arg12[%get3A_79, %get3A_80] {strides = array<i32>} : memref<80x128xi32, #tpu.memory_space<vmem>>, vector<1x16xi32>,
      %get3A_82 = vector.shape_cast %get3A_81 : vector<1x16xi32> to vector<16xi32>
      %ge3A = arith.constant 320000 : i32
      %ge3A_83 = vector.broadcast %ge3A : i32 to vector<16xi32>
      %ge3A_84 = arith.cmpi sge, %add3A_75, %ge3A_83 : vector<16xi32>
      %add3A_85 = arith.addi %get3A_78, %get3A_82 : vector<16xi32>
      %select_n3A = arith.select %ge3A_84, %add3A_75, %add3A_85 : vector<16xi1>, vector<16xi32>
      %swap3A = arith.index_cast %scan3A_68 : i32 to index
      %swap3A_86 = arith.constant 0 : index
      %swap3A_87 = tpu.vector_load %arg13[%swap3A, %swap3A_86] {strides = array<i32>} : memref<80x128xi32, #tpu.memory_space<vmem>>, vector<1x16xi32>,
      %swap3A_88 = vector.shape_cast %swap3A_87 : vector<1x16xi32> to vector<16xi32>
      %swap3A_89 = vector.shape_cast %select_n3A : vector<16xi32> to vector<1x16xi32>
      tpu.vector_store %arg13[%swap3A, %swap3A_86], %swap3A_89 {strides = array<i32>} : memref<80x128xi32, #tpu.memory_space<vmem>>, vector<1x16xi32>,
      %iota3A_90 = tpu.iota {dimensions = array<i32: 0>} : vector<16xi32>
      %mul3A_91 = arith.constant 128 : i32
      %mul3A_92 = arith.muli %scan3A_68, %mul3A_91 : i32
      %add3A_93 = arith.addi %mul3A_2, %mul3A_92 : i32
      %add3A_94 = arith.constant 16 : i32
      %add3A_95 = arith.addi %add3A_93, %add3A_94 : i32
      %add3A_96 = vector.broadcast %add3A_95 : i32 to vector<16xi32>
      %add3A_97 = arith.addi %iota3A_90, %add3A_96 : vector<16xi32>
      %get3A_98 = arith.index_cast %scan3A_68 : i32 to index
      %get3A_99 = arith.constant 16 : index
      %get3A_100 = tpu.vector_load %arg13[%get3A_98, %get3A_99] {strides = array<i32>} : memref<80x128xi32, #tpu.memory_space<vmem>>, vector<1x16xi32>,
      %get3A_101 = vector.shape_cast %get3A_100 : vector<1x16xi32> to vector<16xi32>
      %get3A_102 = arith.index_cast %scan3A_68 : i32 to index
      %get3A_103 = arith.constant 16 : index
      %get3A_104 = tpu.vector_load %arg12[%get3A_102, %get3A_103] {strides = array<i32>} : memref<80x128xi32, #tpu.memory_space<vmem>>, vector<1x16xi32>,
      %get3A_105 = vector.shape_cast %get3A_104 : vector<1x16xi32> to vector<16xi32>
      %ge3A_106 = arith.constant 320000 : i32
      %ge3A_107 = vector.broadcast %ge3A_106 : i32 to vector<16xi32>
      %ge3A_108 = arith.cmpi sge, %add3A_97, %ge3A_107 : vector<16xi32>
      %add3A_109 = arith.addi %get3A_101, %get3A_105 : vector<16xi32>
      %select_n3A_110 = arith.select %ge3A_108, %add3A_97, %add3A_109 : vector<16xi1>, vector<16xi32>
      %swap3A_111 = arith.index_cast %scan3A_68 : i32 to index
      %swap3A_112 = arith.constant 16 : index
      %swap3A_113 = tpu.vector_load %arg13[%swap3A_111, %swap3A_112] {strides = array<i32>} : memref<80x128xi32, #tpu.memory_space<vmem>>, vector<1x16xi32>,
      %swap3A_114 = vector.shape_cast %swap3A_113 : vector<1x16xi32> to vector<16xi32>
      %swap3A_115 = vector.shape_cast %select_n3A_110 : vector<16xi32> to vector<1x16xi32>
      tpu.vector_store %arg13[%swap3A_111, %swap3A_112], %swap3A_115 {strides = array<i32>} : memref<80x128xi32, #tpu.memory_space<vmem>>, vector<1x16xi32>,
      %iota3A_116 = tpu.iota {dimensions = array<i32: 0>} : vector<16xi32>
      %mul3A_117 = arith.constant 128 : i32
      %mul3A_118 = arith.muli %scan3A_68, %mul3A_117 : i32
      %add3A_119 = arith.addi %mul3A_2, %mul3A_118 : i32
      %add3A_120 = arith.constant 32 : i32
      %add3A_121 = arith.addi %add3A_119, %add3A_120 : i32
      %add3A_122 = vector.broadcast %add3A_121 : i32 to vector<16xi32>
      %add3A_123 = arith.addi %iota3A_116, %add3A_122 : vector<16xi32>
      %get3A_124 = arith.index_cast %scan3A_68 : i32 to index
      %get3A_125 = arith.constant 32 : index
      %get3A_126 = tpu.vector_load %arg13[%get3A_124, %get3A_125] {strides = array<i32>} : memref<80x128xi32, #tpu.memory_space<vmem>>, vector<1x16xi32>,
      %get3A_127 = vector.shape_cast %get3A_126 : vector<1x16xi32> to vector<16xi32>
      %get3A_128 = arith.index_cast %scan3A_68 : i32 to index
      %get3A_129 = arith.constant 32 : index
      %get3A_130 = tpu.vector_load %arg12[%get3A_128, %get3A_129] {strides = array<i32>} : memref<80x128xi32, #tpu.memory_space<vmem>>, vector<1x16xi32>,
      %get3A_131 = vector.shape_cast %get3A_130 : vector<1x16xi32> to vector<16xi32>
      %ge3A_132 = arith.constant 320000 : i32
      %ge3A_133 = vector.broadcast %ge3A_132 : i32 to vector<16xi32>
      %ge3A_134 = arith.cmpi sge, %add3A_123, %ge3A_133 : vector<16xi32>
      %add3A_135 = arith.addi %get3A_127, %get3A_131 : vector<16xi32>
      %select_n3A_136 = arith.select %ge3A_134, %add3A_123, %add3A_135 : vector<16xi1>, vector<16xi32>
      %swap3A_137 = arith.index_cast %scan3A_68 : i32 to index
      %swap3A_138 = arith.constant 32 : index
      %swap3A_139 = tpu.vector_load %arg13[%swap3A_137, %swap3A_138] {strides = array<i32>} : memref<80x128xi32, #tpu.memory_space<vmem>>, vector<1x16xi32>,
      %swap3A_140 = vector.shape_cast %swap3A_139 : vector<1x16xi32> to vector<16xi32>
      %swap3A_141 = vector.shape_cast %select_n3A_136 : vector<16xi32> to vector<1x16xi32>
      tpu.vector_store %arg13[%swap3A_137, %swap3A_138], %swap3A_141 {strides = array<i32>} : memref<80x128xi32, #tpu.memory_space<vmem>>, vector<1x16xi32>,
      %iota3A_142 = tpu.iota {dimensions = array<i32: 0>} : vector<16xi32>
      %mul3A_143 = arith.constant 128 : i32
      %mul3A_144 = arith.muli %scan3A_68, %mul3A_143 : i32
      %add3A_145 = arith.addi %mul3A_2, %mul3A_144 : i32
      %add3A_146 = arith.constant 48 : i32
      %add3A_147 = arith.addi %add3A_145, %add3A_146 : i32
      %add3A_148 = vector.broadcast %add3A_147 : i32 to vector<16xi32>
      %add3A_149 = arith.addi %iota3A_142, %add3A_148 : vector<16xi32>
      %get3A_150 = arith.index_cast %scan3A_68 : i32 to index
      %get3A_151 = arith.constant 48 : index
      %get3A_152 = tpu.vector_load %arg13[%get3A_150, %get3A_151] {strides = array<i32>} : memref<80x128xi32, #tpu.memory_space<vmem>>, vector<1x16xi32>,
      %get3A_153 = vector.shape_cast %get3A_152 : vector<1x16xi32> to vector<16xi32>
      %get3A_154 = arith.index_cast %scan3A_68 : i32 to index
      %get3A_155 = arith.constant 48 : index
      %get3A_156 = tpu.vector_load %arg12[%get3A_154, %get3A_155] {strides = array<i32>} : memref<80x128xi32, #tpu.memory_space<vmem>>, vector<1x16xi32>,
      %get3A_157 = vector.shape_cast %get3A_156 : vector<1x16xi32> to vector<16xi32>
      %ge3A_158 = arith.constant 320000 : i32
      %ge3A_159 = vector.broadcast %ge3A_158 : i32 to vector<16xi32>
      %ge3A_160 = arith.cmpi sge, %add3A_149, %ge3A_159 : vector<16xi32>
      %add3A_161 = arith.addi %get3A_153, %get3A_157 : vector<16xi32>
      %select_n3A_162 = arith.select %ge3A_160, %add3A_149, %add3A_161 : vector<16xi1>, vector<16xi32>
      %swap3A_163 = arith.index_cast %scan3A_68 : i32 to index
      %swap3A_164 = arith.constant 48 : index
      %swap3A_165 = tpu.vector_load %arg13[%swap3A_163, %swap3A_164] {strides = array<i32>} : memref<80x128xi32, #tpu.memory_space<vmem>>, vector<1x16xi32>,
      %swap3A_166 = vector.shape_cast %swap3A_165 : vector<1x16xi32> to vector<16xi32>
      %swap3A_167 = vector.shape_cast %select_n3A_162 : vector<16xi32> to vector<1x16xi32>
      tpu.vector_store %arg13[%swap3A_163, %swap3A_164], %swap3A_167 {strides = array<i32>} : memref<80x128xi32, #tpu.memory_space<vmem>>, vector<1x16xi32>,
      %iota3A_168 = tpu.iota {dimensions = array<i32: 0>} : vector<16xi32>
      %mul3A_169 = arith.constant 128 : i32
      %mul3A_170 = arith.muli %scan3A_68, %mul3A_169 : i32
      %add3A_171 = arith.addi %mul3A_2, %mul3A_170 : i32
      %add3A_172 = arith.constant 64 : i32
      %add3A_173 = arith.addi %add3A_171, %add3A_172 : i32
      %add3A_174 = vector.broadcast %add3A_173 : i32 to vector<16xi32>
      %add3A_175 = arith.addi %iota3A_168, %add3A_174 : vector<16xi32>
      %get3A_176 = arith.index_cast %scan3A_68 : i32 to index
      %get3A_177 = arith.constant 64 : index
      %get3A_178 = tpu.vector_load %arg13[%get3A_176, %get3A_177] {strides = array<i32>} : memref<80x128xi32, #tpu.memory_space<vmem>>, vector<1x16xi32>,
      %get3A_179 = vector.shape_cast %get3A_178 : vector<1x16xi32> to vector<16xi32>
      %get3A_180 = arith.index_cast %scan3A_68 : i32 to index
      %get3A_181 = arith.constant 64 : index
      %get3A_182 = tpu.vector_load %arg12[%get3A_180, %get3A_181] {strides = array<i32>} : memref<80x128xi32, #tpu.memory_space<vmem>>, vector<1x16xi32>,
      %get3A_183 = vector.shape_cast %get3A_182 : vector<1x16xi32> to vector<16xi32>
      %ge3A_184 = arith.constant 320000 : i32
      %ge3A_185 = vector.broadcast %ge3A_184 : i32 to vector<16xi32>
      %ge3A_186 = arith.cmpi sge, %add3A_175, %ge3A_185 : vector<16xi32>
      %add3A_187 = arith.addi %get3A_179, %get3A_183 : vector<16xi32>
      %select_n3A_188 = arith.select %ge3A_186, %add3A_175, %add3A_187 : vector<16xi1>, vector<16xi32>
      %swap3A_189 = arith.index_cast %scan3A_68 : i32 to index
      %swap3A_190 = arith.constant 64 : index
      %swap3A_191 = tpu.vector_load %arg13[%swap3A_189, %swap3A_190] {strides = array<i32>} : memref<80x128xi32, #tpu.memory_space<vmem>>, vector<1x16xi32>,
      %swap3A_192 = vector.shape_cast %swap3A_191 : vector<1x16xi32> to vector<16xi32>
      %swap3A_193 = vector.shape_cast %select_n3A_188 : vector<16xi32> to vector<1x16xi32>
      tpu.vector_store %arg13[%swap3A_189, %swap3A_190], %swap3A_193 {strides = array<i32>} : memref<80x128xi32, #tpu.memory_space<vmem>>, vector<1x16xi32>,
      %iota3A_194 = tpu.iota {dimensions = array<i32: 0>} : vector<16xi32>
      %mul3A_195 = arith.constant 128 : i32
      %mul3A_196 = arith.muli %scan3A_68, %mul3A_195 : i32
      %add3A_197 = arith.addi %mul3A_2, %mul3A_196 : i32
      %add3A_198 = arith.constant 80 : i32
      %add3A_199 = arith.addi %add3A_197, %add3A_198 : i32
      %add3A_200 = vector.broadcast %add3A_199 : i32 to vector<16xi32>
      %add3A_201 = arith.addi %iota3A_194, %add3A_200 : vector<16xi32>
      %get3A_202 = arith.index_cast %scan3A_68 : i32 to index
      %get3A_203 = arith.constant 80 : index
      %get3A_204 = tpu.vector_load %arg13[%get3A_202, %get3A_203] {strides = array<i32>} : memref<80x128xi32, #tpu.memory_space<vmem>>, vector<1x16xi32>,
      %get3A_205 = vector.shape_cast %get3A_204 : vector<1x16xi32> to vector<16xi32>
      %get3A_206 = arith.index_cast %scan3A_68 : i32 to index
      %get3A_207 = arith.constant 80 : index
      %get3A_208 = tpu.vector_load %arg12[%get3A_206, %get3A_207] {strides = array<i32>} : memref<80x128xi32, #tpu.memory_space<vmem>>, vector<1x16xi32>,
      %get3A_209 = vector.shape_cast %get3A_208 : vector<1x16xi32> to vector<16xi32>
      %ge3A_210 = arith.constant 320000 : i32
      %ge3A_211 = vector.broadcast %ge3A_210 : i32 to vector<16xi32>
      %ge3A_212 = arith.cmpi sge, %add3A_201, %ge3A_211 : vector<16xi32>
      %add3A_213 = arith.addi %get3A_205, %get3A_209 : vector<16xi32>
      %select_n3A_214 = arith.select %ge3A_212, %add3A_201, %add3A_213 : vector<16xi1>, vector<16xi32>
      %swap3A_215 = arith.index_cast %scan3A_68 : i32 to index
      %swap3A_216 = arith.constant 80 : index
      %swap3A_217 = tpu.vector_load %arg13[%swap3A_215, %swap3A_216] {strides = array<i32>} : memref<80x128xi32, #tpu.memory_space<vmem>>, vector<1x16xi32>,
      %swap3A_218 = vector.shape_cast %swap3A_217 : vector<1x16xi32> to vector<16xi32>
      %swap3A_219 = vector.shape_cast %select_n3A_214 : vector<16xi32> to vector<1x16xi32>
      tpu.vector_store %arg13[%swap3A_215, %swap3A_216], %swap3A_219 {strides = array<i32>} : memref<80x128xi32, #tpu.memory_space<vmem>>, vector<1x16xi32>,
      %iota3A_220 = tpu.iota {dimensions = array<i32: 0>} : vector<16xi32>
      %mul3A_221 = arith.constant 128 : i32
      %mul3A_222 = arith.muli %scan3A_68, %mul3A_221 : i32
      %add3A_223 = arith.addi %mul3A_2, %mul3A_222 : i32
      %add3A_224 = arith.constant 96 : i32
      %add3A_225 = arith.addi %add3A_223, %add3A_224 : i32
      %add3A_226 = vector.broadcast %add3A_225 : i32 to vector<16xi32>
      %add3A_227 = arith.addi %iota3A_220, %add3A_226 : vector<16xi32>
      %get3A_228 = arith.index_cast %scan3A_68 : i32 to index
      %get3A_229 = arith.constant 96 : index
      %get3A_230 = tpu.vector_load %arg13[%get3A_228, %get3A_229] {strides = array<i32>} : memref<80x128xi32, #tpu.memory_space<vmem>>, vector<1x16xi32>,
      %get3A_231 = vector.shape_cast %get3A_230 : vector<1x16xi32> to vector<16xi32>
      %get3A_232 = arith.index_cast %scan3A_68 : i32 to index
      %get3A_233 = arith.constant 96 : index
      %get3A_234 = tpu.vector_load %arg12[%get3A_232, %get3A_233] {strides = array<i32>} : memref<80x128xi32, #tpu.memory_space<vmem>>, vector<1x16xi32>,
      %get3A_235 = vector.shape_cast %get3A_234 : vector<1x16xi32> to vector<16xi32>
      %ge3A_236 = arith.constant 320000 : i32
      %ge3A_237 = vector.broadcast %ge3A_236 : i32 to vector<16xi32>
      %ge3A_238 = arith.cmpi sge, %add3A_227, %ge3A_237 : vector<16xi32>
      %add3A_239 = arith.addi %get3A_231, %get3A_235 : vector<16xi32>
      %select_n3A_240 = arith.select %ge3A_238, %add3A_227, %add3A_239 : vector<16xi1>, vector<16xi32>
      %swap3A_241 = arith.index_cast %scan3A_68 : i32 to index
      %swap3A_242 = arith.constant 96 : index
      %swap3A_243 = tpu.vector_load %arg13[%swap3A_241, %swap3A_242] {strides = array<i32>} : memref<80x128xi32, #tpu.memory_space<vmem>>, vector<1x16xi32>,
      %swap3A_244 = vector.shape_cast %swap3A_243 : vector<1x16xi32> to vector<16xi32>
      %swap3A_245 = vector.shape_cast %select_n3A_240 : vector<16xi32> to vector<1x16xi32>
      tpu.vector_store %arg13[%swap3A_241, %swap3A_242], %swap3A_245 {strides = array<i32>} : memref<80x128xi32, #tpu.memory_space<vmem>>, vector<1x16xi32>,
      %iota3A_246 = tpu.iota {dimensions = array<i32: 0>} : vector<16xi32>
      %mul3A_247 = arith.constant 128 : i32
      %mul3A_248 = arith.muli %scan3A_68, %mul3A_247 : i32
      %add3A_249 = arith.addi %mul3A_2, %mul3A_248 : i32
      %add3A_250 = arith.constant 112 : i32
      %add3A_251 = arith.addi %add3A_249, %add3A_250 : i32
      %add3A_252 = vector.broadcast %add3A_251 : i32 to vector<16xi32>
      %add3A_253 = arith.addi %iota3A_246, %add3A_252 : vector<16xi32>
      %get3A_254 = arith.index_cast %scan3A_68 : i32 to index
      %get3A_255 = arith.constant 112 : index
      %get3A_256 = tpu.vector_load %arg13[%get3A_254, %get3A_255] {strides = array<i32>} : memref<80x128xi32, #tpu.memory_space<vmem>>, vector<1x16xi32>,
      %get3A_257 = vector.shape_cast %get3A_256 : vector<1x16xi32> to vector<16xi32>
      %get3A_258 = arith.index_cast %scan3A_68 : i32 to index
      %get3A_259 = arith.constant 112 : index
      %get3A_260 = tpu.vector_load %arg12[%get3A_258, %get3A_259] {strides = array<i32>} : memref<80x128xi32, #tpu.memory_space<vmem>>, vector<1x16xi32>,
      %get3A_261 = vector.shape_cast %get3A_260 : vector<1x16xi32> to vector<16xi32>
      %ge3A_262 = arith.constant 320000 : i32
      %ge3A_263 = vector.broadcast %ge3A_262 : i32 to vector<16xi32>
      %ge3A_264 = arith.cmpi sge, %add3A_253, %ge3A_263 : vector<16xi32>
      %add3A_265 = arith.addi %get3A_257, %get3A_261 : vector<16xi32>
      %select_n3A_266 = arith.select %ge3A_264, %add3A_253, %add3A_265 : vector<16xi1>, vector<16xi32>
      %swap3A_267 = arith.index_cast %scan3A_68 : i32 to index
      %swap3A_268 = arith.constant 112 : index
      %swap3A_269 = tpu.vector_load %arg13[%swap3A_267, %swap3A_268] {strides = array<i32>} : memref<80x128xi32, #tpu.memory_space<vmem>>, vector<1x16xi32>,
      %swap3A_270 = vector.shape_cast %swap3A_269 : vector<1x16xi32> to vector<16xi32>
      %swap3A_271 = vector.shape_cast %select_n3A_266 : vector<16xi32> to vector<1x16xi32>
      tpu.vector_store %arg13[%swap3A_267, %swap3A_268], %swap3A_271 {strides = array<i32>} : memref<80x128xi32, #tpu.memory_space<vmem>>, vector<1x16xi32>,
    }
    %scan3A_37 = arith.constant 80 : i32
    %dma_start3A_38 = arith.constant 0 : i32
    %dma_start3A_39 = arith.constant 0 : i32
    %dma_start3A_40 = arith.constant 0 : i32
    %dma_start3A_41 = arith.constant 0 : i32
    %dma_start3A_42 = tpu.memref_slice %arg14[%dma_start3A_39, %dma_start3A_40, %dma_start3A_41] : memref<2x128x128xf32, #tpu.memory_space<vmem>> -> memref<1x128x128xf32, #tpu.memory_space<vmem>>
    %dma_start3A_43 = tpu.memref_squeeze %dma_start3A_42 : memref<1x128x128xf32, #tpu.memory_space<vmem>> -> memref<128x128xf32, #tpu.memory_space<vmem>>
    %dma_start3A_44 = arith.constant 0 : i32
    %dma_start3A_45 = tpu.memref_slice %arg10[%dma_start3A_38, %dma_start3A_44] : memref<80x128xi32, #tpu.memory_space<vmem>> -> memref<1x128xi32, #tpu.memory_space<vmem>>
    %dma_start3A_46 = tpu.memref_squeeze %dma_start3A_45 : memref<1x128xi32, #tpu.memory_space<vmem>> -> memref<128xi32, #tpu.memory_space<vmem>>
    %dma_start3A_47 = arith.constant 0 : i32
    %dma_start3A_48 = arith.constant 0 : i32
    %dma_start3A_49 = tpu.memref_slice %arg7[%dma_start3A_47, %dma_start3A_48] : memref<10000x128xf32, #tpu.memory_space<hbm>> -> memref<10000x128xf32, #tpu.memory_space<hbm>>
    tpu.enqueue_indirect_dma source(%dma_start3A_49 : memref<10000x128xf32, #tpu.memory_space<hbm>>) target(%dma_start3A_43 : memref<128x128xf32, #tpu.memory_space<vmem>>) offsets(%dma_start3A_46 : memref<128xi32, #tpu.memory_space<vmem>>) semaphore(%arg16 : memref<!tpu.dma_semaphore, #tpu.memory_space<semaphore_mem>>)
    %scan3A_50 = arith.constant 0 : i32
    %scan3A_51 = arith.constant 0 : i32
    %scan3A_52 = arith.constant 80 : i32
    %scan3A_53 = arith.addi %scan3A_51, %scan3A_52 : i32
    %scan3A_54 = arith.constant 1 : i32
    scf.for %scan3A_68 = %scan3A_51 to %scan3A_53 step %scan3A_54  : i32 {
      %rem3A_69 = arith.constant 2 : i32
      %rem3A_70 = arith.remsi %scan3A_68, %rem3A_69 : i32
      %dma_wait3A_71 = arith.constant 0 : i32
      %dma_wait3A_72 = arith.constant 0 : i32
      %dma_wait3A_73 = tpu.memref_slice %arg14[%rem3A_70, %dma_wait3A_71, %dma_wait3A_72] : memref<2x128x128xf32, #tpu.memory_space<vmem>> -> memref<1x128x128xf32, #tpu.memory_space<vmem>>
      %dma_wait3A_74 = tpu.memref_squeeze %dma_wait3A_73 : memref<1x128x128xf32, #tpu.memory_space<vmem>> -> memref<128x128xf32, #tpu.memory_space<vmem>>
      %dma_wait3A_75 = arith.constant 0 : i32
      %dma_wait3A_76 = tpu.memref_slice %arg10[%scan3A_68, %dma_wait3A_75] : memref<80x128xi32, #tpu.memory_space<vmem>> -> memref<1x128xi32, #tpu.memory_space<vmem>>
      %dma_wait3A_77 = tpu.memref_squeeze %dma_wait3A_76 : memref<1x128xi32, #tpu.memory_space<vmem>> -> memref<128xi32, #tpu.memory_space<vmem>>
      %dma_wait3A_78 = arith.constant 0 : i32
      %dma_wait3A_79 = arith.constant 0 : i32
      %dma_wait3A_80 = tpu.memref_slice %arg7[%dma_wait3A_78, %dma_wait3A_79] : memref<10000x128xf32, #tpu.memory_space<hbm>> -> memref<10000x128xf32, #tpu.memory_space<hbm>>
      tpu.wait_indirect_dma semaphore(%arg16 : memref<!tpu.dma_semaphore, #tpu.memory_space<semaphore_mem>>) src(%dma_wait3A_80 : memref<10000x128xf32, #tpu.memory_space<hbm>>) dst(%dma_wait3A_74 : memref<128x128xf32, #tpu.memory_space<vmem>>)
      %add3A_81 = arith.constant 1 : i32
      %add3A_82 = arith.addi %scan3A_68, %add3A_81 : i32
      %lt3A = arith.constant 80 : i32
      %lt3A_83 = arith.cmpi slt, %add3A_82, %lt3A : i32
      %convert_element_type3A_84 = arith.extui %lt3A_83 : i1 to i32
      %cond3A_85 = arith.constant 0 : i32
      %cond3A_86 = arith.cmpi ne, %convert_element_type3A_84, %cond3A_85 : i32
      scf.if %cond3A_86 {
        %ge3A = arith.constant 1 : i32
        %ge3A_92 = arith.cmpi sge, %scan3A_68, %ge3A : i32
        %convert_element_type3A_93 = arith.extui %ge3A_92 : i1 to i32
        %cond3A_94 = arith.constant 0 : i32
        %cond3A_95 = arith.cmpi ne, %convert_element_type3A_93, %cond3A_94 : i32
        scf.if %cond3A_95 {
          %eq3A_109 = arith.constant 0 : i32
          %eq3A_110 = arith.cmpi eq, %rem3A_70, %eq3A_109 : i32
          %convert_element_type3A_111 = arith.extui %eq3A_110 : i1 to i32
          %cond3A_112 = arith.constant 0 : i32
          %cond3A_113 = arith.cmpi ne, %convert_element_type3A_111, %cond3A_112 : i32
          scf.if %cond3A_113 {
            %sub3A_114 = arith.constant 1 : i32
            %sub3A_115 = arith.subi %scan3A_68, %sub3A_114 : i32
            %sub3A_116 = arith.constant 1 : i32
            %sub3A_117 = arith.subi %sub3A_116, %rem3A_70 : i32
            %dma_wait3A_118 = arith.constant 0 : i32
            %dma_wait3A_119 = arith.constant 0 : i32
            %dma_wait3A_120 = tpu.memref_slice %arg14[%sub3A_117, %dma_wait3A_118, %dma_wait3A_119] : memref<2x128x128xf32, #tpu.memory_space<vmem>> -> memref<1x128x128xf32, #tpu.memory_space<vmem>>
            %dma_wait3A_121 = tpu.memref_squeeze %dma_wait3A_120 : memref<1x128x128xf32, #tpu.memory_space<vmem>> -> memref<128x128xf32, #tpu.memory_space<vmem>>
            %dma_wait3A_122 = arith.constant 0 : i32
            %dma_wait3A_123 = tpu.memref_slice %arg13[%sub3A_115, %dma_wait3A_122] : memref<80x128xi32, #tpu.memory_space<vmem>> -> memref<1x128xi32, #tpu.memory_space<vmem>>
            %dma_wait3A_124 = tpu.memref_squeeze %dma_wait3A_123 : memref<1x128xi32, #tpu.memory_space<vmem>> -> memref<128xi32, #tpu.memory_space<vmem>>
            %dma_wait3A_125 = arith.constant 0 : i32
            %dma_wait3A_126 = arith.constant 0 : i32
            %dma_wait3A_127 = tpu.memref_slice %arg8[%dma_wait3A_125, %dma_wait3A_126] : memref<327680x128xf32, #tpu.memory_space<hbm>> -> memref<327680x128xf32, #tpu.memory_space<hbm>>
            tpu.wait_indirect_dma semaphore(%arg18 : memref<!tpu.dma_semaphore, #tpu.memory_space<semaphore_mem>>) src(%dma_wait3A_121 : memref<128x128xf32, #tpu.memory_space<vmem>>) dst(%dma_wait3A_127 : memref<327680x128xf32, #tpu.memory_space<hbm>>)
          } else {
            %sub3A_114 = arith.constant 1 : i32
            %sub3A_115 = arith.subi %scan3A_68, %sub3A_114 : i32
            %sub3A_116 = arith.constant 1 : i32
            %sub3A_117 = arith.subi %sub3A_116, %rem3A_70 : i32
            %dma_wait3A_118 = arith.constant 0 : i32
            %dma_wait3A_119 = arith.constant 0 : i32
            %dma_wait3A_120 = tpu.memref_slice %arg14[%sub3A_117, %dma_wait3A_118, %dma_wait3A_119] : memref<2x128x128xf32, #tpu.memory_space<vmem>> -> memref<1x128x128xf32, #tpu.memory_space<vmem>>
            %dma_wait3A_121 = tpu.memref_squeeze %dma_wait3A_120 : memref<1x128x128xf32, #tpu.memory_space<vmem>> -> memref<128x128xf32, #tpu.memory_space<vmem>>
            %dma_wait3A_122 = arith.constant 0 : i32
            %dma_wait3A_123 = tpu.memref_slice %arg13[%sub3A_115, %dma_wait3A_122] : memref<80x128xi32, #tpu.memory_space<vmem>> -> memref<1x128xi32, #tpu.memory_space<vmem>>
            %dma_wait3A_124 = tpu.memref_squeeze %dma_wait3A_123 : memref<1x128xi32, #tpu.memory_space<vmem>> -> memref<128xi32, #tpu.memory_space<vmem>>
            %dma_wait3A_125 = arith.constant 0 : i32
            %dma_wait3A_126 = arith.constant 0 : i32
            %dma_wait3A_127 = tpu.memref_slice %arg8[%dma_wait3A_125, %dma_wait3A_126] : memref<327680x128xf32, #tpu.memory_space<hbm>> -> memref<327680x128xf32, #tpu.memory_space<hbm>>
            tpu.wait_indirect_dma semaphore(%arg17 : memref<!tpu.dma_semaphore, #tpu.memory_space<semaphore_mem>>) src(%dma_wait3A_121 : memref<128x128xf32, #tpu.memory_space<vmem>>) dst(%dma_wait3A_127 : memref<327680x128xf32, #tpu.memory_space<hbm>>)
          }
        } else {
        }
        %add3A_96 = arith.constant 1 : i32
        %add3A_97 = arith.addi %scan3A_68, %add3A_96 : i32
        %sub3A = arith.constant 1 : i32
        %sub3A_98 = arith.subi %sub3A, %rem3A_70 : i32
        %dma_start3A_99 = arith.constant 0 : i32
        %dma_start3A_100 = arith.constant 0 : i32
        %dma_start3A_101 = tpu.memref_slice %arg14[%sub3A_98, %dma_start3A_99, %dma_start3A_100] : memref<2x128x128xf32, #tpu.memory_space<vmem>> -> memref<1x128x128xf32, #tpu.memory_space<vmem>>
        %dma_start3A_102 = tpu.memref_squeeze %dma_start3A_101 : memref<1x128x128xf32, #tpu.memory_space<vmem>> -> memref<128x128xf32, #tpu.memory_space<vmem>>
        %dma_start3A_103 = arith.constant 0 : i32
        %dma_start3A_104 = tpu.memref_slice %arg10[%add3A_97, %dma_start3A_103] : memref<80x128xi32, #tpu.memory_space<vmem>> -> memref<1x128xi32, #tpu.memory_space<vmem>>
        %dma_start3A_105 = tpu.memref_squeeze %dma_start3A_104 : memref<1x128xi32, #tpu.memory_space<vmem>> -> memref<128xi32, #tpu.memory_space<vmem>>
        %dma_start3A_106 = arith.constant 0 : i32
        %dma_start3A_107 = arith.constant 0 : i32
        %dma_start3A_108 = tpu.memref_slice %arg7[%dma_start3A_106, %dma_start3A_107] : memref<10000x128xf32, #tpu.memory_space<hbm>> -> memref<10000x128xf32, #tpu.memory_space<hbm>>
        tpu.enqueue_indirect_dma source(%dma_start3A_108 : memref<10000x128xf32, #tpu.memory_space<hbm>>) target(%dma_start3A_102 : memref<128x128xf32, #tpu.memory_space<vmem>>) offsets(%dma_start3A_105 : memref<128xi32, #tpu.memory_space<vmem>>) semaphore(%arg16 : memref<!tpu.dma_semaphore, #tpu.memory_space<semaphore_mem>>)
      } else {
      }
      %eq3A_87 = arith.constant 0 : i32
      %eq3A_88 = arith.cmpi eq, %rem3A_70, %eq3A_87 : i32
      %convert_element_type3A_89 = arith.extui %eq3A_88 : i1 to i32
      %cond3A_90 = arith.constant 0 : i32
      %cond3A_91 = arith.cmpi ne, %convert_element_type3A_89, %cond3A_90 : i32
      scf.if %cond3A_91 {
        %dma_start3A_92 = arith.constant 0 : i32
        %dma_start3A_93 = arith.constant 0 : i32
        %dma_start3A_94 = tpu.memref_slice %arg14[%rem3A_70, %dma_start3A_92, %dma_start3A_93] : memref<2x128x128xf32, #tpu.memory_space<vmem>> -> memref<1x128x128xf32, #tpu.memory_space<vmem>>
        %dma_start3A_95 = tpu.memref_squeeze %dma_start3A_94 : memref<1x128x128xf32, #tpu.memory_space<vmem>> -> memref<128x128xf32, #tpu.memory_space<vmem>>
        %dma_start3A_96 = arith.constant 0 : i32
        %dma_start3A_97 = tpu.memref_slice %arg13[%scan3A_68, %dma_start3A_96] : memref<80x128xi32, #tpu.memory_space<vmem>> -> memref<1x128xi32, #tpu.memory_space<vmem>>
        %dma_start3A_98 = tpu.memref_squeeze %dma_start3A_97 : memref<1x128xi32, #tpu.memory_space<vmem>> -> memref<128xi32, #tpu.memory_space<vmem>>
        %dma_start3A_99 = arith.constant 0 : i32
        %dma_start3A_100 = arith.constant 0 : i32
        %dma_start3A_101 = tpu.memref_slice %arg8[%dma_start3A_99, %dma_start3A_100] : memref<327680x128xf32, #tpu.memory_space<hbm>> -> memref<327680x128xf32, #tpu.memory_space<hbm>>
        tpu.enqueue_indirect_dma source(%dma_start3A_95 : memref<128x128xf32, #tpu.memory_space<vmem>>) target(%dma_start3A_101 : memref<327680x128xf32, #tpu.memory_space<hbm>>) offsets(%dma_start3A_98 : memref<128xi32, #tpu.memory_space<vmem>>) semaphore(%arg17 : memref<!tpu.dma_semaphore, #tpu.memory_space<semaphore_mem>>)
      } else {
        %dma_start3A_92 = arith.constant 0 : i32
        %dma_start3A_93 = arith.constant 0 : i32
        %dma_start3A_94 = tpu.memref_slice %arg14[%rem3A_70, %dma_start3A_92, %dma_start3A_93] : memref<2x128x128xf32, #tpu.memory_space<vmem>> -> memref<1x128x128xf32, #tpu.memory_space<vmem>>
        %dma_start3A_95 = tpu.memref_squeeze %dma_start3A_94 : memref<1x128x128xf32, #tpu.memory_space<vmem>> -> memref<128x128xf32, #tpu.memory_space<vmem>>
        %dma_start3A_96 = arith.constant 0 : i32
        %dma_start3A_97 = tpu.memref_slice %arg13[%scan3A_68, %dma_start3A_96] : memref<80x128xi32, #tpu.memory_space<vmem>> -> memref<1x128xi32, #tpu.memory_space<vmem>>
        %dma_start3A_98 = tpu.memref_squeeze %dma_start3A_97 : memref<1x128xi32, #tpu.memory_space<vmem>> -> memref<128xi32, #tpu.memory_space<vmem>>
        %dma_start3A_99 = arith.constant 0 : i32
        %dma_start3A_100 = arith.constant 0 : i32
        %dma_start3A_101 = tpu.memref_slice %arg8[%dma_start3A_99, %dma_start3A_100] : memref<327680x128xf32, #tpu.memory_space<hbm>> -> memref<327680x128xf32, #tpu.memory_space<hbm>>
        tpu.enqueue_indirect_dma source(%dma_start3A_95 : memref<128x128xf32, #tpu.memory_space<vmem>>) target(%dma_start3A_101 : memref<327680x128xf32, #tpu.memory_space<hbm>>) offsets(%dma_start3A_98 : memref<128xi32, #tpu.memory_space<vmem>>) semaphore(%arg18 : memref<!tpu.dma_semaphore, #tpu.memory_space<semaphore_mem>>)
      }
    }
    %scan3A_55 = arith.constant 80 : i32
    %rem3A = arith.constant 79 : i32
    %rem3A_56 = arith.constant 2 : i32
    %rem3A_57 = arith.remsi %rem3A, %rem3A_56 : i32
    %eq3A = arith.constant 0 : i32
    %eq3A_58 = arith.cmpi eq, %rem3A_57, %eq3A : i32
    %convert_element_type3A = arith.extui %eq3A_58 : i1 to i32
    %cond3A = arith.constant 0 : i32
    %cond3A_59 = arith.cmpi ne, %convert_element_type3A, %cond3A : i32
    scf.if %cond3A_59 {
      %dma_wait3A_68 = arith.constant 0 : i32
      %dma_wait3A_69 = arith.constant 79 : i32
      %dma_wait3A_70 = arith.constant 0 : i32
      %dma_wait3A_71 = arith.constant 0 : i32
      %dma_wait3A_72 = tpu.memref_slice %arg14[%dma_wait3A_68, %dma_wait3A_70, %dma_wait3A_71] : memref<2x128x128xf32, #tpu.memory_space<vmem>> -> memref<1x128x128xf32, #tpu.memory_space<vmem>>
      %dma_wait3A_73 = tpu.memref_squeeze %dma_wait3A_72 : memref<1x128x128xf32, #tpu.memory_space<vmem>> -> memref<128x128xf32, #tpu.memory_space<vmem>>
      %dma_wait3A_74 = arith.constant 0 : i32
      %dma_wait3A_75 = tpu.memref_slice %arg13[%dma_wait3A_69, %dma_wait3A_74] : memref<80x128xi32, #tpu.memory_space<vmem>> -> memref<1x128xi32, #tpu.memory_space<vmem>>
      %dma_wait3A_76 = tpu.memref_squeeze %dma_wait3A_75 : memref<1x128xi32, #tpu.memory_space<vmem>> -> memref<128xi32, #tpu.memory_space<vmem>>
      %dma_wait3A_77 = arith.constant 0 : i32
      %dma_wait3A_78 = arith.constant 0 : i32
      %dma_wait3A_79 = tpu.memref_slice %arg8[%dma_wait3A_77, %dma_wait3A_78] : memref<327680x128xf32, #tpu.memory_space<hbm>> -> memref<327680x128xf32, #tpu.memory_space<hbm>>
      tpu.wait_indirect_dma semaphore(%arg17 : memref<!tpu.dma_semaphore, #tpu.memory_space<semaphore_mem>>) src(%dma_wait3A_73 : memref<128x128xf32, #tpu.memory_space<vmem>>) dst(%dma_wait3A_79 : memref<327680x128xf32, #tpu.memory_space<hbm>>)
    } else {
      %dma_wait3A_68 = arith.constant 1 : i32
      %dma_wait3A_69 = arith.constant 79 : i32
      %dma_wait3A_70 = arith.constant 0 : i32
      %dma_wait3A_71 = arith.constant 0 : i32
      %dma_wait3A_72 = tpu.memref_slice %arg14[%dma_wait3A_68, %dma_wait3A_70, %dma_wait3A_71] : memref<2x128x128xf32, #tpu.memory_space<vmem>> -> memref<1x128x128xf32, #tpu.memory_space<vmem>>
      %dma_wait3A_73 = tpu.memref_squeeze %dma_wait3A_72 : memref<1x128x128xf32, #tpu.memory_space<vmem>> -> memref<128x128xf32, #tpu.memory_space<vmem>>
      %dma_wait3A_74 = arith.constant 0 : i32
      %dma_wait3A_75 = tpu.memref_slice %arg13[%dma_wait3A_69, %dma_wait3A_74] : memref<80x128xi32, #tpu.memory_space<vmem>> -> memref<1x128xi32, #tpu.memory_space<vmem>>
      %dma_wait3A_76 = tpu.memref_squeeze %dma_wait3A_75 : memref<1x128xi32, #tpu.memory_space<vmem>> -> memref<128xi32, #tpu.memory_space<vmem>>
      %dma_wait3A_77 = arith.constant 0 : i32
      %dma_wait3A_78 = arith.constant 0 : i32
      %dma_wait3A_79 = tpu.memref_slice %arg8[%dma_wait3A_77, %dma_wait3A_78] : memref<327680x128xf32, #tpu.memory_space<hbm>> -> memref<327680x128xf32, #tpu.memory_space<hbm>>
      tpu.wait_indirect_dma semaphore(%arg18 : memref<!tpu.dma_semaphore, #tpu.memory_space<semaphore_mem>>) src(%dma_wait3A_73 : memref<128x128xf32, #tpu.memory_space<vmem>>) dst(%dma_wait3A_79 : memref<327680x128xf32, #tpu.memory_space<hbm>>)
    }
    %rem3A_60 = arith.constant 78 : i32
    %rem3A_61 = arith.constant 2 : i32
    %rem3A_62 = arith.remsi %rem3A_60, %rem3A_61 : i32
    %eq3A_63 = arith.constant 0 : i32
    %eq3A_64 = arith.cmpi eq, %rem3A_62, %eq3A_63 : i32
    %convert_element_type3A_65 = arith.extui %eq3A_64 : i1 to i32
    %cond3A_66 = arith.constant 0 : i32
    %cond3A_67 = arith.cmpi ne, %convert_element_type3A_65, %cond3A_66 : i32
    scf.if %cond3A_67 {
      %dma_wait3A_68 = arith.constant 0 : i32
      %dma_wait3A_69 = arith.constant 78 : i32
      %dma_wait3A_70 = arith.constant 0 : i32
      %dma_wait3A_71 = arith.constant 0 : i32
      %dma_wait3A_72 = tpu.memref_slice %arg14[%dma_wait3A_68, %dma_wait3A_70, %dma_wait3A_71] : memref<2x128x128xf32, #tpu.memory_space<vmem>> -> memref<1x128x128xf32, #tpu.memory_space<vmem>>
      %dma_wait3A_73 = tpu.memref_squeeze %dma_wait3A_72 : memref<1x128x128xf32, #tpu.memory_space<vmem>> -> memref<128x128xf32, #tpu.memory_space<vmem>>
      %dma_wait3A_74 = arith.constant 0 : i32
      %dma_wait3A_75 = tpu.memref_slice %arg13[%dma_wait3A_69, %dma_wait3A_74] : memref<80x128xi32, #tpu.memory_space<vmem>> -> memref<1x128xi32, #tpu.memory_space<vmem>>
      %dma_wait3A_76 = tpu.memref_squeeze %dma_wait3A_75 : memref<1x128xi32, #tpu.memory_space<vmem>> -> memref<128xi32, #tpu.memory_space<vmem>>
      %dma_wait3A_77 = arith.constant 0 : i32
      %dma_wait3A_78 = arith.constant 0 : i32
      %dma_wait3A_79 = tpu.memref_slice %arg8[%dma_wait3A_77, %dma_wait3A_78] : memref<327680x128xf32, #tpu.memory_space<hbm>> -> memref<327680x128xf32, #tpu.memory_space<hbm>>
      tpu.wait_indirect_dma semaphore(%arg17 : memref<!tpu.dma_semaphore, #tpu.memory_space<semaphore_mem>>) src(%dma_wait3A_73 : memref<128x128xf32, #tpu.memory_space<vmem>>) dst(%dma_wait3A_79 : memref<327680x128xf32, #tpu.memory_space<hbm>>)
    } else {
      %dma_wait3A_68 = arith.constant 1 : i32
      %dma_wait3A_69 = arith.constant 78 : i32
      %dma_wait3A_70 = arith.constant 0 : i32
      %dma_wait3A_71 = arith.constant 0 : i32
      %dma_wait3A_72 = tpu.memref_slice %arg14[%dma_wait3A_68, %dma_wait3A_70, %dma_wait3A_71] : memref<2x128x128xf32, #tpu.memory_space<vmem>> -> memref<1x128x128xf32, #tpu.memory_space<vmem>>
      %dma_wait3A_73 = tpu.memref_squeeze %dma_wait3A_72 : memref<1x128x128xf32, #tpu.memory_space<vmem>> -> memref<128x128xf32, #tpu.memory_space<vmem>>
      %dma_wait3A_74 = arith.constant 0 : i32
      %dma_wait3A_75 = tpu.memref_slice %arg13[%dma_wait3A_69, %dma_wait3A_74] : memref<80x128xi32, #tpu.memory_space<vmem>> -> memref<1x128xi32, #tpu.memory_space<vmem>>
      %dma_wait3A_76 = tpu.memref_squeeze %dma_wait3A_75 : memref<1x128xi32, #tpu.memory_space<vmem>> -> memref<128xi32, #tpu.memory_space<vmem>>
      %dma_wait3A_77 = arith.constant 0 : i32
      %dma_wait3A_78 = arith.constant 0 : i32
      %dma_wait3A_79 = tpu.memref_slice %arg8[%dma_wait3A_77, %dma_wait3A_78] : memref<327680x128xf32, #tpu.memory_space<hbm>> -> memref<327680x128xf32, #tpu.memory_space<hbm>>
      tpu.wait_indirect_dma semaphore(%arg18 : memref<!tpu.dma_semaphore, #tpu.memory_space<semaphore_mem>>) src(%dma_wait3A_73 : memref<128x128xf32, #tpu.memory_space<vmem>>) dst(%dma_wait3A_79 : memref<327680x128xf32, #tpu.memory_space<hbm>>)
    }
    return
  }
}

module attributes {stable_mosaic.version = 14 : i64} {
  func.func @_lstm_body(%arg0: memref<2048xi32, #tpu.memory_space<smem>>, %arg1: memref<327680x128xf32, #tpu.memory_space<any>>, %arg2: memref<128x512xf32, #tpu.memory_space<vmem>>, %arg3: memref<128x512xf32, #tpu.memory_space<vmem>>, %arg4: memref<1x512xf32, #tpu.memory_space<vmem>>, %arg5: memref<10000x1xf32, #tpu.memory_space<vmem>>, %arg6: memref<10000x128xf32, #tpu.memory_space<vmem>>, %arg7: memref<10240x128xf32, #tpu.memory_space<vmem>>, %arg8: memref<10240x128xf32, #tpu.memory_space<vmem>>, %arg9: memref<512x128xf32, #tpu.memory_space<vmem>>, %arg10: memref<!tpu.dma_semaphore, #tpu.memory_space<semaphore_mem>>) attributes {dimension_semantics = [], scalar_prefetch = 0 : i64, scratch_operands = 4 : i64, tpu.core_type = #tpu.core_type<tc>} {
    %broadcast_in_dim3A = arith.constant 0.000000e+00 : f32
    %broadcast_in_dim3A_0 = vector.broadcast %broadcast_in_dim3A : f32 to vector<10240x128xf32>
    %swap3A = arith.constant 0 : index
    %swap3A_1 = arith.constant 0 : index
    %swap3A_2 = vector.load %arg7[%swap3A, %swap3A_1] : memref<10240x128xf32, #tpu.memory_space<vmem>>, vector<10240x128xf32>
    tpu.vector_store %arg7[%swap3A, %swap3A_1], %broadcast_in_dim3A_0 {strides = array<i32>} : memref<10240x128xf32, #tpu.memory_space<vmem>>, vector<10240x128xf32>,
    %broadcast_in_dim3A_3 = arith.constant 0.000000e+00 : f32
    %broadcast_in_dim3A_4 = vector.broadcast %broadcast_in_dim3A_3 : f32 to vector<10240x128xf32>
    %swap3A_5 = arith.constant 0 : index
    %swap3A_6 = arith.constant 0 : index
    %swap3A_7 = vector.load %arg8[%swap3A_5, %swap3A_6] : memref<10240x128xf32, #tpu.memory_space<vmem>>, vector<10240x128xf32>
    tpu.vector_store %arg8[%swap3A_5, %swap3A_6], %broadcast_in_dim3A_4 {strides = array<i32>} : memref<10240x128xf32, #tpu.memory_space<vmem>>, vector<10240x128xf32>,
    %while3A = arith.constant 0 : i32
    %while3A_8 = arith.constant 0 : i32
    %while3A_9:2 = scf.while (%while3A_19 = %while3A, %while3A_20 = %while3A_8) : (i32, i32) -> (i32, i32) {
      %lt3A = arith.constant 2048 : i32
      %lt3A_21 = arith.cmpi slt, %while3A_19, %lt3A : i32
      %get3A_22 = arith.index_cast %while3A_19 : i32 to index
      %get3A_23 = memref.load %arg0[%get3A_22] : memref<2048xi32, #tpu.memory_space<smem>>
      %gt3A = arith.constant 0 : i32
      %gt3A_24 = arith.cmpi sgt, %get3A_23, %gt3A : i32
      %and3A = arith.andi %lt3A_21, %gt3A_24 : i1
      scf.condition(%and3A) %while3A_19, %while3A_20 : i32, i32
    } do {
    ^bb0(%while3A_19: i32, %while3A_20: i32):
      %get3A_21 = arith.index_cast %while3A_19 : i32 to index
      %get3A_22 = memref.load %arg0[%get3A_21] : memref<2048xi32, #tpu.memory_space<smem>>
      %add3A = arith.constant 511 : i32
      %add3A_23 = arith.addi %get3A_22, %add3A : i32
      %jit3A = arith.constant 512 : i32
      %div3A = arith.divsi %add3A_23, %jit3A : i32
      %sign3A = arith.constant 0 : i32
      %sign3A_24 = arith.cmpi sgt, %add3A_23, %sign3A : i32
      %sign3A_25 = arith.extui %sign3A_24 : i1 to i32
      %sign3A_26 = arith.constant 0 : i32
      %sign3A_27 = arith.cmpi slt, %add3A_23, %sign3A_26 : i32
      %sign3A_28 = arith.extui %sign3A_27 : i1 to i32
      %sign3A_29 = arith.subi %sign3A_25, %sign3A_28 : i32
      %sign3A_30 = arith.constant 0 : i32
      %sign3A_31 = arith.cmpi sgt, %jit3A, %sign3A_30 : i32
      %sign3A_32 = arith.extui %sign3A_31 : i1 to i32
      %sign3A_33 = arith.constant 0 : i32
      %sign3A_34 = arith.cmpi slt, %jit3A, %sign3A_33 : i32
      %sign3A_35 = arith.extui %sign3A_34 : i1 to i32
      %sign3A_36 = arith.subi %sign3A_32, %sign3A_35 : i32
      %ne3A = arith.cmpi ne, %sign3A_29, %sign3A_36 : i32
      %rem3A = arith.remsi %add3A_23, %jit3A : i32
      %ne3A_37 = arith.constant 0 : i32
      %ne3A_38 = arith.cmpi ne, %rem3A, %ne3A_37 : i32
      %and3A = arith.andi %ne3A, %ne3A_38 : i1
      %sub3A = arith.constant 1 : i32
      %sub3A_39 = arith.subi %div3A, %sub3A : i32
      %select_n3A = arith.select %and3A, %sub3A_39, %div3A : i32
      %while3A_40 = arith.constant 0 : i32
      %while3A_41 = arith.constant 0 : i32
      %while3A_42 = arith.subi %select_n3A, %while3A_41 : i32
      %while3A_43 = arith.addi %while3A_41, %while3A_42 : i32
      %while3A_44 = arith.constant 1 : i32
      %while3A_45 = arith.divsi %while3A_42, %while3A_44 : i32
      %while3A_46 = arith.muli %while3A_45, %while3A_44 : i32
      %while3A_47 = arith.addi %while3A_41, %while3A_46 : i32
      %while3A_48 = arith.constant 1 : i32
      scf.for %while3A_53 = %while3A_41 to %while3A_47 step %while3A_48  : i32 {
        %mul3A_54 = arith.constant 512 : i32
        %mul3A_55 = arith.muli %while3A_53, %mul3A_54 : i32
        %add3A_56 = arith.addi %while3A_20, %mul3A_55 : i32
        %dma_start3A = arith.constant 0 : i32
        %dma_start3A_57 = tpu.memref_slice %arg1[%add3A_56, %dma_start3A] : memref<327680x128xf32, #tpu.memory_space<any>> -> memref<512x128xf32, #tpu.memory_space<any>>
        tpu.enqueue_dma source(%dma_start3A_57 : memref<512x128xf32, #tpu.memory_space<any>>) target(%arg9 : memref<512x128xf32, #tpu.memory_space<vmem>>) target_semaphore(%arg10 : memref<!tpu.dma_semaphore, #tpu.memory_space<semaphore_mem>>)
        %dma_wait3A = arith.constant 0 : i32
        %dma_wait3A_58 = tpu.memref_slice %arg1[%add3A_56, %dma_wait3A] : memref<327680x128xf32, #tpu.memory_space<any>> -> memref<512x128xf32, #tpu.memory_space<any>>
        tpu.wait_dma2 semaphore(%arg10 : memref<!tpu.dma_semaphore, #tpu.memory_space<semaphore_mem>>) src(%dma_wait3A_58 : memref<512x128xf32, #tpu.memory_space<any>>) dst(%arg9 : memref<512x128xf32, #tpu.memory_space<vmem>>)
        %get3A_59 = arith.constant 0 : index
        %get3A_60 = arith.constant 0 : index
        %get3A_61 = vector.load %arg9[%get3A_59, %get3A_60] : memref<512x128xf32, #tpu.memory_space<vmem>>, vector<512x128xf32>
        %get3A_62 = arith.index_cast %mul3A_55 : i32 to index
        %get3A_63 = arith.constant 0 : index
        %get3A_64 = vector.load %arg7[%get3A_62, %get3A_63] : memref<10240x128xf32, #tpu.memory_space<vmem>>, vector<512x128xf32>
        %get3A_65 = arith.index_cast %mul3A_55 : i32 to index
        %get3A_66 = arith.constant 0 : index
        %get3A_67 = vector.load %arg8[%get3A_65, %get3A_66] : memref<10240x128xf32, #tpu.memory_space<vmem>>, vector<512x128xf32>
        %get3A_68 = arith.constant 0 : index
        %get3A_69 = arith.constant 0 : index
        %get3A_70 = vector.load %arg2[%get3A_68, %get3A_69] : memref<128x512xf32, #tpu.memory_space<vmem>>, vector<128x512xf32>
        %dot_general3A = arith.constant dense<0.000000e+00> : vector<512x512xf32>
        %dot_general3A_71 = tpu.matmul %get3A_61, %get3A_70, %dot_general3A {dimension_numbers = #tpu.dot_dimension_numbers<[1], [0], [0], [1], [0, 0, 1, 1], [], []>, transpose_lhs_hint = false} : vector<512x128xf32>, vector<128x512xf32>, vector<512x512xf32> -> vector<512x512xf32>
        %get3A_72 = arith.constant 0 : index
        %get3A_73 = arith.constant 0 : index
        %get3A_74 = vector.load %arg3[%get3A_72, %get3A_73] : memref<128x512xf32, #tpu.memory_space<vmem>>, vector<128x512xf32>
        %dot_general3A_75 = arith.constant dense<0.000000e+00> : vector<512x512xf32>
        %dot_general3A_76 = tpu.matmul %get3A_64, %get3A_74, %dot_general3A_75 {dimension_numbers = #tpu.dot_dimension_numbers<[1], [0], [0], [1], [0, 0, 1, 1], [], []>, transpose_lhs_hint = false} : vector<512x128xf32>, vector<128x512xf32>, vector<512x512xf32> -> vector<512x512xf32>
        %add3A_77 = arith.addf %dot_general3A_71, %dot_general3A_76 : vector<512x512xf32>
        %get3A_78 = arith.constant 0 : index
        %get3A_79 = arith.constant 0 : index
        %get3A_80 = vector.load %arg4[%get3A_78, %get3A_79] : memref<1x512xf32, #tpu.memory_space<vmem>>, vector<1x512xf32>
        %add3A_81 = vector.broadcast %get3A_80 : vector<1x512xf32> to vector<512x512xf32>
        %add3A_82 = arith.addf %add3A_77, %add3A_81 : vector<512x512xf32>
        %slice3A = vector.extract_strided_slice %add3A_82 {offsets = [0, 0], sizes = [512, 128], strides = [1, 1]} : vector<512x512xf32> to vector<512x128xf32>
        %logistic3A = arith.negf %slice3A : vector<512x128xf32>
        %logistic3A_83 = math.exp %logistic3A : vector<512x128xf32>
        %logistic3A_84 = arith.constant 1.000000e+00 : f32
        %logistic3A_85 = vector.broadcast %logistic3A_84 : f32 to vector<512x128xf32>
        %logistic3A_86 = arith.addf %logistic3A_85, %logistic3A_83 : vector<512x128xf32>
        %logistic3A_87 = arith.divf %logistic3A_85, %logistic3A_86 : vector<512x128xf32>
        %slice3A_88 = vector.extract_strided_slice %add3A_82 {offsets = [0, 128], sizes = [512, 128], strides = [1, 1]} : vector<512x512xf32> to vector<512x128xf32>
        %logistic3A_89 = arith.negf %slice3A_88 : vector<512x128xf32>
        %logistic3A_90 = math.exp %logistic3A_89 : vector<512x128xf32>
        %logistic3A_91 = arith.constant 1.000000e+00 : f32
        %logistic3A_92 = vector.broadcast %logistic3A_91 : f32 to vector<512x128xf32>
        %logistic3A_93 = arith.addf %logistic3A_92, %logistic3A_90 : vector<512x128xf32>
        %logistic3A_94 = arith.divf %logistic3A_92, %logistic3A_93 : vector<512x128xf32>
        %slice3A_95 = vector.extract_strided_slice %add3A_82 {offsets = [0, 256], sizes = [512, 128], strides = [1, 1]} : vector<512x512xf32> to vector<512x128xf32>
        %tanh3A = math.tanh %slice3A_95 : vector<512x128xf32>
        %slice3A_96 = vector.extract_strided_slice %add3A_82 {offsets = [0, 384], sizes = [512, 128], strides = [1, 1]} : vector<512x512xf32> to vector<512x128xf32>
        %logistic3A_97 = arith.negf %slice3A_96 : vector<512x128xf32>
        %logistic3A_98 = math.exp %logistic3A_97 : vector<512x128xf32>
        %logistic3A_99 = arith.constant 1.000000e+00 : f32
        %logistic3A_100 = vector.broadcast %logistic3A_99 : f32 to vector<512x128xf32>
        %logistic3A_101 = arith.addf %logistic3A_100, %logistic3A_98 : vector<512x128xf32>
        %logistic3A_102 = arith.divf %logistic3A_100, %logistic3A_101 : vector<512x128xf32>
        %mul3A_103 = arith.mulf %logistic3A_94, %get3A_67 : vector<512x128xf32>
        %mul3A_104 = arith.mulf %logistic3A_87, %tanh3A : vector<512x128xf32>
        %add3A_105 = arith.addf %mul3A_103, %mul3A_104 : vector<512x128xf32>
        %tanh3A_106 = math.tanh %add3A_105 : vector<512x128xf32>
        %mul3A_107 = arith.mulf %logistic3A_102, %tanh3A_106 : vector<512x128xf32>
        %iota3A = tpu.iota {dimensions = array<i32: 0>} : vector<512x1xi32>
        %add3A_108 = vector.broadcast %mul3A_55 : i32 to vector<512x1xi32>
        %add3A_109 = arith.addi %add3A_108, %iota3A : vector<512x1xi32>
        %lt3A = vector.broadcast %get3A_22 : i32 to vector<512x1xi32>
        %lt3A_110 = arith.cmpi slt, %add3A_109, %lt3A : vector<512x1xi32>
        %broadcast_in_dim3A_111 = vector.shape_cast %lt3A_110 : vector<512x1xi1> to vector<512x1xi1>
        %broadcast_in_dim3A_112 = vector.broadcast %broadcast_in_dim3A_111 : vector<512x1xi1> to vector<512x128xi1>
        %select_n3A_113 = arith.select %broadcast_in_dim3A_112, %mul3A_107, %get3A_64 : vector<512x128xi1>, vector<512x128xf32>
        %swap3A_114 = arith.index_cast %mul3A_55 : i32 to index
        %swap3A_115 = arith.constant 0 : index
        %swap3A_116 = vector.load %arg7[%swap3A_114, %swap3A_115] : memref<10240x128xf32, #tpu.memory_space<vmem>>, vector<512x128xf32>
        tpu.vector_store %arg7[%swap3A_114, %swap3A_115], %select_n3A_113 {strides = array<i32>} : memref<10240x128xf32, #tpu.memory_space<vmem>>, vector<512x128xf32>,
        %broadcast_in_dim3A_117 = vector.shape_cast %lt3A_110 : vector<512x1xi1> to vector<512x1xi1>
        %broadcast_in_dim3A_118 = vector.broadcast %broadcast_in_dim3A_117 : vector<512x1xi1> to vector<512x128xi1>
        %select_n3A_119 = arith.select %broadcast_in_dim3A_118, %add3A_105, %get3A_67 : vector<512x128xi1>, vector<512x128xf32>
        %swap3A_120 = arith.index_cast %mul3A_55 : i32 to index
        %swap3A_121 = arith.constant 0 : index
        %swap3A_122 = vector.load %arg8[%swap3A_120, %swap3A_121] : memref<10240x128xf32, #tpu.memory_space<vmem>>, vector<512x128xf32>
        tpu.vector_store %arg8[%swap3A_120, %swap3A_121], %select_n3A_119 {strides = array<i32>} : memref<10240x128xf32, #tpu.memory_space<vmem>>, vector<512x128xf32>,
      }
      %while3A_49 = arith.constant 1 : i32
      scf.for %while3A_53 = %while3A_47 to %while3A_43 step %while3A_49  : i32 {
        %mul3A_54 = arith.constant 512 : i32
        %mul3A_55 = arith.muli %while3A_53, %mul3A_54 : i32
        %add3A_56 = arith.addi %while3A_20, %mul3A_55 : i32
        %dma_start3A = arith.constant 0 : i32
        %dma_start3A_57 = tpu.memref_slice %arg1[%add3A_56, %dma_start3A] : memref<327680x128xf32, #tpu.memory_space<any>> -> memref<512x128xf32, #tpu.memory_space<any>>
        tpu.enqueue_dma source(%dma_start3A_57 : memref<512x128xf32, #tpu.memory_space<any>>) target(%arg9 : memref<512x128xf32, #tpu.memory_space<vmem>>) target_semaphore(%arg10 : memref<!tpu.dma_semaphore, #tpu.memory_space<semaphore_mem>>)
        %dma_wait3A = arith.constant 0 : i32
        %dma_wait3A_58 = tpu.memref_slice %arg1[%add3A_56, %dma_wait3A] : memref<327680x128xf32, #tpu.memory_space<any>> -> memref<512x128xf32, #tpu.memory_space<any>>
        tpu.wait_dma2 semaphore(%arg10 : memref<!tpu.dma_semaphore, #tpu.memory_space<semaphore_mem>>) src(%dma_wait3A_58 : memref<512x128xf32, #tpu.memory_space<any>>) dst(%arg9 : memref<512x128xf32, #tpu.memory_space<vmem>>)
        %get3A_59 = arith.constant 0 : index
        %get3A_60 = arith.constant 0 : index
        %get3A_61 = vector.load %arg9[%get3A_59, %get3A_60] : memref<512x128xf32, #tpu.memory_space<vmem>>, vector<512x128xf32>
        %get3A_62 = arith.index_cast %mul3A_55 : i32 to index
        %get3A_63 = arith.constant 0 : index
        %get3A_64 = vector.load %arg7[%get3A_62, %get3A_63] : memref<10240x128xf32, #tpu.memory_space<vmem>>, vector<512x128xf32>
        %get3A_65 = arith.index_cast %mul3A_55 : i32 to index
        %get3A_66 = arith.constant 0 : index
        %get3A_67 = vector.load %arg8[%get3A_65, %get3A_66] : memref<10240x128xf32, #tpu.memory_space<vmem>>, vector<512x128xf32>
        %get3A_68 = arith.constant 0 : index
        %get3A_69 = arith.constant 0 : index
        %get3A_70 = vector.load %arg2[%get3A_68, %get3A_69] : memref<128x512xf32, #tpu.memory_space<vmem>>, vector<128x512xf32>
        %dot_general3A = arith.constant dense<0.000000e+00> : vector<512x512xf32>
        %dot_general3A_71 = tpu.matmul %get3A_61, %get3A_70, %dot_general3A {dimension_numbers = #tpu.dot_dimension_numbers<[1], [0], [0], [1], [0, 0, 1, 1], [], []>, transpose_lhs_hint = false} : vector<512x128xf32>, vector<128x512xf32>, vector<512x512xf32> -> vector<512x512xf32>
        %get3A_72 = arith.constant 0 : index
        %get3A_73 = arith.constant 0 : index
        %get3A_74 = vector.load %arg3[%get3A_72, %get3A_73] : memref<128x512xf32, #tpu.memory_space<vmem>>, vector<128x512xf32>
        %dot_general3A_75 = arith.constant dense<0.000000e+00> : vector<512x512xf32>
        %dot_general3A_76 = tpu.matmul %get3A_64, %get3A_74, %dot_general3A_75 {dimension_numbers = #tpu.dot_dimension_numbers<[1], [0], [0], [1], [0, 0, 1, 1], [], []>, transpose_lhs_hint = false} : vector<512x128xf32>, vector<128x512xf32>, vector<512x512xf32> -> vector<512x512xf32>
        %add3A_77 = arith.addf %dot_general3A_71, %dot_general3A_76 : vector<512x512xf32>
        %get3A_78 = arith.constant 0 : index
        %get3A_79 = arith.constant 0 : index
        %get3A_80 = vector.load %arg4[%get3A_78, %get3A_79] : memref<1x512xf32, #tpu.memory_space<vmem>>, vector<1x512xf32>
        %add3A_81 = vector.broadcast %get3A_80 : vector<1x512xf32> to vector<512x512xf32>
        %add3A_82 = arith.addf %add3A_77, %add3A_81 : vector<512x512xf32>
        %slice3A = vector.extract_strided_slice %add3A_82 {offsets = [0, 0], sizes = [512, 128], strides = [1, 1]} : vector<512x512xf32> to vector<512x128xf32>
        %logistic3A = arith.negf %slice3A : vector<512x128xf32>
        %logistic3A_83 = math.exp %logistic3A : vector<512x128xf32>
        %logistic3A_84 = arith.constant 1.000000e+00 : f32
        %logistic3A_85 = vector.broadcast %logistic3A_84 : f32 to vector<512x128xf32>
        %logistic3A_86 = arith.addf %logistic3A_85, %logistic3A_83 : vector<512x128xf32>
        %logistic3A_87 = arith.divf %logistic3A_85, %logistic3A_86 : vector<512x128xf32>
        %slice3A_88 = vector.extract_strided_slice %add3A_82 {offsets = [0, 128], sizes = [512, 128], strides = [1, 1]} : vector<512x512xf32> to vector<512x128xf32>
        %logistic3A_89 = arith.negf %slice3A_88 : vector<512x128xf32>
        %logistic3A_90 = math.exp %logistic3A_89 : vector<512x128xf32>
        %logistic3A_91 = arith.constant 1.000000e+00 : f32
        %logistic3A_92 = vector.broadcast %logistic3A_91 : f32 to vector<512x128xf32>
        %logistic3A_93 = arith.addf %logistic3A_92, %logistic3A_90 : vector<512x128xf32>
        %logistic3A_94 = arith.divf %logistic3A_92, %logistic3A_93 : vector<512x128xf32>
        %slice3A_95 = vector.extract_strided_slice %add3A_82 {offsets = [0, 256], sizes = [512, 128], strides = [1, 1]} : vector<512x512xf32> to vector<512x128xf32>
        %tanh3A = math.tanh %slice3A_95 : vector<512x128xf32>
        %slice3A_96 = vector.extract_strided_slice %add3A_82 {offsets = [0, 384], sizes = [512, 128], strides = [1, 1]} : vector<512x512xf32> to vector<512x128xf32>
        %logistic3A_97 = arith.negf %slice3A_96 : vector<512x128xf32>
        %logistic3A_98 = math.exp %logistic3A_97 : vector<512x128xf32>
        %logistic3A_99 = arith.constant 1.000000e+00 : f32
        %logistic3A_100 = vector.broadcast %logistic3A_99 : f32 to vector<512x128xf32>
        %logistic3A_101 = arith.addf %logistic3A_100, %logistic3A_98 : vector<512x128xf32>
        %logistic3A_102 = arith.divf %logistic3A_100, %logistic3A_101 : vector<512x128xf32>
        %mul3A_103 = arith.mulf %logistic3A_94, %get3A_67 : vector<512x128xf32>
        %mul3A_104 = arith.mulf %logistic3A_87, %tanh3A : vector<512x128xf32>
        %add3A_105 = arith.addf %mul3A_103, %mul3A_104 : vector<512x128xf32>
        %tanh3A_106 = math.tanh %add3A_105 : vector<512x128xf32>
        %mul3A_107 = arith.mulf %logistic3A_102, %tanh3A_106 : vector<512x128xf32>
        %iota3A = tpu.iota {dimensions = array<i32: 0>} : vector<512x1xi32>
        %add3A_108 = vector.broadcast %mul3A_55 : i32 to vector<512x1xi32>
        %add3A_109 = arith.addi %add3A_108, %iota3A : vector<512x1xi32>
        %lt3A = vector.broadcast %get3A_22 : i32 to vector<512x1xi32>
        %lt3A_110 = arith.cmpi slt, %add3A_109, %lt3A : vector<512x1xi32>
        %broadcast_in_dim3A_111 = vector.shape_cast %lt3A_110 : vector<512x1xi1> to vector<512x1xi1>
        %broadcast_in_dim3A_112 = vector.broadcast %broadcast_in_dim3A_111 : vector<512x1xi1> to vector<512x128xi1>
        %select_n3A_113 = arith.select %broadcast_in_dim3A_112, %mul3A_107, %get3A_64 : vector<512x128xi1>, vector<512x128xf32>
        %swap3A_114 = arith.index_cast %mul3A_55 : i32 to index
        %swap3A_115 = arith.constant 0 : index
        %swap3A_116 = vector.load %arg7[%swap3A_114, %swap3A_115] : memref<10240x128xf32, #tpu.memory_space<vmem>>, vector<512x128xf32>
        tpu.vector_store %arg7[%swap3A_114, %swap3A_115], %select_n3A_113 {strides = array<i32>} : memref<10240x128xf32, #tpu.memory_space<vmem>>, vector<512x128xf32>,
        %broadcast_in_dim3A_117 = vector.shape_cast %lt3A_110 : vector<512x1xi1> to vector<512x1xi1>
        %broadcast_in_dim3A_118 = vector.broadcast %broadcast_in_dim3A_117 : vector<512x1xi1> to vector<512x128xi1>
        %select_n3A_119 = arith.select %broadcast_in_dim3A_118, %add3A_105, %get3A_67 : vector<512x128xi1>, vector<512x128xf32>
        %swap3A_120 = arith.index_cast %mul3A_55 : i32 to index
        %swap3A_121 = arith.constant 0 : index
        %swap3A_122 = vector.load %arg8[%swap3A_120, %swap3A_121] : memref<10240x128xf32, #tpu.memory_space<vmem>>, vector<512x128xf32>
        tpu.vector_store %arg8[%swap3A_120, %swap3A_121], %select_n3A_119 {strides = array<i32>} : memref<10240x128xf32, #tpu.memory_space<vmem>>, vector<512x128xf32>,
      }
      %add3A_50 = arith.constant 1 : i32
      %add3A_51 = arith.addi %while3A_19, %add3A_50 : i32
      %add3A_52 = arith.addi %while3A_20, %get3A_22 : i32
      scf.yield %add3A_51, %add3A_52 : i32, i32
    }
    %get3A = arith.constant 0 : index
    %get3A_10 = arith.constant 0 : index
    %get3A_11 = vector.load %arg7[%get3A, %get3A_10] : memref<10240x128xf32, #tpu.memory_space<vmem>>, vector<10000x128xf32>
    %get3A_12 = arith.constant 0 : index
    %get3A_13 = arith.constant 0 : index
    %get3A_14 = vector.load %arg5[%get3A_12, %get3A_13] : memref<10000x1xf32, #tpu.memory_space<vmem>>, vector<10000x1xf32>
    %mul3A = vector.broadcast %get3A_14 : vector<10000x1xf32> to vector<10000x128xf32>
    %mul3A_15 = arith.mulf %get3A_11, %mul3A : vector<10000x128xf32>
    %swap3A_16 = arith.constant 0 : index
    %swap3A_17 = arith.constant 0 : index
    %swap3A_18 = vector.load %arg6[%swap3A_16, %swap3A_17] : memref<10000x128xf32, #tpu.memory_space<vmem>>, vector<10000x128xf32>
    tpu.vector_store %arg6[%swap3A_16, %swap3A_17], %mul3A_15 {strides = array<i32>} : memref<10000x128xf32, #tpu.memory_space<vmem>>, vector<10000x128xf32>,
    return
  }
}

module attributes {stable_mosaic.version = 14 : i64} {
  func.func @_final_body(%arg0: i32, %arg1: memref<1000x128xf32, #tpu.memory_space<vmem>>, %arg2: memref<1000x128xf32, #tpu.memory_space<vmem>>, %arg3: memref<128x128xf32, #tpu.memory_space<vmem>>, %arg4: memref<128x128xf32, #tpu.memory_space<vmem>>, %arg5: memref<1x128xf32, #tpu.memory_space<vmem>>, %arg6: memref<1000x128xf32, #tpu.memory_space<vmem>>) attributes {dimension_semantics = [#tpu.dimension_semantics<arbitrary>], iteration_bounds = array<i64: 10>, scalar_prefetch = 0 : i64, scratch_operands = 0 : i64, tpu.core_type = #tpu.core_type<tc>, window_params = [{transform_indices = @transform_0, window_bounds = array<i64: 1000, 128>}, {transform_indices = @transform_1, window_bounds = array<i64: 1000, 128>}, {pipeline_mode = #tpu.pipeline_mode<synchronous>, transform_indices = @transform_2, window_bounds = array<i64: 128, 128>}, {pipeline_mode = #tpu.pipeline_mode<synchronous>, transform_indices = @transform_3, window_bounds = array<i64: 128, 128>}, {pipeline_mode = #tpu.pipeline_mode<synchronous>, transform_indices = @transform_4, window_bounds = array<i64: 1, 128>}, {transform_indices = @transform_5, window_bounds = array<i64: 1000, 128>}]} {
    %get3A = arith.constant 0 : index
    %get3A_0 = arith.constant 0 : index
    %get3A_1 = vector.load %arg1[%get3A, %get3A_0] : memref<1000x128xf32, #tpu.memory_space<vmem>>, vector<1000x128xf32>
    %get3A_2 = arith.constant 0 : index
    %get3A_3 = arith.constant 0 : index
    %get3A_4 = vector.load %arg3[%get3A_2, %get3A_3] : memref<128x128xf32, #tpu.memory_space<vmem>>, vector<128x128xf32>
    %dot_general3A = arith.constant dense<0.000000e+00> : vector<1000x128xf32>
    %dot_general3A_5 = tpu.matmul %get3A_1, %get3A_4, %dot_general3A {dimension_numbers = #tpu.dot_dimension_numbers<[1], [0], [0], [1], [0, 0, 1, 1], [], []>, transpose_lhs_hint = false} : vector<1000x128xf32>, vector<128x128xf32>, vector<1000x128xf32> -> vector<1000x128xf32>
    %get3A_6 = arith.constant 0 : index
    %get3A_7 = arith.constant 0 : index
    %get3A_8 = vector.load %arg2[%get3A_6, %get3A_7] : memref<1000x128xf32, #tpu.memory_space<vmem>>, vector<1000x128xf32>
    %get3A_9 = arith.constant 0 : index
    %get3A_10 = arith.constant 0 : index
    %get3A_11 = vector.load %arg4[%get3A_9, %get3A_10] : memref<128x128xf32, #tpu.memory_space<vmem>>, vector<128x128xf32>
    %dot_general3A_12 = arith.constant dense<0.000000e+00> : vector<1000x128xf32>
    %dot_general3A_13 = tpu.matmul %get3A_8, %get3A_11, %dot_general3A_12 {dimension_numbers = #tpu.dot_dimension_numbers<[1], [0], [0], [1], [0, 0, 1, 1], [], []>, transpose_lhs_hint = false} : vector<1000x128xf32>, vector<128x128xf32>, vector<1000x128xf32> -> vector<1000x128xf32>
    %add3A = arith.addf %dot_general3A_5, %dot_general3A_13 : vector<1000x128xf32>
    %get3A_14 = arith.constant 0 : index
    %get3A_15 = arith.constant 0 : index
    %get3A_16 = vector.load %arg5[%get3A_14, %get3A_15] : memref<1x128xf32, #tpu.memory_space<vmem>>, vector<1x128xf32>
    %add3A_17 = vector.broadcast %get3A_16 : vector<1x128xf32> to vector<1000x128xf32>
    %add3A_18 = arith.addf %add3A, %add3A_17 : vector<1000x128xf32>
    %swap3A = arith.constant 0 : index
    %swap3A_19 = arith.constant 0 : index
    %swap3A_20 = vector.load %arg6[%swap3A, %swap3A_19] : memref<1000x128xf32, #tpu.memory_space<vmem>>, vector<1000x128xf32>
    tpu.vector_store %arg6[%swap3A, %swap3A_19], %add3A_18 {strides = array<i32>} : memref<1000x128xf32, #tpu.memory_space<vmem>>, vector<1000x128xf32>,
    return
  }
  func.func @transform_0(%arg0: i32) -> (i32, i32) {
    %c0_i32 = arith.constant 0 : i32
    %c0_i32_0 = arith.constant 0 : i32
    return %arg0, %c0_i32 : i32, i32
  }
  func.func @transform_1(%arg0: i32) -> (i32, i32) {
    %c0_i32 = arith.constant 0 : i32
    %c0_i32_0 = arith.constant 0 : i32
    return %arg0, %c0_i32 : i32, i32
  }
  func.func @transform_2(%arg0: i32) -> (i32, i32) {
    %c0_i32 = arith.constant 0 : i32
    %c0_i32_0 = arith.constant 0 : i32
    %c0_i32_1 = arith.constant 0 : i32
    return %c0_i32, %c0_i32_0 : i32, i32
  }
  func.func @transform_3(%arg0: i32) -> (i32, i32) {
    %c0_i32 = arith.constant 0 : i32
    %c0_i32_0 = arith.constant 0 : i32
    %c0_i32_1 = arith.constant 0 : i32
    return %c0_i32, %c0_i32_0 : i32, i32
  }
  func.func @transform_4(%arg0: i32) -> (i32, i32) {
    %c0_i32 = arith.constant 0 : i32
    %c0_i32_0 = arith.constant 0 : i32
    %c0_i32_1 = arith.constant 0 : i32
    return %c0_i32, %c0_i32_0 : i32, i32
  }
  func.func @transform_5(%arg0: i32) -> (i32, i32) {
    %c0_i32 = arith.constant 0 : i32
    %c0_i32_0 = arith.constant 0 : i32
    return %arg0, %c0_i32 : i32, i32
  }
}

</mosaic_0001>

<sc_bundles>
// kernel: kernel.6.cloned.1.call-start
scs
__scs_entry_jumppad:
0x0: {  	(pc) =	sbr.rel $0x88, $3  }
0x1: {  	(tag) =	ssettag $0x0;
	lr =	simm.s32 $0x1  }
0x2: {  	[smem:$0x3F97] =	sst lr;
	_ =	strace $0xD0000000  }
0x3: {  	_ = 	snop  }
0x4: {  	_ = 	snop  }
0x5: {  	_ = 	snop  }
0x6: {  	_ = 	snop  }
0x7: {  	_ = 	snop  }
__scs_overlays_trampoline_lowered:
0x8: {  	[smem:$0x3FA6] =	sst s0  }
0x9: {  	[smem:$0x3FA7] =	sst s1  }
0xa: {  	[smem:$0x3FA8] =	sst s2  }
0xb: {  	[smem:$0x3FA9] =	sst s3  }
0xc: {  	[smem:$0x3FAA] =	sst s4  }
0xd: {  	[smem:$0x3FAB] =	sst s5  }
0xe: {  	[smem:$0x3FAC] =	sst s6  }
0xf: {  	[smem:$0x3FAD] =	sst s7  }
0x10: {  	[smem:$0x3FAE] =	sst s8  }
0x11: {  	[smem:$0x3FAF] =	sst s9;
	s0 =	simm.s32 @!p0 $0x0  }
0x12: {  	s1 =	sld [smem:$0x3F95];
	s0 =	simm.s32 @p0 $0x1  }
0x13: {  	[smem:$0x3FB0] =	sst s0;
	s0 =	simm.s32 @!p1 $0x0  }
0x14: {  	s2 =	sld [smem:$0x3F94];
	s0 =	simm.s32 @p1 $0x1  }
0x15: {  	[smem:$0x3FB1] =	sst s0;
	s0 =	simm.s32 @!p2 $0x0  }
0x16: {  	s3 =	sld [smem:$0x3FDB];
	s0 =	simm.s32 @p2 $0x1  }
0x17: {  	s4 =	simm.s32 $0x1BF5;
	[smem:$0x3FB3] =	sst s0  }
0x18: {  	s0 =	sld [smem:$0x3F96];
	_ =	swait.ge [sflag:s4], $0x0  }
0x19: {  	s7 =	sld [smem:$0x3F97]  }
0x1a: {  	s8 =	sadd.s32 $0xFFFFE003, lr  }
0x1b: {  	s9 =	sadd.s32 $0xFFFFFEF7, lr;
	s5 =	simm.s32 $0xFFFFFFFF;
	p2 =	slt.u32 s8, $0xFFFFF086  }
0x1c: {  	p1 =	slt.u32 s9, $0xF7A;
	s5 =	simm.s32 @!p2 $0x0  }
0x1d: {  	s5 =	simm.s32 @p1 $0x1;
	p0 =	seq.s32 s7, s2  }
0x1e: {  	s7 =	smul.u32 @!p0 $0xF7A, s2;
	p2 =	seq.s32 @!p0 s5, $0x0  }
0x1f: {  	s9 =	smul.u32 $0xF7A, s1;
	s8 =	simm.s32 @!p0 $0x1BF5;
	p2 =	por !p2, p0  }
0x20: {  	[sflag:s8] =	ssyncset.s32 @!p0 $0xFFFFF086;
	s6 =	sadd.s32 @!p0 s3, s7;
	s7 =	simm.s32 @!p0 $0x108  }
0x21: {  	s3 =	sadd.s32 s3, s9;
	s6 =	sadd.s32 @!p0 $0x88, s6;
	s7 =	simm.s32 @p2 $0x1082  }
0x22: {  	[simem:s7], [sflag:s8] =	dma.local @!p0 [hbm:s6], $0xF7A  }
0x23: {  	s9 =	sor.u32 $0xD0000000, s2;
	s6 =	simm.s32 $0x108;
	_ =	swait.ge @!p0 [sflag:s8], $0x0  }
0x24: {  	s3 =	sadd.s32 $0x88, s3;
	s6 =	simm.s32 @!p1 $0x1082;
	[sflag:s4] =	ssyncset.s32 $0xFFFFF086  }
0x25: {  	[simem:s6], [sflag:s4] =	dma.local [hbm:s3], $0xF7A  }
0x26: {  	[smem:$0x3F97] =	sst s1;
	(tag) =	ssettag s2;
	_ =	strace s9  }
0x27: {  	s1 =	sld [smem:$0x3FA7]  }
0x28: {  	s2 =	sld [smem:$0x3FA8]  }
0x29: {  	s4 =	sld [smem:$0x3FAA]  }
0x2a: {  	p0 =	seq.s32 s5, $0x0;
	s5 =	sld [smem:$0x3FAB]  }
0x2b: {  	s6 =	sld [smem:$0x3FAC]  }
0x2c: {  	s7 =	sld [smem:$0x3FAD]  }
0x2d: {  	s3 =	simm.s32 $0x108;
	s8 =	sld [smem:$0x3FAE]  }
0x2e: {  	s3 =	simm.s32 @!p0 $0x1082;
	s9 =	sld [smem:$0x3FAF]  }
0x2f: {  	lr =	sadd.s32 s0, s3;
	s0 =	sld [smem:$0x3FA6]  }
0x30: {  	s3 =	sld [smem:$0x3FA9]  }
0x31: {  	[smem:$0x3FB2] =	sst s10  }
0x32: {  	s10 =	sld [smem:$0x3FB0];
	_ =	sdelay $0x3  }
0x33: {  	p0 =	seq.s32 s10, $0x1;
	s10 =	sld [smem:$0x3FB2];
	_ =	sdelay $0x3  }
0x34: {  	[smem:$0x3FB2] =	sst s10  }
0x35: {  	s10 =	sld [smem:$0x3FB1];
	_ =	sdelay $0x3  }
0x36: {  	p1 =	seq.s32 s10, $0x1;
	s10 =	sld [smem:$0x3FB2];
	_ =	sdelay $0x3  }
0x37: {  	[smem:$0x3FB2] =	sst s10  }
0x38: {  	s10 =	sld [smem:$0x3FB3]  }
0x39: {  	_ = 	snop;
	(pc) =	sbr.ind lr, $3  }
0x3a: {  	_ = 	snop  }
0x3b: {  	_ = 	snop  }
0x3c: {  	p2 =	seq.s32 s10, $0x1;
	s10 =	sld [smem:$0x3FB2]  }
0x3d: {  	_ =	shalt  }
0x3e: {  	_ =	shalt  }
0x3f: {  	_ =	shalt  }
0x40: {  	_ =	shalt  }
0x41: {  	_ =	shalt  }
0x42: {  	_ =	shalt  }
0x43: {  	_ =	shalt  }
0x44: {  	_ =	shalt  }
0x45: {  	_ =	shalt  }
0x46: {  	_ =	shalt  }
0x47: {  	_ =	shalt  }
0x48: {  	_ =	shalt  }
0x49: {  	_ =	shalt  }
0x4a: {  	_ =	shalt  }
0x4b: {  	_ =	shalt  }
0x4c: {  	_ =	shalt  }
0x4d: {  	_ =	shalt  }
0x4e: {  	_ =	shalt  }
0x4f: {  	_ =	shalt  }
0x50: {  	_ =	shalt  }
0x51: {  	_ =	shalt  }
0x52: {  	_ =	shalt  }
0x53: {  	_ =	shalt  }
0x54: {  	_ =	shalt  }
0x55: {  	_ =	shalt  }
0x56: {  	_ =	shalt  }
0x57: {  	_ =	shalt  }
0x58: {  	_ =	shalt  }
0x59: {  	_ =	shalt  }
0x5a: {  	_ =	shalt  }
0x5b: {  	_ =	shalt  }
0x5c: {  	_ =	shalt  }
0x5d: {  	_ =	shalt  }
0x5e: {  	_ =	shalt  }
0x5f: {  	_ =	shalt  }
0x60: {  	_ =	shalt  }
0x61: {  	_ =	shalt  }
0x62: {  	_ =	shalt  }
0x63: {  	_ =	shalt  }
0x64: {  	_ =	shalt  }
0x65: {  	_ =	shalt  }
0x66: {  	_ =	shalt  }
0x67: {  	_ =	shalt  }
0x68: {  	_ =	shalt  }
0x69: {  	_ =	shalt  }
0x6a: {  	_ =	shalt  }
0x6b: {  	_ =	shalt  }
0x6c: {  	_ =	shalt  }
0x6d: {  	_ =	shalt  }
0x6e: {  	_ =	shalt  }
0x6f: {  	_ =	shalt  }
0x70: {  	_ =	shalt  }
0x71: {  	_ =	shalt  }
0x72: {  	_ =	shalt  }
0x73: {  	_ =	shalt  }
0x74: {  	_ =	shalt  }
0x75: {  	_ =	shalt  }
0x76: {  	_ =	shalt  }
0x77: {  	_ =	shalt  }
0x78: {  	_ =	shalt  }
0x79: {  	_ =	shalt  }
0x7a: {  	_ =	shalt  }
0x7b: {  	_ =	shalt  }
0x7c: {  	_ =	shalt  }
0x7d: {  	_ =	shalt  }
0x7e: {  	_ =	shalt  }
0x7f: {  	_ =	shalt  }
0x80: {  	_ =	shalt  }
0x81: {  	_ =	shalt  }
0x82: {  	_ =	shalt  }
0x83: {  	_ =	shalt  }
0x84: {  	_ =	shalt  }
0x85: {  	_ =	shalt  }
0x86: {  	_ =	shalt  }
0x87: {  	_ =	shalt  }
.Lfunc_end0:
.L_simem_size_0:
called_computation.2_lowered:
.L_overlay_start_0:
0x88: {  	s2 =	sld [smem:$0x3FD9]  }
0x89: {  	s3 =	sld [smem:$0x3FFE];
	_ =	sdelay $0x1  }
0x8a: {  	s1 =	srdreg.scid  }
0x8b: {  	s0 =	sand.u32 $0x1, s1  }
0x8c: {  	s17 =	sshll.u32 s0, $0xA;
	s2 =	sadd.s32 s3, s2  }
0x8d: {  	s2 =	sadd.s32 s2, s17  }
0x8e: {  	[smem:$0x3FBE] =	sst s2  }
0x8f: {  	_ = 	snop  }
0x90: {  	s2 =	sld [smem:$0x3FC9]  }
0x91: {  	s18 =	sld [smem:$0x3FD0];
	(tm) =	ssettm $0x1  }
0x92: {  	s4 =	sld [smem:$0x3FFB];
	_ =	sdelay $0x3  }
0x93: {  	_ =	strace s4  }
0x94: {  	s4 =	sld [smem:$0x3FFC];
	_ =	sdelay $0x3  }
0x95: {  	_ =	strace s4  }
0x96: {  	s4 =	sld [smem:$0x3FFD];
	_ =	sdelay $0x3  }
0x97: {  	_ =	strace s4  }
0x98: {  	_ =	strace $0x8FFFFFFF  }
0x99: {  	s19 =	sld [smem:$0x3FDB];
	_ =	sdelay $0x1  }
0x9a: {  	s5 =	simm.s32 $_scs_section_size  }
0x9b: {  	s6 =	simm.s32 $_size__tile_overlayer_lowered;
	s7 =	simm.s32 $_tile_overlayer_lowered  }
0x9c: {  	s22 =	simm.s32 $0x1BFF;
	s21 =	sshll.u32 s7, $0x1;
	s4 =	sadd.s32 s5, s19  }
0x9d: {  	s8 =	simm.s32 $0x0;
	s20 =	sshll.u32 s6, $0x1;
	s6 =	sadd.s32 s21, s4  }
0x9e: {  	[timem:s8], [sflag:s22] =	dma.local [hbm:s6], s20  }
0x9f: {  	_ =	swait.ge [sflag:s22], s20  }
0xa0: {  	s5 =	ssub.s32 $0x0, s20;
	[sflag:s22] =	ssyncset.done $0x0  }
0xa1: {  	[sflag:s22] =	ssyncadd.s32 s5;
	_ =	sdelay $0x1  }
0xa2: {  	s23 =	simm.s32 $0x1B8B  }
0xa3: {  	_ =	swait.ge [sflag:s23], $0x1  }
0xa4: {  	[sflag:s23] =	ssyncset.done $0x0  }
0xa5: {  	s25 =	simm.s32 $0x1B8E;
	s24 =	sld [smem:$0x3FFE];
	[sflag:s23] =	ssyncadd.s32 $0xFFFFFFFF  }
0xa6: {  	s26 =	simm.s32 $execute0_lowered;
	[smem:$0x3FD2] =	sst s25  }
0xa7: {  	s6 =	sshll.u32 s26, $0x1;
	_ =	strace $0x8000004C;
	[dreg:$0x1] =	wrdreg $0xFFFFFFFF  }
0xa8: {  	s28 =	simm.s32 $_size_execute0_lowered;
	s4 =	sadd.s32 s4, s6;
	[dreg:$0x0] =	wrdreg $0x0  }
0xa9: {  	s6 =	sshll.u32 s28, $0x1;
	[dreg:$0x2] =	wrdreg s4  }
0xaa: {  	[dreg:$0x3] =	wrdreg s6  }
0xab: {  	[dreg:$0x4] =	wrdreg $0xC0  }
0xac: {  	_ =	task [dreg:s8], $0x5FFFF  }
0xad: {  	[dreg:$0x1] =	wrdreg $0xFFFFFFFF  }
0xae: {  	[dreg:$0x0] =	wrdreg $0x60  }
0xaf: {  	[dreg:$0x2] =	wrdreg s24  }
0xb0: {  	[dreg:$0x3] =	wrdreg s18  }
0xb1: {  	[dreg:$0x4] =	wrdreg s2  }
0xb2: {  	[dreg:$0x5] =	wrdreg $0x9  }
0xb3: {  	_ =	task.clear_ibuf [dreg:s8], $0x6FFFF;
	_ =	strace $0x9000004C  }
0xb4: {  	s29 =	simm.s32 $0x9;
	_ =	strace $0x8000004E  }
0xb5: {  	_ =	swait.ge [sflag:s29], $0x1  }
0xb6: {  	[sflag:s29] =	ssyncadd.s32 $0xFFFFFFFF  }
0xb7: {  	_ =	strace $0x9000004E  }
0xb8: {  	_ =	sfence  }
0xb9: {  	s30 =	sld [smem:$0x0];
	_ =	sdelay $0x2  }
0xba: {  	s31 =	sshll.u32 s1, $0xD;
	s1 =	sshrl.u32 s1, $0x2  }
0xbb: {  	s3 =	sand.u32 $0x4000, s31;
	s1 =	sadd.s32 s1, s30  }
0xbc: {  	s0 =	sor.u32 s3, s0;
	s1 =	sshll.u32 s1, $0x11  }
0xbd: {  	s0 =	sor.u32 s1, s0  }
0xbe: {  	s0 =	sadd.s32 $0x8F2B, s0  }
0xbf: {  	[sflag:s0] =	ssyncadd.remote.s32 $0x1  }
0xc0: {  	_ =	sfence.sel $0xFFFF  }
0xc1: {  	[dreg:$0x0] =	wrdreg $0xFFFFFFFF;
	(pc) =	sbr.abs _section_cstart, $3  }
0xc2: {  	[dreg:$0x1] =	wrdreg $0xFFFFFFFF  }
0xc3: {  	_ =	task.clear_ibuf [dreg:s8], $0x2FFFF;
	_ =	strace $0x9FFFFFFF  }
0xc4: {  	(tm) =	ssettm $0x7FFFFFFF  }
0xc5: {  	_ =	shalt  }
tec
execute0_lowered:
.L_overlay_start_1:
0x0: {  	(tag) =	ssettag $0x1  }
0x1: {  	s7 =	rddreg [dreg:$0x0];
	s1 =	srdreg.scid  }
0x2: {  	s0 =	stileid.u32;
	s9 =	rddreg [dreg:$0x1]  }
0x3: {  	s2 =	rddreg [dreg:$0x2];
	s3 =	simm.s32 $0x0;
	s16 =	simm.s32 $0xC800  }
0x4: {  	s17 =	simm.s32 $0x2;
	s18 =	simm.s32 $0x4;
	s19 =	simm.s32 $0x3  }
0x5: {  	s20 =	simm.s32 $0x0;
	s8 =	sand.u32 $0x1, s1;
	s1 =	rddreg [dreg:$0x3]  }
0x6: {  	s31 =	sshll.u32 s0, $0x1;
	[smem:$0x7FF] =	sst s3;
	s13 =	smul.u32 $0x5000, s0  }
0x7: {  	s5 =	sadd.s32 $0x1200, s7;
	s4 =	sor.u32 s8, s31;
	s15 =	smul.u32 $0x2800, s8  }
0x8: {  	s6 =	sadd.s32 $0x400, s7;
	s12 =	ssub.s32 $0x2, s8;
	s10 =	smul.u32 $0x500, s4  }
.Ltmp0:
0x9: {  	_ =	strace $0x8000004D;
	s14 =	sshrl.u32 s12, $0x1;
	(pc) =	sbr.rel .LBB2_1-.Ltmp0, $4  }
0xa: {  	s4 =	sadd.s32 $0xC00, s7;
	s12 =	ssub.s32 s12, s14;
	s14 =	simm.s32 $0x80  }
0xb: {  	s11 =	sadd.s32 s10, s7;
	s7 =	sadd.s32 $0x28000, s7;
	s9 =	sadd.s32 s9, s10  }
0xc: {  	s10 =	smax.u32 s12, $0x1;
	s12 =	simm.s32 $0x5;
	s8 =	sadd.s32 $0x1E000, s11  }
0xd: {  	v0 =	vlaneseq.u32;
	s11 =	sadd.s32 s15, s13;
	s13 =	simm.s32 $0x2800;
	s15 =	simm.s32 $0x1  }
.LBB2_16:
0xe: {  	s20 =	sadd.s32 $0x1, s20  }
0xf: {  	_ =	swait.ge [sflag:s18], $0x4000;
	p0 =	sne.s32 s20, s10  }
.Ltmp1:
0x10: {  	[sflag:s18] =	ssyncset.done $0x0;
	(pc) =	sbr.rel @!p0 .LBB2_17-.Ltmp1, $4  }
0x11: {  	[sflag:s18] =	ssyncadd.s32 $0xFFFFC000  }
0x12: {  	_ =	swait.ge [sflag:s19], $0x4000  }
0x13: {  	[sflag:s19] =	ssyncset.done $0x0  }
0x14: {  	[sflag:s19] =	ssyncadd.s32 $0xFFFFC000  }
.LBB2_1:
0x15: {  	[tilespmem:s3], [sflag:$0x5] =	stream.linear.gather [hbm4b:s8+s3], $0x2800, $0x38;
	[tilespmem:$0x14800] =	vst v63  }
0x16: {  	_ =	swait.ge [sflag:s12], $0x2800  }
0x17: {  	[sflag:s12] =	ssyncset.done $0x0  }
0x18: {  	[sflag:s12] =	ssyncadd.s32 $0xFFFFD800  }
0x19: {  	[tilespmem:s13], [sflag:$0x1] =	stream.linear.gather [hbm4b:s9+s3], $0x2800, $0x38;
	[tilespmem:$0x14800] =	vst v63  }
0x1a: {  	s21 =	simm.s32 $0x0;
	s22 =	simm.s32 $0x5000  }
0x1b: {  	[tilespmem:s22], [sflag:$0x1] =	stream.indirect.gather [hbm4b:s4+s14], $0x1, s21, s14, $0xb8;
	[tilespmem:$0x14800] =	vst v63  }
0x1c: {  	s28 =	simm.s32 $0x7800  }
0x1d: {  	[tilespmem:s28], [sflag:$0x1] =	stream.indirect.gather [hbm4b:s5+s14], $0x1, s21, s14, $0xb8;
	[tilespmem:$0x14800] =	vst v63  }
0x1e: {  	s29 =	simm.s32 $0x5080;
	s30 =	simm.s32 $0x80  }
0x1f: {  	[tilespmem:s29], [sflag:$0x1] =	stream.indirect.gather [hbm4b:s4+s14], $0x1, s30, s14, $0xb8;
	[tilespmem:$0x14800] =	vst v63  }
0x20: {  	s31 =	simm.s32 $0x7880  }
0x21: {  	[tilespmem:s31], [sflag:$0x1] =	stream.indirect.gather [hbm4b:s5+s14], $0x1, s30, s14, $0xb8;
	[tilespmem:$0x14800] =	vst v63  }
0x22: {  	s23 =	simm.s32 $0x100;
	s22 =	simm.s32 $0x5100  }
0x23: {  	[tilespmem:s22], [sflag:$0x1] =	stream.indirect.gather [hbm4b:s4+s14], $0x1, s23, s14, $0xb8;
	[tilespmem:$0x14800] =	vst v63  }
0x24: {  	s24 =	simm.s32 $0x7900  }
0x25: {  	[tilespmem:s24], [sflag:$0x1] =	stream.indirect.gather [hbm4b:s5+s14], $0x1, s23, s14, $0xb8;
	[tilespmem:$0x14800] =	vst v63  }
0x26: {  	s25 =	simm.s32 $0x5180;
	s26 =	simm.s32 $0x180  }
0x27: {  	[tilespmem:s25], [sflag:$0x1] =	stream.indirect.gather [hbm4b:s4+s14], $0x1, s26, s14, $0xb8;
	[tilespmem:$0x14800] =	vst v63  }
0x28: {  	s28 =	simm.s32 $0x7980  }
0x29: {  	[tilespmem:s28], [sflag:$0x1] =	stream.indirect.gather [hbm4b:s5+s14], $0x1, s26, s14, $0xb8;
	[tilespmem:$0x14800] =	vst v63  }
0x2a: {  	s29 =	simm.s32 $0x5200;
	s30 =	simm.s32 $0x200  }
0x2b: {  	[tilespmem:s29], [sflag:$0x1] =	stream.indirect.gather [hbm4b:s4+s14], $0x1, s30, s14, $0xb8;
	[tilespmem:$0x14800] =	vst v63  }
0x2c: {  	s31 =	simm.s32 $0x7A00  }
0x2d: {  	[tilespmem:s31], [sflag:$0x1] =	stream.indirect.gather [hbm4b:s5+s14], $0x1, s30, s14, $0xb8;
	[tilespmem:$0x14800] =	vst v63  }
0x2e: {  	s22 =	simm.s32 $0x5280;
	s23 =	simm.s32 $0x280  }
0x2f: {  	[tilespmem:s22], [sflag:$0x1] =	stream.indirect.gather [hbm4b:s4+s14], $0x1, s23, s14, $0xb8;
	[tilespmem:$0x14800] =	vst v63  }
0x30: {  	s24 =	simm.s32 $0x7A80  }
0x31: {  	[tilespmem:s24], [sflag:$0x1] =	stream.indirect.gather [hbm4b:s5+s14], $0x1, s23, s14, $0xb8;
	[tilespmem:$0x14800] =	vst v63  }
0x32: {  	s25 =	simm.s32 $0x5300;
	s26 =	simm.s32 $0x300  }
0x33: {  	[tilespmem:s25], [sflag:$0x1] =	stream.indirect.gather [hbm4b:s4+s14], $0x1, s26, s14, $0xb8;
	[tilespmem:$0x14800] =	vst v63  }
0x34: {  	s28 =	simm.s32 $0x7B00  }
0x35: {  	[tilespmem:s28], [sflag:$0x1] =	stream.indirect.gather [hbm4b:s5+s14], $0x1, s26, s14, $0xb8;
	[tilespmem:$0x14800] =	vst v63  }
0x36: {  	s29 =	simm.s32 $0x5380;
	s30 =	simm.s32 $0x380  }
0x37: {  	[tilespmem:s29], [sflag:$0x1] =	stream.indirect.gather [hbm4b:s4+s14], $0x1, s30, s14, $0xb8;
	[tilespmem:$0x14800] =	vst v63  }
0x38: {  	s31 =	simm.s32 $0x7B80  }
0x39: {  	[tilespmem:s31], [sflag:$0x1] =	stream.indirect.gather [hbm4b:s5+s14], $0x1, s30, s14, $0xb8;
	[tilespmem:$0x14800] =	vst v63  }
0x3a: {  	_ =	swait.ge [sflag:s15], $0x80  }
0x3b: {  	[sflag:s15] =	ssyncset.done $0x0  }
0x3c: {  	[sflag:s15] =	ssyncadd.s32 $0xFFFFFF80  }
0x3d: {  	_ =	swait.ge [sflag:s15], $0x80  }
0x3e: {  	[sflag:s15] =	ssyncset.done $0x0  }
0x3f: {  	[sflag:s15] =	ssyncadd.s32 $0xFFFFFF80  }
0x40: {  	_ =	swait.ge [sflag:s15], $0x80  }
0x41: {  	[sflag:s15] =	ssyncset.done $0x0  }
0x42: {  	[sflag:s15] =	ssyncadd.s32 $0xFFFFFF80  }
0x43: {  	_ =	swait.ge [sflag:s15], $0x80  }
0x44: {  	[sflag:s15] =	ssyncset.done $0x0  }
0x45: {  	[sflag:s15] =	ssyncadd.s32 $0xFFFFFF80  }
0x46: {  	_ =	swait.ge [sflag:s15], $0x80  }
0x47: {  	[sflag:s15] =	ssyncset.done $0x0  }
0x48: {  	[sflag:s15] =	ssyncadd.s32 $0xFFFFFF80  }
0x49: {  	_ =	swait.ge [sflag:s15], $0x80  }
0x4a: {  	[sflag:s15] =	ssyncset.done $0x0  }
0x4b: {  	[sflag:s15] =	ssyncadd.s32 $0xFFFFFF80  }
0x4c: {  	_ =	swait.ge [sflag:s15], $0x80  }
0x4d: {  	[sflag:s15] =	ssyncset.done $0x0  }
0x4e: {  	[sflag:s15] =	ssyncadd.s32 $0xFFFFFF80  }
0x4f: {  	_ =	swait.ge [sflag:s15], $0x80  }
0x50: {  	[sflag:s15] =	ssyncset.done $0x0  }
0x51: {  	[sflag:s15] =	ssyncadd.s32 $0xFFFFFF80  }
0x52: {  	_ =	swait.ge [sflag:s15], $0x80  }
0x53: {  	[sflag:s15] =	ssyncset.done $0x0  }
0x54: {  	[sflag:s15] =	ssyncadd.s32 $0xFFFFFF80  }
0x55: {  	_ =	swait.ge [sflag:s15], $0x80  }
0x56: {  	[sflag:s15] =	ssyncset.done $0x0  }
0x57: {  	[sflag:s15] =	ssyncadd.s32 $0xFFFFFF80  }
0x58: {  	_ =	swait.ge [sflag:s15], $0x80  }
0x59: {  	[sflag:s15] =	ssyncset.done $0x0  }
0x5a: {  	[sflag:s15] =	ssyncadd.s32 $0xFFFFFF80  }
0x5b: {  	_ =	swait.ge [sflag:s15], $0x80  }
0x5c: {  	[sflag:s15] =	ssyncset.done $0x0  }
0x5d: {  	[sflag:s15] =	ssyncadd.s32 $0xFFFFFF80  }
0x5e: {  	_ =	swait.ge [sflag:s15], $0x80  }
0x5f: {  	[sflag:s15] =	ssyncset.done $0x0  }
0x60: {  	[sflag:s15] =	ssyncadd.s32 $0xFFFFFF80  }
0x61: {  	_ =	swait.ge [sflag:s15], $0x80  }
0x62: {  	[sflag:s15] =	ssyncset.done $0x0  }
0x63: {  	[sflag:s15] =	ssyncadd.s32 $0xFFFFFF80  }
0x64: {  	_ =	swait.ge [sflag:s15], $0x80  }
0x65: {  	[sflag:s15] =	ssyncset.done $0x0  }
0x66: {  	[sflag:s15] =	ssyncadd.s32 $0xFFFFFF80  }
0x67: {  	_ =	swait.ge [sflag:s15], $0x80  }
0x68: {  	s24 =	simm.s32 $0x2000;
	s23 =	simm.s32 $0x400;
	[sflag:s15] =	ssyncset.done $0x0  }
.LBB2_2:
0x69: {  	s25 =	sadd.s32 $0x5000, s23  }
0x6a: {  	[sflag:s15] =	ssyncadd.s32 $0xFFFFFF80;
	s22 =	smov.u32 s24;
	s21 =	sadd.s32 $0x1000, s24  }
0x6b: {  	[tilespmem:s25], [sflag:$0x1] =	stream.indirect.gather [hbm4b:s4+s14], $0x1, s23, s14, $0xb8;
	[tilespmem:$0x14800] =	vst v63  }
0x6c: {  	p0 =	sne.s32 s24, $0x9000;
	s24 =	sadd.s32 $0x7800, s23  }
0x6d: {  	[tilespmem:s24], [sflag:$0x1] =	stream.indirect.gather [hbm4b:s5+s14], $0x1, s23, s14, $0xb8;
	[tilespmem:$0x14800] =	vst v63  }
0x6e: {  	s25 =	sadd.s32 $0x80, s23;
	s24 =	sadd.s32 $0x5080, s23  }
0x6f: {  	[tilespmem:s24], [sflag:$0x1] =	stream.indirect.gather [hbm4b:s4+s14], $0x1, s25, s14, $0xb8;
	[tilespmem:$0x14800] =	vst v63  }
0x70: {  	s24 =	sadd.s32 $0x7880, s23  }
0x71: {  	[tilespmem:s24], [sflag:$0x1] =	stream.indirect.gather [hbm4b:s5+s14], $0x1, s25, s14, $0xb8;
	[tilespmem:$0x14800] =	vst v63  }
0x72: {  	s24 =	sadd.s32 $0x5100, s23;
	s25 =	sadd.s32 $0x100, s23  }
0x73: {  	[tilespmem:s24], [sflag:$0x1] =	stream.indirect.gather [hbm4b:s4+s14], $0x1, s25, s14, $0xb8;
	[tilespmem:$0x14800] =	vst v63  }
0x74: {  	s24 =	sadd.s32 $0x7900, s23  }
0x75: {  	[tilespmem:s24], [sflag:$0x1] =	stream.indirect.gather [hbm4b:s5+s14], $0x1, s25, s14, $0xb8;
	[tilespmem:$0x14800] =	vst v63  }
0x76: {  	s24 =	sadd.s32 $0x5180, s23;
	s25 =	sadd.s32 $0x180, s23  }
0x77: {  	[tilespmem:s24], [sflag:$0x1] =	stream.indirect.gather [hbm4b:s4+s14], $0x1, s25, s14, $0xb8;
	[tilespmem:$0x14800] =	vst v63  }
0x78: {  	s24 =	sadd.s32 $0x7980, s23  }
0x79: {  	[tilespmem:s24], [sflag:$0x1] =	stream.indirect.gather [hbm4b:s5+s14], $0x1, s25, s14, $0xb8;
	[tilespmem:$0x14800] =	vst v63  }
0x7a: {  	s24 =	sadd.s32 $0x5200, s23;
	s25 =	sadd.s32 $0x200, s23  }
0x7b: {  	[tilespmem:s24], [sflag:$0x1] =	stream.indirect.gather [hbm4b:s4+s14], $0x1, s25, s14, $0xb8;
	[tilespmem:$0x14800] =	vst v63  }
0x7c: {  	s24 =	sadd.s32 $0x7A00, s23  }
0x7d: {  	[tilespmem:s24], [sflag:$0x1] =	stream.indirect.gather [hbm4b:s5+s14], $0x1, s25, s14, $0xb8;
	[tilespmem:$0x14800] =	vst v63  }
0x7e: {  	s24 =	sadd.s32 $0x5280, s23;
	s25 =	sadd.s32 $0x280, s23  }
0x7f: {  	[tilespmem:s24], [sflag:$0x1] =	stream.indirect.gather [hbm4b:s4+s14], $0x1, s25, s14, $0xb8;
	[tilespmem:$0x14800] =	vst v63  }
0x80: {  	s24 =	sadd.s32 $0x7A80, s23  }
0x81: {  	[tilespmem:s24], [sflag:$0x1] =	stream.indirect.gather [hbm4b:s5+s14], $0x1, s25, s14, $0xb8;
	[tilespmem:$0x14800] =	vst v63  }
0x82: {  	s24 =	sadd.s32 $0x5300, s23;
	s25 =	sadd.s32 $0x300, s23  }
0x83: {  	[tilespmem:s24], [sflag:$0x1] =	stream.indirect.gather [hbm4b:s4+s14], $0x1, s25, s14, $0xb8;
	[tilespmem:$0x14800] =	vst v63  }
0x84: {  	s24 =	sadd.s32 $0x7B00, s23  }
0x85: {  	[tilespmem:s24], [sflag:$0x1] =	stream.indirect.gather [hbm4b:s5+s14], $0x1, s25, s14, $0xb8;
	[tilespmem:$0x14800] =	vst v63  }
0x86: {  	s24 =	sadd.s32 $0x5380, s23;
	s25 =	sadd.s32 $0x380, s23  }
0x87: {  	[tilespmem:s24], [sflag:$0x1] =	stream.indirect.gather [hbm4b:s4+s14], $0x1, s25, s14, $0xb8;
	[tilespmem:$0x14800] =	vst v63  }
0x88: {  	s23 =	sadd.s32 $0x7B80, s23  }
0x89: {  	[tilespmem:s23], [sflag:$0x1] =	stream.indirect.gather [hbm4b:s5+s14], $0x1, s25, s14, $0xb8;
	[tilespmem:$0x14800] =	vst v63  }
0x8a: {  	_ =	swait.ge [sflag:s15], $0x80  }
0x8b: {  	[sflag:s15] =	ssyncset.done $0x0  }
0x8c: {  	[sflag:s15] =	ssyncadd.s32 $0xFFFFFF80  }
0x8d: {  	_ =	swait.ge [sflag:s15], $0x80  }
0x8e: {  	[sflag:s15] =	ssyncset.done $0x0  }
0x8f: {  	[sflag:s15] =	ssyncadd.s32 $0xFFFFFF80  }
0x90: {  	_ =	swait.ge [sflag:s15], $0x80  }
0x91: {  	[sflag:s15] =	ssyncset.done $0x0  }
0x92: {  	[sflag:s15] =	ssyncadd.s32 $0xFFFFFF80  }
0x93: {  	_ =	swait.ge [sflag:s15], $0x80  }
0x94: {  	[sflag:s15] =	ssyncset.done $0x0  }
0x95: {  	[sflag:s15] =	ssyncadd.s32 $0xFFFFFF80  }
0x96: {  	_ =	swait.ge [sflag:s15], $0x80  }
0x97: {  	[sflag:s15] =	ssyncset.done $0x0  }
0x98: {  	[sflag:s15] =	ssyncadd.s32 $0xFFFFFF80  }
0x99: {  	_ =	swait.ge [sflag:s15], $0x80  }
0x9a: {  	[sflag:s15] =	ssyncset.done $0x0  }
0x9b: {  	[sflag:s15] =	ssyncadd.s32 $0xFFFFFF80  }
0x9c: {  	_ =	swait.ge [sflag:s15], $0x80  }
0x9d: {  	[sflag:s15] =	ssyncset.done $0x0  }
0x9e: {  	[sflag:s15] =	ssyncadd.s32 $0xFFFFFF80  }
0x9f: {  	_ =	swait.ge [sflag:s15], $0x80  }
0xa0: {  	[sflag:s15] =	ssyncset.done $0x0  }
0xa1: {  	[sflag:s15] =	ssyncadd.s32 $0xFFFFFF80  }
0xa2: {  	_ =	swait.ge [sflag:s15], $0x80  }
0xa3: {  	[sflag:s15] =	ssyncset.done $0x0  }
0xa4: {  	[sflag:s15] =	ssyncadd.s32 $0xFFFFFF80  }
0xa5: {  	_ =	swait.ge [sflag:s15], $0x80  }
0xa6: {  	[sflag:s15] =	ssyncset.done $0x0  }
0xa7: {  	[sflag:s15] =	ssyncadd.s32 $0xFFFFFF80  }
0xa8: {  	_ =	swait.ge [sflag:s15], $0x80  }
0xa9: {  	[sflag:s15] =	ssyncset.done $0x0  }
0xaa: {  	[sflag:s15] =	ssyncadd.s32 $0xFFFFFF80  }
0xab: {  	_ =	swait.ge [sflag:s15], $0x80  }
0xac: {  	[sflag:s15] =	ssyncset.done $0x0  }
0xad: {  	[sflag:s15] =	ssyncadd.s32 $0xFFFFFF80  }
0xae: {  	_ =	swait.ge [sflag:s15], $0x80  }
0xaf: {  	[sflag:s15] =	ssyncset.done $0x0  }
0xb0: {  	[sflag:s15] =	ssyncadd.s32 $0xFFFFFF80  }
0xb1: {  	_ =	swait.ge [sflag:s15], $0x80  }
0xb2: {  	[sflag:s15] =	ssyncset.done $0x0  }
0xb3: {  	[sflag:s15] =	ssyncadd.s32 $0xFFFFFF80  }
.Ltmp2:
0xb4: {  	_ =	swait.ge [sflag:s15], $0x80;
	(pc) =	sbr.rel @p0 .LBB2_2-.Ltmp2, $4  }
0xb5: {  	[sflag:s15] =	ssyncset.done $0x0  }
0xb6: {  	[sflag:s15] =	ssyncadd.s32 $0xFFFFFF80  }
0xb7: {  	_ =	swait.ge [sflag:s15], $0x80  }
0xb8: {  	s24 =	smov.u32 s21;
	s23 =	sshra.s32 s22, $0x2;
	[sflag:s15] =	ssyncset.done $0x0  }
0xb9: {  	s21 =	sadd.s32 $0x5000, s23;
	[sflag:s15] =	ssyncadd.s32 $0xFFFFFF80  }
0xba: {  	[tilespmem:s21], [sflag:$0x1] =	stream.indirect.gather [hbm4b:s4+s14], $0x1, s23, s14, $0xb8;
	[tilespmem:$0x14800] =	vst v63  }
0xbb: {  	s29 =	sadd.s32 $0x7800, s23  }
0xbc: {  	[tilespmem:s29], [sflag:$0x1] =	stream.indirect.gather [hbm4b:s5+s14], $0x1, s23, s14, $0xb8;
	[tilespmem:$0x14800] =	vst v63  }
0xbd: {  	s30 =	sadd.s32 $0x5080, s23;
	s22 =	sadd.s32 $0x80, s23  }
0xbe: {  	[tilespmem:s30], [sflag:$0x1] =	stream.indirect.gather [hbm4b:s4+s14], $0x1, s22, s14, $0xb8;
	[tilespmem:$0x14800] =	vst v63  }
0xbf: {  	s31 =	sadd.s32 $0x7880, s23  }
0xc0: {  	[tilespmem:s31], [sflag:$0x1] =	stream.indirect.gather [hbm4b:s5+s14], $0x1, s22, s14, $0xb8;
	[tilespmem:$0x14800] =	vst v63  }
0xc1: {  	s24 =	sadd.s32 $0x100, s23;
	s22 =	sadd.s32 $0x5100, s23  }
0xc2: {  	[tilespmem:s22], [sflag:$0x1] =	stream.indirect.gather [hbm4b:s4+s14], $0x1, s24, s14, $0xb8;
	[tilespmem:$0x14800] =	vst v63  }
0xc3: {  	s25 =	sadd.s32 $0x7900, s23  }
0xc4: {  	[tilespmem:s25], [sflag:$0x1] =	stream.indirect.gather [hbm4b:s5+s14], $0x1, s24, s14, $0xb8;
	[tilespmem:$0x14800] =	vst v63  }
0xc5: {  	s26 =	sadd.s32 $0x5180, s23;
	s28 =	sadd.s32 $0x180, s23  }
0xc6: {  	[tilespmem:s26], [sflag:$0x1] =	stream.indirect.gather [hbm4b:s4+s14], $0x1, s28, s14, $0xb8;
	[tilespmem:$0x14800] =	vst v63  }
0xc7: {  	s29 =	sadd.s32 $0x7980, s23  }
0xc8: {  	[tilespmem:s29], [sflag:$0x1] =	stream.indirect.gather [hbm4b:s5+s14], $0x1, s28, s14, $0xb8;
	[tilespmem:$0x14800] =	vst v63  }
0xc9: {  	s30 =	sadd.s32 $0x5200, s23;
	s31 =	sadd.s32 $0x200, s23  }
0xca: {  	[tilespmem:s30], [sflag:$0x1] =	stream.indirect.gather [hbm4b:s4+s14], $0x1, s31, s14, $0xb8;
	[tilespmem:$0x14800] =	vst v63  }
0xcb: {  	s24 =	sadd.s32 $0x7A00, s23  }
0xcc: {  	[tilespmem:s24], [sflag:$0x1] =	stream.indirect.gather [hbm4b:s5+s14], $0x1, s31, s14, $0xb8;
	[tilespmem:$0x14800] =	vst v63  }
0xcd: {  	s25 =	sadd.s32 $0x5280, s23;
	s26 =	sadd.s32 $0x280, s23  }
0xce: {  	[tilespmem:s25], [sflag:$0x1] =	stream.indirect.gather [hbm4b:s4+s14], $0x1, s26, s14, $0xb8;
	[tilespmem:$0x14800] =	vst v63  }
0xcf: {  	s28 =	sadd.s32 $0x7A80, s23  }
0xd0: {  	[tilespmem:s28], [sflag:$0x1] =	stream.indirect.gather [hbm4b:s5+s14], $0x1, s26, s14, $0xb8;
	[tilespmem:$0x14800] =	vst v63  }
0xd1: {  	s29 =	sadd.s32 $0x5300, s23;
	s30 =	sadd.s32 $0x300, s23  }
0xd2: {  	[tilespmem:s29], [sflag:$0x1] =	stream.indirect.gather [hbm4b:s4+s14], $0x1, s30, s14, $0xb8;
	[tilespmem:$0x14800] =	vst v63  }
0xd3: {  	s31 =	sadd.s32 $0x7B00, s23  }
0xd4: {  	[tilespmem:s31], [sflag:$0x1] =	stream.indirect.gather [hbm4b:s5+s14], $0x1, s30, s14, $0xb8;
	[tilespmem:$0x14800] =	vst v63  }
0xd5: {  	s24 =	sadd.s32 $0x5380, s23;
	s25 =	sadd.s32 $0x380, s23  }
0xd6: {  	[tilespmem:s24], [sflag:$0x1] =	stream.indirect.gather [hbm4b:s4+s14], $0x1, s25, s14, $0xb8;
	[tilespmem:$0x14800] =	vst v63  }
0xd7: {  	s26 =	sadd.s32 $0x7B80, s23  }
0xd8: {  	[tilespmem:s26], [sflag:$0x1] =	stream.indirect.gather [hbm4b:s5+s14], $0x1, s25, s14, $0xb8;
	[tilespmem:$0x14800] =	vst v63  }
0xd9: {  	_ =	swait.ge [sflag:s15], $0x80  }
0xda: {  	[sflag:s15] =	ssyncset.done $0x0  }
0xdb: {  	[sflag:s15] =	ssyncadd.s32 $0xFFFFFF80  }
0xdc: {  	_ =	swait.ge [sflag:s15], $0x80  }
0xdd: {  	[sflag:s15] =	ssyncset.done $0x0  }
0xde: {  	[sflag:s15] =	ssyncadd.s32 $0xFFFFFF80  }
0xdf: {  	_ =	swait.ge [sflag:s15], $0x80  }
0xe0: {  	[sflag:s15] =	ssyncset.done $0x0  }
0xe1: {  	[sflag:s15] =	ssyncadd.s32 $0xFFFFFF80  }
0xe2: {  	_ =	swait.ge [sflag:s15], $0x80  }
0xe3: {  	[sflag:s15] =	ssyncset.done $0x0  }
0xe4: {  	[sflag:s15] =	ssyncadd.s32 $0xFFFFFF80  }
0xe5: {  	_ =	swait.ge [sflag:s15], $0x80  }
0xe6: {  	[sflag:s15] =	ssyncset.done $0x0  }
0xe7: {  	[sflag:s15] =	ssyncadd.s32 $0xFFFFFF80  }
0xe8: {  	_ =	swait.ge [sflag:s15], $0x80  }
0xe9: {  	[sflag:s15] =	ssyncset.done $0x0  }
0xea: {  	[sflag:s15] =	ssyncadd.s32 $0xFFFFFF80  }
0xeb: {  	_ =	swait.ge [sflag:s15], $0x80  }
0xec: {  	[sflag:s15] =	ssyncset.done $0x0  }
0xed: {  	[sflag:s15] =	ssyncadd.s32 $0xFFFFFF80  }
0xee: {  	_ =	swait.ge [sflag:s15], $0x80  }
0xef: {  	[sflag:s15] =	ssyncset.done $0x0  }
0xf0: {  	[sflag:s15] =	ssyncadd.s32 $0xFFFFFF80  }
0xf1: {  	_ =	swait.ge [sflag:s15], $0x80  }
0xf2: {  	[sflag:s15] =	ssyncset.done $0x0  }
0xf3: {  	[sflag:s15] =	ssyncadd.s32 $0xFFFFFF80  }
0xf4: {  	_ =	swait.ge [sflag:s15], $0x80  }
0xf5: {  	[sflag:s15] =	ssyncset.done $0x0  }
0xf6: {  	[sflag:s15] =	ssyncadd.s32 $0xFFFFFF80  }
0xf7: {  	_ =	swait.ge [sflag:s15], $0x80  }
0xf8: {  	[sflag:s15] =	ssyncset.done $0x0  }
0xf9: {  	[sflag:s15] =	ssyncadd.s32 $0xFFFFFF80  }
0xfa: {  	_ =	swait.ge [sflag:s15], $0x80  }
0xfb: {  	[sflag:s15] =	ssyncset.done $0x0  }
0xfc: {  	[sflag:s15] =	ssyncadd.s32 $0xFFFFFF80  }
0xfd: {  	_ =	swait.ge [sflag:s15], $0x80  }
0xfe: {  	[sflag:s15] =	ssyncset.done $0x0  }
0xff: {  	[sflag:s15] =	ssyncadd.s32 $0xFFFFFF80  }
0x100: {  	_ =	swait.ge [sflag:s15], $0x80  }
0x101: {  	[sflag:s15] =	ssyncset.done $0x0  }
0x102: {  	[sflag:s15] =	ssyncadd.s32 $0xFFFFFF80  }
0x103: {  	_ =	swait.ge [sflag:s15], $0x80  }
0x104: {  	[sflag:s15] =	ssyncset.done $0x0  }
0x105: {  	[sflag:s15] =	ssyncadd.s32 $0xFFFFFF80  }
0x106: {  	_ =	swait.ge [sflag:s15], $0x80  }
0x107: {  	[sflag:s15] =	ssyncset.done $0x0  }
0x108: {  	[sflag:s15] =	ssyncadd.s32 $0xFFFFFF80  }
0x109: {  	_ =	swait.ge [sflag:s15], $0x2800  }
0x10a: {  	[sflag:s15] =	ssyncset.done $0x0  }
0x10b: {  	s21 =	simm.s32 $0x5040;
	[sflag:s15] =	ssyncadd.s32 $0xFFFFD800  }
0x10c: {  	v1 =	vld [tilespmem:s21+$0xFFFFFFC0]  }
0x10d: {  	v2 =	vld [tilespmem:s21+$0xFFFFFFD0]  }
0x10e: {  	s28 =	sadd.s32 $0x0, s11;
	v7 =	vld [tilespmem:s21+$0x0]  }
0x10f: {  	s22 =	sadd.s32 $0x70, s28;
	s24 =	sadd.s32 $0x30, s28;
	v3 =	vld [tilespmem:s21+$0xFFFFFFE0]  }
0x110: {  	v4 =	vor.u32 s28, v0;
	s29 =	sadd.s32 $0x10, s28;
	v12 =	vor.u32 s22, v0;
	s31 =	sadd.s32 $0x40, s28;
	v6 =	vor.u32 s24, v0;
	s24 =	sadd.s32 $0x50, s28  }
0x111: {  	v5 =	vor.u32 s29, v0;
	s30 =	sadd.s32 $0x20, s28;
	v8 =	vor.u32 s31, v0;
	s25 =	sadd.s32 $0x60, s28;
	v10 =	vor.u32 s24, v0  }
0x112: {  	v11 =	vor.u32 s25, v0;
	v9 =	vld [tilespmem:s21+$0x10];
	v1 =	vsub.s32 v4, v1;
	v4 =	vor.u32 s30, v0  }
0x113: {  	v2 =	vsub.s32 v5, v2;
	v5 =	vld [tilespmem:s21+$0x20];
	v7 =	vsub.s32 v8, v7;
	vm0 =	vgt.s32 v1, $0x0  }
0x114: {  	v3 =	vsub.s32 v4, v3;
	v4 =	vld [tilespmem:s21+$0x30];
	v1 =	vnsel vm0, $0x0, v1;
	vm0 =	vgt.s32 v2, $0x0  }
0x115: {  	v1 =	vmin.u32 v1, $0x7FF;
	v2 =	vnsel vm0, $0x0, v2;
	vm0 =	vgt.s32 v3, $0x0  }
0x116: {  	v2 =	vmin.u32 v2, $0x7FF;
	v3 =	vnsel vm0, $0x0, v3;
	vm0 =	vgt.s32 v7, $0x0  }
0x117: {  	v13 =	vld [tilespmem:s21+$0xFFFFFFF0];
	[tilespmem:s21+$0xFFFFFFC0] =	vst v1;
	v1 =	vsub.s32 v10, v9;
	v3 =	vmin.u32 v3, $0x7FF;
	v7 =	vnsel vm0, $0x0, v7  }
0x118: {  	[tilespmem:s21+$0xFFFFFFD0] =	vst v2;
	vm0 =	vgt.s32 v1, $0x0;
	v5 =	vsub.s32 v11, v5;
	v2 =	vmin.u32 v7, $0x7FF  }
0x119: {  	s22 =	simm.s32 $0x50C0;
	[tilespmem:s21+$0xFFFFFFE0] =	vst v3;
	v1 =	vnsel vm0, $0x0, v1;
	vm0 =	vgt.s32 v5, $0x0;
	v3 =	vsub.s32 v12, v4  }
0x11a: {  	v4 =	vld [tilespmem:s22+$0xFFFFFFC0];
	[tilespmem:s21+$0x0] =	vst v2;
	v2 =	vmin.u32 v1, $0x7FF;
	v5 =	vnsel vm0, $0x0, v5;
	vm0 =	vgt.s32 v3, $0x0  }
0x11b: {  	s23 =	sadd.s32 $0x80, s11;
	v1 =	vld [tilespmem:s22+$0xFFFFFFF0];
	[tilespmem:s21+$0x10] =	vst v2;
	v2 =	vmin.u32 v5, $0x7FF;
	v3 =	vnsel vm0, $0x0, v3  }
0x11c: {  	s28 =	sadd.s32 $0x20, s23;
	v6 =	vsub.s32 v6, v13;
	v9 =	vld [tilespmem:s22+$0xFFFFFFD0];
	[tilespmem:s21+$0x20] =	vst v2;
	v3 =	vmin.u32 v3, $0x7FF  }
0x11d: {  	s29 =	sadd.s32 $0x40, s23;
	v14 =	vor.u32 s28, v0;
	vm0 =	vgt.s32 v6, $0x0;
	v11 =	vld [tilespmem:s22+$0xFFFFFFE0];
	[tilespmem:s21+$0x30] =	vst v3  }
0x11e: {  	s26 =	sadd.s32 $0x10, s23;
	s30 =	sadd.s32 $0x50, s23;
	v10 =	vor.u32 s29, v0;
	v2 =	vnsel vm0, $0x0, v6;
	v6 =	vor.u32 s23, v0;
	v5 =	vld [tilespmem:s22+$0x0]  }
0x11f: {  	s31 =	sadd.s32 $0x60, s23;
	s25 =	sadd.s32 $0x30, s23;
	v12 =	vor.u32 s26, v0;
	v7 =	vor.u32 s30, v0;
	v6 =	vsub.s32 v6, v4  }
0x120: {  	s23 =	sadd.s32 $0x70, s23;
	v3 =	vor.u32 s25, v0;
	v8 =	vld [tilespmem:s22+$0x10];
	v4 =	vor.u32 s31, v0;
	vm0 =	vgt.s32 v6, $0x0  }
0x121: {  	v13 =	vsub.s32 v12, v9;
	v9 =	vld [tilespmem:s22+$0x20];
	v15 =	vnsel vm0, $0x0, v6;
	v6 =	vor.u32 s23, v0  }
0x122: {  	s24 =	simm.s32 $0x100;
	vm0 =	vgt.s32 v13, $0x0;
	v14 =	vsub.s32 v14, v11;
	v11 =	vld [tilespmem:s22+$0x30];
	s23 =	simm.s32 $0x50C0;
	v12 =	vmin.u32 v15, $0x7FF  }
.LBB2_4:
0x123: {  	p0 =	sne.s32 s24, $0x2780;
	v13 =	vnsel vm0, $0x0, v13;
	vm0 =	vgt.s32 v14, $0x0;
	v5 =	vsub.s32 v10, v5  }
0x124: {  	v10 =	vmin.u32 v13, $0x7FF;
	v13 =	vnsel vm0, $0x0, v14;
	vm0 =	vgt.s32 v5, $0x0  }
0x125: {  	[tilespmem:s22+$0xFFFFFFC0] =	vst v12;
	v12 =	vmin.u32 v13, $0x7FF;
	v5 =	vnsel vm0, $0x0, v5;
	v7 =	vsub.s32 v7, v8  }
0x126: {  	[tilespmem:s22+$0xFFFFFFD0] =	vst v10;
	v5 =	vmin.u32 v5, $0x7FF;
	vm0 =	vgt.s32 v7, $0x0;
	v4 =	vsub.s32 v4, v9  }
0x127: {  	s22 =	sadd.s32 $0x80, s22;
	[tilespmem:s23+$0xFFFFFFE0] =	vst v12;
	v7 =	vnsel vm0, $0x0, v7;
	vm0 =	vgt.s32 v4, $0x0;
	v6 =	vsub.s32 v6, v11  }
0x128: {  	v8 =	vld [tilespmem:s22+$0xFFFFFFC0];
	[tilespmem:s23+$0x0] =	vst v5;
	v5 =	vmin.u32 v7, $0x7FF;
	v4 =	vnsel vm0, $0x0, v4;
	vm0 =	vgt.s32 v6, $0x0  }
0x129: {  	v3 =	vsub.s32 v3, v1;
	s25 =	sadd.s32 s24, s11;
	v1 =	vld [tilespmem:s22+$0xFFFFFFF0];
	[tilespmem:s23+$0x10] =	vst v5;
	v4 =	vmin.u32 v4, $0x7FF;
	v5 =	vnsel vm0, $0x0, v6  }
0x12a: {  	s26 =	sadd.s32 $0x10, s25;
	v7 =	vmin.u32 v2, $0x7FF;
	vm0 =	vgt.s32 v3, $0x0;
	v6 =	vld [tilespmem:s22+$0xFFFFFFD0];
	[tilespmem:s23+$0x20] =	vst v4;
	v4 =	vmin.u32 v5, $0x7FF  }
0x12b: {  	s28 =	sadd.s32 $0x30, s25;
	v9 =	vor.u32 s26, v0;
	v2 =	vnsel vm0, $0x0, v3;
	v11 =	vld [tilespmem:s22+$0xFFFFFFE0];
	[tilespmem:s23+$0x30] =	vst v4  }
.Ltmp3:
0x12c: {  	s26 =	sadd.s32 $0x20, s25;
	v3 =	vor.u32 s28, v0;
	s28 =	sadd.s32 $0x40, s25;
	v4 =	vor.u32 s25, v0;
	v5 =	vld [tilespmem:s22+$0x0];
	[tilespmem:s21+$0xFFFFFFF0] =	vst v7;
	(pc) =	sbr.rel @p0 .LBB2_4-.Ltmp3, $4  }
0x12d: {  	v14 =	vor.u32 s26, v0;
	s26 =	sadd.s32 $0x50, s25;
	v10 =	vor.u32 s28, v0;
	s28 =	sadd.s32 $0x60, s25;
	s21 =	smov.u32 s23;
	v12 =	vsub.s32 v4, v8  }
0x12e: {  	s25 =	sadd.s32 $0x70, s25;
	v7 =	vor.u32 s26, v0;
	s23 =	smov.u32 s22;
	v4 =	vor.u32 s28, v0;
	vm0 =	vgt.s32 v12, $0x0;
	v8 =	vld [tilespmem:s22+$0x10]  }
0x12f: {  	v12 =	vnsel vm0, $0x0, v12;
	v13 =	vsub.s32 v9, v6;
	v9 =	vld [tilespmem:s22+$0x20];
	v6 =	vor.u32 s25, v0  }
0x130: {  	s24 =	sadd.s32 $0x80, s24;
	v12 =	vmin.u32 v12, $0x7FF;
	vm0 =	vgt.s32 v13, $0x0;
	v14 =	vsub.s32 v14, v11;
	v11 =	vld [tilespmem:s22+$0x30]  }
0x131: {  	v13 =	vnsel vm0, $0x0, v13;
	vm10 =	vgt.s32 v14, $0x0;
	v5 =	vsub.s32 v10, v5  }
0x132: {  	v59 =	vmin.u32 v13, $0x7FF;
	v60 =	vnsel vm10, $0x0, v14;
	vm11 =	vgt.s32 v5, $0x0  }
0x133: {  	[tilespmem:s22+$0xFFFFFFC0] =	vst v12;
	v61 =	vmin.u32 v60, $0x7FF;
	v5 =	vnsel vm11, $0x0, v5;
	v7 =	vsub.s32 v7, v8  }
0x134: {  	[tilespmem:s22+$0xFFFFFFD0] =	vst v59;
	v5 =	vmin.u32 v5, $0x7FF;
	vm12 =	vgt.s32 v7, $0x0;
	v4 =	vsub.s32 v4, v9  }
0x135: {  	[tilespmem:s23+$0xFFFFFFE0] =	vst v61;
	v7 =	vnsel vm12, $0x0, v7;
	vm13 =	vgt.s32 v4, $0x0;
	v6 =	vsub.s32 v6, v11  }
0x136: {  	[tilespmem:s23+$0x0] =	vst v5;
	v62 =	vmin.u32 v7, $0x7FF;
	v4 =	vnsel vm13, $0x0, v4;
	vm14 =	vgt.s32 v6, $0x0  }
0x137: {  	v1 =	vsub.s32 v3, v1;
	[tilespmem:s23+$0x10] =	vst v62;
	v3 =	vmin.u32 v4, $0x7FF;
	v63 =	vnsel vm14, $0x0, v6  }
0x138: {  	vm15 =	vgt.s32 v1, $0x0;
	[tilespmem:s23+$0x20] =	vst v3;
	v3 =	vmin.u32 v63, $0x7FF  }
0x139: {  	v2 =	vmin.u32 v2, $0x7FF;
	v1 =	vnsel vm15, $0x0, v1;
	[tilespmem:s23+$0x30] =	vst v3  }
0x13a: {  	v1 =	vmin.u32 v1, $0x7FF;
	[tilespmem:s21+$0xFFFFFFF0] =	vst v2  }
0x13b: {  	s24 =	simm.s32 $0x5000;
	[tilespmem:s23+$0xFFFFFFF0] =	vst v1;
	s23 =	simm.s32 $0xA000  }
0x13c: {  	[tilespmem:s23], [sflag:$0x1] =	stream.indirect.gather [hbm4b:s6+s14], $0x1, s24, s14, $0xb8;
	[tilespmem:$0x14800] =	vst v63  }
0x13d: {  	s25 =	simm.s32 $0xA080;
	s26 =	simm.s32 $0x5080  }
0x13e: {  	[tilespmem:s25], [sflag:$0x1] =	stream.indirect.gather [hbm4b:s6+s14], $0x1, s26, s14, $0xb8;
	[tilespmem:$0x14800] =	vst v63  }
0x13f: {  	s28 =	simm.s32 $0xA100;
	s29 =	simm.s32 $0x5100  }
0x140: {  	[tilespmem:s28], [sflag:$0x1] =	stream.indirect.gather [hbm4b:s6+s14], $0x1, s29, s14, $0xb8;
	[tilespmem:$0x14800] =	vst v63  }
0x141: {  	s30 =	simm.s32 $0xA180;
	s31 =	simm.s32 $0x5180  }
0x142: {  	[tilespmem:s30], [sflag:$0x1] =	stream.indirect.gather [hbm4b:s6+s14], $0x1, s31, s14, $0xb8;
	[tilespmem:$0x14800] =	vst v63  }
0x143: {  	s23 =	simm.s32 $0xA200;
	s24 =	simm.s32 $0x5200  }
0x144: {  	[tilespmem:s23], [sflag:$0x1] =	stream.indirect.gather [hbm4b:s6+s14], $0x1, s24, s14, $0xb8;
	[tilespmem:$0x14800] =	vst v63  }
0x145: {  	s25 =	simm.s32 $0xA280;
	s26 =	simm.s32 $0x5280  }
0x146: {  	[tilespmem:s25], [sflag:$0x1] =	stream.indirect.gather [hbm4b:s6+s14], $0x1, s26, s14, $0xb8;
	[tilespmem:$0x14800] =	vst v63  }
0x147: {  	s28 =	simm.s32 $0xA300;
	s29 =	simm.s32 $0x5300  }
0x148: {  	[tilespmem:s28], [sflag:$0x1] =	stream.indirect.gather [hbm4b:s6+s14], $0x1, s29, s14, $0xb8;
	[tilespmem:$0x14800] =	vst v63  }
0x149: {  	s30 =	simm.s32 $0xA380;
	s31 =	simm.s32 $0x5380  }
0x14a: {  	[tilespmem:s30], [sflag:$0x1] =	stream.indirect.gather [hbm4b:s6+s14], $0x1, s31, s14, $0xb8;
	[tilespmem:$0x14800] =	vst v63  }
0x14b: {  	_ =	swait.ge [sflag:s15], $0x80  }
0x14c: {  	[sflag:s15] =	ssyncset.done $0x0  }
0x14d: {  	[sflag:s15] =	ssyncadd.s32 $0xFFFFFF80  }
0x14e: {  	_ =	swait.ge [sflag:s15], $0x80  }
0x14f: {  	[sflag:s15] =	ssyncset.done $0x0  }
0x150: {  	[sflag:s15] =	ssyncadd.s32 $0xFFFFFF80  }
0x151: {  	_ =	swait.ge [sflag:s15], $0x80  }
0x152: {  	[sflag:s15] =	ssyncset.done $0x0  }
0x153: {  	[sflag:s15] =	ssyncadd.s32 $0xFFFFFF80  }
0x154: {  	_ =	swait.ge [sflag:s15], $0x80  }
0x155: {  	[sflag:s15] =	ssyncset.done $0x0  }
0x156: {  	[sflag:s15] =	ssyncadd.s32 $0xFFFFFF80  }
0x157: {  	_ =	swait.ge [sflag:s15], $0x80  }
0x158: {  	[sflag:s15] =	ssyncset.done $0x0  }
0x159: {  	[sflag:s15] =	ssyncadd.s32 $0xFFFFFF80  }
0x15a: {  	_ =	swait.ge [sflag:s15], $0x80  }
0x15b: {  	[sflag:s15] =	ssyncset.done $0x0  }
0x15c: {  	[sflag:s15] =	ssyncadd.s32 $0xFFFFFF80  }
0x15d: {  	_ =	swait.ge [sflag:s15], $0x80  }
0x15e: {  	[sflag:s15] =	ssyncset.done $0x0  }
0x15f: {  	[sflag:s15] =	ssyncadd.s32 $0xFFFFFF80  }
0x160: {  	_ =	swait.ge [sflag:s15], $0x80  }
0x161: {  	s24 =	simm.s32 $0x2000;
	s23 =	simm.s32 $0x400;
	[sflag:s15] =	ssyncset.done $0x0  }
.LBB2_6:
0x162: {  	s22 =	sadd.s32 $0xA000, s23  }
0x163: {  	s25 =	sadd.s32 $0x5000, s23;
	[sflag:s15] =	ssyncadd.s32 $0xFFFFFF80;
	s21 =	smov.u32 s24  }
0x164: {  	[tilespmem:s22], [sflag:$0x1] =	stream.indirect.gather [hbm4b:s6+s14], $0x1, s25, s14, $0xb8;
	[tilespmem:$0x14800] =	vst v63  }
0x165: {  	s26 =	sadd.s32 $0x5080, s23;
	s22 =	sadd.s32 $0x1000, s24;
	s25 =	sadd.s32 $0xA080, s23  }
0x166: {  	[tilespmem:s25], [sflag:$0x1] =	stream.indirect.gather [hbm4b:s6+s14], $0x1, s26, s14, $0xb8;
	[tilespmem:$0x14800] =	vst v63  }
0x167: {  	p0 =	sne.s32 s24, $0x9000;
	s24 =	sadd.s32 $0xA100, s23;
	s25 =	sadd.s32 $0x5100, s23  }
0x168: {  	[tilespmem:s24], [sflag:$0x1] =	stream.indirect.gather [hbm4b:s6+s14], $0x1, s25, s14, $0xb8;
	[tilespmem:$0x14800] =	vst v63  }
0x169: {  	s24 =	sadd.s32 $0xA180, s23;
	s25 =	sadd.s32 $0x5180, s23  }
0x16a: {  	[tilespmem:s24], [sflag:$0x1] =	stream.indirect.gather [hbm4b:s6+s14], $0x1, s25, s14, $0xb8;
	[tilespmem:$0x14800] =	vst v63  }
0x16b: {  	s24 =	sadd.s32 $0xA200, s23;
	s25 =	sadd.s32 $0x5200, s23  }
0x16c: {  	[tilespmem:s24], [sflag:$0x1] =	stream.indirect.gather [hbm4b:s6+s14], $0x1, s25, s14, $0xb8;
	[tilespmem:$0x14800] =	vst v63  }
0x16d: {  	s24 =	sadd.s32 $0xA280, s23;
	s25 =	sadd.s32 $0x5280, s23  }
0x16e: {  	[tilespmem:s24], [sflag:$0x1] =	stream.indirect.gather [hbm4b:s6+s14], $0x1, s25, s14, $0xb8;
	[tilespmem:$0x14800] =	vst v63  }
0x16f: {  	s24 =	sadd.s32 $0xA300, s23;
	s25 =	sadd.s32 $0x5300, s23  }
0x170: {  	[tilespmem:s24], [sflag:$0x1] =	stream.indirect.gather [hbm4b:s6+s14], $0x1, s25, s14, $0xb8;
	[tilespmem:$0x14800] =	vst v63  }
0x171: {  	s24 =	sadd.s32 $0xA380, s23;
	s23 =	sadd.s32 $0x5380, s23  }
0x172: {  	[tilespmem:s24], [sflag:$0x1] =	stream.indirect.gather [hbm4b:s6+s14], $0x1, s23, s14, $0xb8;
	[tilespmem:$0x14800] =	vst v63  }
0x173: {  	_ =	swait.ge [sflag:s15], $0x80  }
0x174: {  	[sflag:s15] =	ssyncset.done $0x0  }
0x175: {  	[sflag:s15] =	ssyncadd.s32 $0xFFFFFF80  }
0x176: {  	_ =	swait.ge [sflag:s15], $0x80  }
0x177: {  	[sflag:s15] =	ssyncset.done $0x0  }
0x178: {  	[sflag:s15] =	ssyncadd.s32 $0xFFFFFF80  }
0x179: {  	_ =	swait.ge [sflag:s15], $0x80  }
0x17a: {  	[sflag:s15] =	ssyncset.done $0x0  }
0x17b: {  	[sflag:s15] =	ssyncadd.s32 $0xFFFFFF80  }
0x17c: {  	_ =	swait.ge [sflag:s15], $0x80  }
0x17d: {  	[sflag:s15] =	ssyncset.done $0x0  }
0x17e: {  	[sflag:s15] =	ssyncadd.s32 $0xFFFFFF80  }
0x17f: {  	_ =	swait.ge [sflag:s15], $0x80  }
0x180: {  	[sflag:s15] =	ssyncset.done $0x0  }
0x181: {  	[sflag:s15] =	ssyncadd.s32 $0xFFFFFF80  }
0x182: {  	_ =	swait.ge [sflag:s15], $0x80  }
0x183: {  	[sflag:s15] =	ssyncset.done $0x0  }
0x184: {  	[sflag:s15] =	ssyncadd.s32 $0xFFFFFF80  }
.Ltmp4:
0x185: {  	_ =	swait.ge [sflag:s15], $0x80;
	(pc) =	sbr.rel @p0 .LBB2_6-.Ltmp4, $4  }
0x186: {  	[sflag:s15] =	ssyncset.done $0x0  }
0x187: {  	[sflag:s15] =	ssyncadd.s32 $0xFFFFFF80  }
0x188: {  	_ =	swait.ge [sflag:s15], $0x80  }
0x189: {  	s23 =	sshra.s32 s21, $0x2;
	s24 =	smov.u32 s22;
	[sflag:s15] =	ssyncset.done $0x0  }
0x18a: {  	s21 =	sadd.s32 $0xA000, s23;
	s22 =	sadd.s32 $0x5000, s23;
	[sflag:s15] =	ssyncadd.s32 $0xFFFFFF80  }
0x18b: {  	[tilespmem:s21], [sflag:$0x1] =	stream.indirect.gather [hbm4b:s6+s14], $0x1, s22, s14, $0xb8;
	[tilespmem:$0x14800] =	vst v63  }
0x18c: {  	s25 =	sadd.s32 $0xA080, s23;
	s26 =	sadd.s32 $0x5080, s23  }
0x18d: {  	[tilespmem:s25], [sflag:$0x1] =	stream.indirect.gather [hbm4b:s6+s14], $0x1, s26, s14, $0xb8;
	[tilespmem:$0x14800] =	vst v63  }
0x18e: {  	s28 =	sadd.s32 $0xA100, s23;
	s29 =	sadd.s32 $0x5100, s23  }
0x18f: {  	[tilespmem:s28], [sflag:$0x1] =	stream.indirect.gather [hbm4b:s6+s14], $0x1, s29, s14, $0xb8;
	[tilespmem:$0x14800] =	vst v63  }
0x190: {  	s30 =	sadd.s32 $0xA180, s23;
	s31 =	sadd.s32 $0x5180, s23  }
0x191: {  	[tilespmem:s30], [sflag:$0x1] =	stream.indirect.gather [hbm4b:s6+s14], $0x1, s31, s14, $0xb8;
	[tilespmem:$0x14800] =	vst v63  }
0x192: {  	s24 =	sadd.s32 $0x5200, s23;
	s22 =	sadd.s32 $0xA200, s23  }
0x193: {  	[tilespmem:s22], [sflag:$0x1] =	stream.indirect.gather [hbm4b:s6+s14], $0x1, s24, s14, $0xb8;
	[tilespmem:$0x14800] =	vst v63  }
0x194: {  	s25 =	sadd.s32 $0xA280, s23;
	s26 =	sadd.s32 $0x5280, s23  }
0x195: {  	[tilespmem:s25], [sflag:$0x1] =	stream.indirect.gather [hbm4b:s6+s14], $0x1, s26, s14, $0xb8;
	[tilespmem:$0x14800] =	vst v63  }
0x196: {  	s28 =	sadd.s32 $0xA300, s23;
	s29 =	sadd.s32 $0x5300, s23  }
0x197: {  	[tilespmem:s28], [sflag:$0x1] =	stream.indirect.gather [hbm4b:s6+s14], $0x1, s29, s14, $0xb8;
	[tilespmem:$0x14800] =	vst v63  }
0x198: {  	s30 =	sadd.s32 $0xA380, s23;
	s31 =	sadd.s32 $0x5380, s23  }
0x199: {  	[tilespmem:s30], [sflag:$0x1] =	stream.indirect.gather [hbm4b:s6+s14], $0x1, s31, s14, $0xb8;
	[tilespmem:$0x14800] =	vst v63  }
0x19a: {  	_ =	swait.ge [sflag:s15], $0x80  }
0x19b: {  	[sflag:s15] =	ssyncset.done $0x0  }
0x19c: {  	[sflag:s15] =	ssyncadd.s32 $0xFFFFFF80  }
0x19d: {  	_ =	swait.ge [sflag:s15], $0x80  }
0x19e: {  	[sflag:s15] =	ssyncset.done $0x0  }
0x19f: {  	[sflag:s15] =	ssyncadd.s32 $0xFFFFFF80  }
0x1a0: {  	_ =	swait.ge [sflag:s15], $0x80  }
0x1a1: {  	[sflag:s15] =	ssyncset.done $0x0  }
0x1a2: {  	[sflag:s15] =	ssyncadd.s32 $0xFFFFFF80  }
0x1a3: {  	_ =	swait.ge [sflag:s15], $0x80  }
0x1a4: {  	[sflag:s15] =	ssyncset.done $0x0  }
0x1a5: {  	[sflag:s15] =	ssyncadd.s32 $0xFFFFFF80  }
0x1a6: {  	_ =	swait.ge [sflag:s15], $0x80  }
0x1a7: {  	[sflag:s15] =	ssyncset.done $0x0  }
0x1a8: {  	[sflag:s15] =	ssyncadd.s32 $0xFFFFFF80  }
0x1a9: {  	_ =	swait.ge [sflag:s15], $0x80  }
0x1aa: {  	[sflag:s15] =	ssyncset.done $0x0  }
0x1ab: {  	[sflag:s15] =	ssyncadd.s32 $0xFFFFFF80  }
0x1ac: {  	_ =	swait.ge [sflag:s15], $0x80  }
0x1ad: {  	[sflag:s15] =	ssyncset.done $0x0  }
0x1ae: {  	[sflag:s15] =	ssyncadd.s32 $0xFFFFFF80  }
0x1af: {  	_ =	swait.ge [sflag:s15], $0x80  }
0x1b0: {  	[sflag:s15] =	ssyncset.done $0x0  }
0x1b1: {  	s22 =	simm.s32 $0xA040;
	[sflag:s15] =	ssyncadd.s32 $0xFFFFFF80  }
0x1b2: {  	s23 =	simm.s32 $0x7840;
	v1 =	vld [tilespmem:s22+$0xFFFFFFC0]  }
0x1b3: {  	s21 =	simm.s32 $0xA040;
	s24 =	simm.s32 $0x0;
	s25 =	simm.s32 $0x80;
	v2 =	vld [tilespmem:s23+$0xFFFFFFC0]  }
.LBB2_8:
0x1b4: {  	p0 =	sne.s32 s25, $0x2780;
	_ =	sdelay $0x1  }
0x1b5: {  	s26 =	sadd.s32 s24, s11;
	s24 =	smov.u32 s25  }
0x1b6: {  	v3 =	vmov s26  }
0x1b7: {  	v4 =	vor.u32 s26, v0;
	vm0 =	vgt.u32 v3, $0x4E1FF;
	v1 =	vadd.s32 v1, v2  }
0x1b8: {  	v1 =	vsel vm0, v4, v1  }
0x1b9: {  	[tilespmem:s22+$0xFFFFFFC0] =	vst v1;
	v1 =	vld [tilespmem:s22+$0xFFFFFFD0]  }
0x1ba: {  	v2 =	vld [tilespmem:s23+$0xFFFFFFD0];
	_ =	sdelay $0x2  }
0x1bb: {  	s28 =	sadd.s32 $0x10, s26  }
0x1bc: {  	v3 =	vmov s28  }
0x1bd: {  	v4 =	vor.u32 s28, v0;
	vm0 =	vgt.u32 v3, $0x4E1FF;
	v1 =	vadd.s32 v1, v2  }
0x1be: {  	v1 =	vsel vm0, v4, v1  }
0x1bf: {  	[tilespmem:s22+$0xFFFFFFD0] =	vst v1;
	v1 =	vld [tilespmem:s22+$0xFFFFFFE0]  }
0x1c0: {  	v2 =	vld [tilespmem:s23+$0xFFFFFFE0];
	_ =	sdelay $0x2  }
0x1c1: {  	s28 =	sadd.s32 $0x20, s26  }
0x1c2: {  	v3 =	vmov s28  }
0x1c3: {  	v4 =	vor.u32 s28, v0;
	vm0 =	vgt.u32 v3, $0x4E1FF;
	v1 =	vadd.s32 v1, v2  }
0x1c4: {  	v1 =	vsel vm0, v4, v1  }
0x1c5: {  	[tilespmem:s22+$0xFFFFFFE0] =	vst v1;
	v1 =	vld [tilespmem:s22+$0xFFFFFFF0]  }
0x1c6: {  	v2 =	vld [tilespmem:s23+$0xFFFFFFF0];
	_ =	sdelay $0x2  }
0x1c7: {  	s28 =	sadd.s32 $0x30, s26  }
0x1c8: {  	v3 =	vmov s28  }
0x1c9: {  	v4 =	vor.u32 s28, v0;
	vm0 =	vgt.u32 v3, $0x4E1FF;
	v1 =	vadd.s32 v1, v2  }
0x1ca: {  	v1 =	vsel vm0, v4, v1  }
0x1cb: {  	[tilespmem:s22+$0xFFFFFFF0] =	vst v1;
	v1 =	vld [tilespmem:s22+$0x0]  }
0x1cc: {  	v2 =	vld [tilespmem:s23+$0x0];
	_ =	sdelay $0x2  }
0x1cd: {  	s28 =	sadd.s32 $0x40, s26  }
0x1ce: {  	v3 =	vmov s28  }
0x1cf: {  	v4 =	vor.u32 s28, v0;
	vm0 =	vgt.u32 v3, $0x4E1FF;
	v1 =	vadd.s32 v1, v2  }
0x1d0: {  	v1 =	vsel vm0, v4, v1  }
0x1d1: {  	[tilespmem:s22+$0x0] =	vst v1;
	v1 =	vld [tilespmem:s22+$0x10]  }
0x1d2: {  	v2 =	vld [tilespmem:s23+$0x10];
	_ =	sdelay $0x2  }
0x1d3: {  	s28 =	sadd.s32 $0x50, s26  }
0x1d4: {  	v3 =	vmov s28  }
0x1d5: {  	v4 =	vor.u32 s28, v0;
	vm0 =	vgt.u32 v3, $0x4E1FF;
	v1 =	vadd.s32 v1, v2  }
0x1d6: {  	v1 =	vsel vm0, v4, v1  }
0x1d7: {  	[tilespmem:s22+$0x10] =	vst v1;
	v1 =	vld [tilespmem:s22+$0x20]  }
0x1d8: {  	v2 =	vld [tilespmem:s23+$0x20];
	_ =	sdelay $0x2  }
0x1d9: {  	s28 =	sadd.s32 $0x60, s26  }
0x1da: {  	v3 =	vmov s28  }
0x1db: {  	v4 =	vor.u32 s28, v0;
	vm0 =	vgt.u32 v3, $0x4E1FF;
	v1 =	vadd.s32 v1, v2  }
0x1dc: {  	v1 =	vsel vm0, v4, v1  }
0x1dd: {  	[tilespmem:s22+$0x20] =	vst v1;
	v1 =	vld [tilespmem:s22+$0x30]  }
0x1de: {  	v2 =	vld [tilespmem:s23+$0x30];
	_ =	sdelay $0x2  }
0x1df: {  	s26 =	sadd.s32 $0x70, s26  }
.Ltmp5:
0x1e0: {  	v3 =	vmov s26;
	(pc) =	sbr.rel @p0 .LBB2_8-.Ltmp5, $4  }
0x1e1: {  	v4 =	vor.u32 s26, v0;
	vm0 =	vgt.u32 v3, $0x4E1FF;
	v1 =	vadd.s32 v1, v2  }
0x1e2: {  	s22 =	sadd.s32 $0x80, s22;
	v2 =	vsel vm0, v4, v1  }
0x1e3: {  	s23 =	sadd.s32 $0x80, s23;
	v1 =	vld [tilespmem:s22+$0xFFFFFFC0];
	[tilespmem:s21+$0x30] =	vst v2;
	s21 =	smov.u32 s22  }
0x1e4: {  	s25 =	sadd.s32 $0x80, s25;
	v2 =	vld [tilespmem:s23+$0xFFFFFFC0]  }
0x1e5: {  	_ =	sdelay $0x1  }
0x1e6: {  	s24 =	sadd.s32 s24, s11  }
0x1e7: {  	v3 =	vmov s24  }
0x1e8: {  	v4 =	vor.u32 s24, v0;
	vm0 =	vgt.u32 v3, $0x4E1FF;
	v1 =	vadd.s32 v1, v2  }
0x1e9: {  	v1 =	vsel vm0, v4, v1  }
0x1ea: {  	[tilespmem:s22+$0xFFFFFFC0] =	vst v1;
	v1 =	vld [tilespmem:s22+$0xFFFFFFD0]  }
0x1eb: {  	v2 =	vld [tilespmem:s23+$0xFFFFFFD0];
	_ =	sdelay $0x2  }
0x1ec: {  	s25 =	sadd.s32 $0x10, s24  }
0x1ed: {  	v3 =	vmov s25  }
0x1ee: {  	v57 =	vor.u32 s25, v0;
	vm9 =	vgt.u32 v3, $0x4E1FF;
	v1 =	vadd.s32 v1, v2  }
0x1ef: {  	v1 =	vsel vm9, v57, v1  }
0x1f0: {  	[tilespmem:s22+$0xFFFFFFD0] =	vst v1;
	v1 =	vld [tilespmem:s22+$0xFFFFFFE0]  }
0x1f1: {  	v2 =	vld [tilespmem:s23+$0xFFFFFFE0];
	_ =	sdelay $0x2  }
0x1f2: {  	s31 =	sadd.s32 $0x20, s24  }
0x1f3: {  	v3 =	vmov s31  }
0x1f4: {  	v58 =	vor.u32 s31, v0;
	vm10 =	vgt.u32 v3, $0x4E1FF;
	v1 =	vadd.s32 v1, v2  }
0x1f5: {  	v1 =	vsel vm10, v58, v1  }
0x1f6: {  	[tilespmem:s22+$0xFFFFFFE0] =	vst v1;
	v1 =	vld [tilespmem:s22+$0xFFFFFFF0]  }
0x1f7: {  	v2 =	vld [tilespmem:s23+$0xFFFFFFF0];
	_ =	sdelay $0x2  }
0x1f8: {  	s26 =	sadd.s32 $0x30, s24  }
0x1f9: {  	v3 =	vmov s26  }
0x1fa: {  	v59 =	vor.u32 s26, v0;
	vm11 =	vgt.u32 v3, $0x4E1FF;
	v1 =	vadd.s32 v1, v2  }
0x1fb: {  	v1 =	vsel vm11, v59, v1  }
0x1fc: {  	[tilespmem:s22+$0xFFFFFFF0] =	vst v1;
	v1 =	vld [tilespmem:s22+$0x0]  }
0x1fd: {  	v2 =	vld [tilespmem:s23+$0x0];
	_ =	sdelay $0x2  }
0x1fe: {  	s28 =	sadd.s32 $0x40, s24  }
0x1ff: {  	v3 =	vmov s28  }
0x200: {  	v60 =	vor.u32 s28, v0;
	vm12 =	vgt.u32 v3, $0x4E1FF;
	v1 =	vadd.s32 v1, v2  }
0x201: {  	v1 =	vsel vm12, v60, v1  }
0x202: {  	[tilespmem:s22+$0x0] =	vst v1;
	v1 =	vld [tilespmem:s22+$0x10]  }
0x203: {  	v2 =	vld [tilespmem:s23+$0x10];
	_ =	sdelay $0x2  }
0x204: {  	s29 =	sadd.s32 $0x50, s24  }
0x205: {  	v3 =	vmov s29  }
0x206: {  	v61 =	vor.u32 s29, v0;
	vm13 =	vgt.u32 v3, $0x4E1FF;
	v1 =	vadd.s32 v1, v2  }
0x207: {  	v1 =	vsel vm13, v61, v1  }
0x208: {  	[tilespmem:s22+$0x10] =	vst v1;
	v1 =	vld [tilespmem:s22+$0x20]  }
0x209: {  	v2 =	vld [tilespmem:s23+$0x20];
	_ =	sdelay $0x2  }
0x20a: {  	s30 =	sadd.s32 $0x60, s24  }
0x20b: {  	v3 =	vmov s30  }
0x20c: {  	v62 =	vor.u32 s30, v0;
	vm14 =	vgt.u32 v3, $0x4E1FF;
	v1 =	vadd.s32 v1, v2  }
0x20d: {  	v1 =	vsel vm14, v62, v1  }
0x20e: {  	[tilespmem:s22+$0x20] =	vst v1;
	v1 =	vld [tilespmem:s22+$0x30]  }
0x20f: {  	v2 =	vld [tilespmem:s23+$0x30];
	_ =	sdelay $0x2  }
0x210: {  	s31 =	sadd.s32 $0x70, s24  }
.Ltmp6:
0x211: {  	v3 =	vmov s31;
	(pc) =	sbr.rel .LBB2_10-.Ltmp6, $4  }
0x212: {  	v63 =	vor.u32 s31, v0;
	vm15 =	vgt.u32 v3, $0x4E1FF;
	v1 =	vadd.s32 v1, v2  }
0x213: {  	v1 =	vsel vm15, v63, v1  }
0x214: {  	s22 =	simm.s32 $0xA000;
	s23 =	simm.s32 $0x2880;
	[tilespmem:s21+$0x30] =	vst v1;
	s21 =	simm.s32 $0x0  }
0x215: {  	[tilespmem:s16], [sflag:$0x2] =	stream.indirect.gather [hbm4b:s2+s14], $0x80, s13, s14, $0xb8;
	[tilespmem:$0x14800] =	vst v63  }
.LBB2_14:
0x216: {  	s25 =	simm.s32 $0x4  }
.LBB2_15:
0x217: {  	s21 =	sadd.s32 $0x1, s21  }
0x218: {  	p0 =	sne.s32 s21, $0x50  }
.Ltmp7:
0x219: {  	_ = 	snop;
	(pc) =	sbr.rel @!p0 .LBB2_16-.Ltmp7, $4  }
0x21a: {  	_ = 	snop  }
0x21b: {  	s24 =	sadd.s32 $0xC800, s24  }
0x21c: {  	[hbm4b:s7+s14] =	stream.indirect.scatter [tilespmem:s24], [sflag:s25], $0x80, s22, s14, $0xb8;
	[tilespmem:$0x14800] =	vst v63  }
0x21d: {  	s23 =	sadd.s32 $0x80, s23;
	s22 =	sadd.s32 $0x80, s22  }
.LBB2_10:
0x21e: {  	p0 =	seq.s32 s21, $0x0  }
.Ltmp8:
0x21f: {  	_ = 	snop;
	(pc) =	sbr.rel @p0 .LBB2_13-.Ltmp8, $4  }
0x220: {  	_ = 	snop  }
0x221: {  	_ =	swait.ge [sflag:s17], $0x4000  }
0x222: {  	s25 =	sand.u32 $0x1, s21;
	[sflag:s17] =	ssyncset.done $0x0  }
0x223: {  	s24 =	sshll.u32 s25, $0xE;
	[sflag:s17] =	ssyncadd.s32 $0xFFFFC000  }
0x224: {  	p0 =	seq.s32 s21, $0x4F  }
.Ltmp9:
0x225: {  	_ = 	snop;
	(pc) =	sbr.rel @p0 .LBB2_14-.Ltmp9, $1  }
0x226: {  	_ =	sdelay $0x3  }
0x227: {  	p0 =	seq.s32 s25, $0x0;
	s26 =	simm.s32 $0x4  }
0x228: {  	s26 =	simm.s32 @!p0 $0x3  }
0x229: {  	_ =	swait.ge [sflag:s26], $0x4000  }
0x22a: {  	[sflag:s26] =	ssyncset.done $0x0  }
0x22b: {  	[sflag:s26] =	ssyncadd.s32 $0xFFFFC000  }
.LBB2_13:
0x22c: {  	p0 =	seq.s32 s25, $0x0  }
.Ltmp10:
0x22d: {  	_ = 	snop;
	(pc) =	sbr.rel @p0 .LBB2_15-.Ltmp10, $4  }
.Ltmp11:
0x22e: {  	_ = 	snop;
	(pc) =	sbr.rel @!p0 .LBB2_14-.Ltmp11, $4  }
0x22f: {  	_ = 	snop  }
0x230: {  	s26 =	ssub.s32 $0x10800, s24;
	s25 =	simm.s32 $0x3  }
0x231: {  	[tilespmem:s26], [sflag:$0x2] =	stream.indirect.gather [hbm4b:s2+s14], $0x80, s23, s14, $0xb8;
	[tilespmem:$0x14800] =	vst v63  }
0x232: {  	_ = 	snop  }
.LBB2_17:
0x233: {  	_ =	sfence.sel $0x180000  }
0x234: {  	[bflag:$0x0] =	sbarrier.arrive $0xFFFF  }
0x235: {  	p0 =	sne.s32 s0, $0x0;
	_ =	strace $0x9000004D  }
0x236: {  	s0 =	sadd.s32 @!p0 $0x100000, s1;
	[bflag:$0x2] =	sbarrier.arrive $0xFFFF  }
0x237: {  	[sflag:s0] =	ssyncadd.tile.s32 @!p0 $0x1;
	_ =	shalt  }
.Lfunc_end2:
_tile_overlayer_lowered:
.L_overlay_start_2:
0x238: {  	(tag) =	ssettag $0x2  }
0x239: {  	s0 =	rddreg [dreg:$0x0];
	s2 =	stileid.u32  }
0x23a: {  	s1 =	rddreg [dreg:$0x1];
	p0 =	sne.s32 s2, $0x0  }
0x23b: {  	s3 =	rddreg [dreg:$0x2];
	[bflag:$0x3] =	sbarrier.arrive $0xFFFF;
	s2 =	simm.s32 @!p0 $0x1C05  }
0x23c: {  	[timem:s3], [sflag:s2] =	dma.local @!p0 [hbm:s0], s1  }
0x23d: {  	s0 =	simm.s32 @!p0 $0x5  }
0x23e: {  	_ =	swait.ge @!p0 [sflag:s0], s1  }
0x23f: {  	s1 =	ssub.s32 @!p0 $0x0, s1;
	[sflag:s0] =	ssyncset.done @!p0 $0x0  }
0x240: {  	[sflag:s0] =	ssyncadd.s32 @!p0 s1  }
0x241: {  	[bflag:$0x3] =	sbarrier.arrive $0xFFFF  }
0x242: {  	_ =	shalt  }

// kernel: kernel.9.cloned.1.call-start
scs
__scs_entry_jumppad:
0x0: {  	(pc) =	sbr.rel $0x88, $3  }
0x1: {  	(tag) =	ssettag $0x0;
	lr =	simm.s32 $0x1  }
0x2: {  	[smem:$0x3F97] =	sst lr;
	_ =	strace $0xD0000000  }
0x3: {  	_ = 	snop  }
0x4: {  	_ = 	snop  }
0x5: {  	_ = 	snop  }
0x6: {  	_ = 	snop  }
0x7: {  	_ = 	snop  }
__scs_overlays_trampoline_lowered:
0x8: {  	[smem:$0x3FA6] =	sst s0  }
0x9: {  	[smem:$0x3FA7] =	sst s1  }
0xa: {  	[smem:$0x3FA8] =	sst s2  }
0xb: {  	[smem:$0x3FA9] =	sst s3  }
0xc: {  	[smem:$0x3FAA] =	sst s4  }
0xd: {  	[smem:$0x3FAB] =	sst s5  }
0xe: {  	[smem:$0x3FAC] =	sst s6  }
0xf: {  	[smem:$0x3FAD] =	sst s7  }
0x10: {  	[smem:$0x3FAE] =	sst s8  }
0x11: {  	[smem:$0x3FAF] =	sst s9;
	s0 =	simm.s32 @!p0 $0x0  }
0x12: {  	s1 =	sld [smem:$0x3F95];
	s0 =	simm.s32 @p0 $0x1  }
0x13: {  	[smem:$0x3FB0] =	sst s0;
	s0 =	simm.s32 @!p1 $0x0  }
0x14: {  	s2 =	sld [smem:$0x3F94];
	s0 =	simm.s32 @p1 $0x1  }
0x15: {  	[smem:$0x3FB1] =	sst s0;
	s0 =	simm.s32 @!p2 $0x0  }
0x16: {  	s3 =	sld [smem:$0x3FDB];
	s0 =	simm.s32 @p2 $0x1  }
0x17: {  	s4 =	simm.s32 $0x1BF5;
	[smem:$0x3FB3] =	sst s0  }
0x18: {  	s0 =	sld [smem:$0x3F96];
	_ =	swait.ge [sflag:s4], $0x0  }
0x19: {  	s7 =	sld [smem:$0x3F97]  }
0x1a: {  	s8 =	sadd.s32 $0xFFFFE003, lr  }
0x1b: {  	s9 =	sadd.s32 $0xFFFFFEF7, lr;
	s5 =	simm.s32 $0xFFFFFFFF;
	p2 =	slt.u32 s8, $0xFFFFF086  }
0x1c: {  	p1 =	slt.u32 s9, $0xF7A;
	s5 =	simm.s32 @!p2 $0x0  }
0x1d: {  	s5 =	simm.s32 @p1 $0x1;
	p0 =	seq.s32 s7, s2  }
0x1e: {  	s7 =	smul.u32 @!p0 $0xF7A, s2;
	p2 =	seq.s32 @!p0 s5, $0x0  }
0x1f: {  	s9 =	smul.u32 $0xF7A, s1;
	s8 =	simm.s32 @!p0 $0x1BF5;
	p2 =	por !p2, p0  }
0x20: {  	[sflag:s8] =	ssyncset.s32 @!p0 $0xFFFFF086;
	s6 =	sadd.s32 @!p0 s3, s7;
	s7 =	simm.s32 @!p0 $0x108  }
0x21: {  	s3 =	sadd.s32 s3, s9;
	s6 =	sadd.s32 @!p0 $0x88, s6;
	s7 =	simm.s32 @p2 $0x1082  }
0x22: {  	[simem:s7], [sflag:s8] =	dma.local @!p0 [hbm:s6], $0xF7A  }
0x23: {  	s9 =	sor.u32 $0xD0000000, s2;
	s6 =	simm.s32 $0x108;
	_ =	swait.ge @!p0 [sflag:s8], $0x0  }
0x24: {  	s3 =	sadd.s32 $0x88, s3;
	s6 =	simm.s32 @!p1 $0x1082;
	[sflag:s4] =	ssyncset.s32 $0xFFFFF086  }
0x25: {  	[simem:s6], [sflag:s4] =	dma.local [hbm:s3], $0xF7A  }
0x26: {  	[smem:$0x3F97] =	sst s1;
	(tag) =	ssettag s2;
	_ =	strace s9  }
0x27: {  	s1 =	sld [smem:$0x3FA7]  }
0x28: {  	s2 =	sld [smem:$0x3FA8]  }
0x29: {  	s4 =	sld [smem:$0x3FAA]  }
0x2a: {  	p0 =	seq.s32 s5, $0x0;
	s5 =	sld [smem:$0x3FAB]  }
0x2b: {  	s6 =	sld [smem:$0x3FAC]  }
0x2c: {  	s7 =	sld [smem:$0x3FAD]  }
0x2d: {  	s3 =	simm.s32 $0x108;
	s8 =	sld [smem:$0x3FAE]  }
0x2e: {  	s3 =	simm.s32 @!p0 $0x1082;
	s9 =	sld [smem:$0x3FAF]  }
0x2f: {  	lr =	sadd.s32 s0, s3;
	s0 =	sld [smem:$0x3FA6]  }
0x30: {  	s3 =	sld [smem:$0x3FA9]  }
0x31: {  	[smem:$0x3FB2] =	sst s10  }
0x32: {  	s10 =	sld [smem:$0x3FB0];
	_ =	sdelay $0x3  }
0x33: {  	p0 =	seq.s32 s10, $0x1;
	s10 =	sld [smem:$0x3FB2];
	_ =	sdelay $0x3  }
0x34: {  	[smem:$0x3FB2] =	sst s10  }
0x35: {  	s10 =	sld [smem:$0x3FB1];
	_ =	sdelay $0x3  }
0x36: {  	p1 =	seq.s32 s10, $0x1;
	s10 =	sld [smem:$0x3FB2];
	_ =	sdelay $0x3  }
0x37: {  	[smem:$0x3FB2] =	sst s10  }
0x38: {  	s10 =	sld [smem:$0x3FB3]  }
0x39: {  	_ = 	snop;
	(pc) =	sbr.ind lr, $3  }
0x3a: {  	_ = 	snop  }
0x3b: {  	_ = 	snop  }
0x3c: {  	p2 =	seq.s32 s10, $0x1;
	s10 =	sld [smem:$0x3FB2]  }
0x3d: {  	_ =	shalt  }
0x3e: {  	_ =	shalt  }
0x3f: {  	_ =	shalt  }
0x40: {  	_ =	shalt  }
0x41: {  	_ =	shalt  }
0x42: {  	_ =	shalt  }
0x43: {  	_ =	shalt  }
0x44: {  	_ =	shalt  }
0x45: {  	_ =	shalt  }
0x46: {  	_ =	shalt  }
0x47: {  	_ =	shalt  }
0x48: {  	_ =	shalt  }
0x49: {  	_ =	shalt  }
0x4a: {  	_ =	shalt  }
0x4b: {  	_ =	shalt  }
0x4c: {  	_ =	shalt  }
0x4d: {  	_ =	shalt  }
0x4e: {  	_ =	shalt  }
0x4f: {  	_ =	shalt  }
0x50: {  	_ =	shalt  }
0x51: {  	_ =	shalt  }
0x52: {  	_ =	shalt  }
0x53: {  	_ =	shalt  }
0x54: {  	_ =	shalt  }
0x55: {  	_ =	shalt  }
0x56: {  	_ =	shalt  }
0x57: {  	_ =	shalt  }
0x58: {  	_ =	shalt  }
0x59: {  	_ =	shalt  }
0x5a: {  	_ =	shalt  }
0x5b: {  	_ =	shalt  }
0x5c: {  	_ =	shalt  }
0x5d: {  	_ =	shalt  }
0x5e: {  	_ =	shalt  }
0x5f: {  	_ =	shalt  }
0x60: {  	_ =	shalt  }
0x61: {  	_ =	shalt  }
0x62: {  	_ =	shalt  }
0x63: {  	_ =	shalt  }
0x64: {  	_ =	shalt  }
0x65: {  	_ =	shalt  }
0x66: {  	_ =	shalt  }
0x67: {  	_ =	shalt  }
0x68: {  	_ =	shalt  }
0x69: {  	_ =	shalt  }
0x6a: {  	_ =	shalt  }
0x6b: {  	_ =	shalt  }
0x6c: {  	_ =	shalt  }
0x6d: {  	_ =	shalt  }
0x6e: {  	_ =	shalt  }
0x6f: {  	_ =	shalt  }
0x70: {  	_ =	shalt  }
0x71: {  	_ =	shalt  }
0x72: {  	_ =	shalt  }
0x73: {  	_ =	shalt  }
0x74: {  	_ =	shalt  }
0x75: {  	_ =	shalt  }
0x76: {  	_ =	shalt  }
0x77: {  	_ =	shalt  }
0x78: {  	_ =	shalt  }
0x79: {  	_ =	shalt  }
0x7a: {  	_ =	shalt  }
0x7b: {  	_ =	shalt  }
0x7c: {  	_ =	shalt  }
0x7d: {  	_ =	shalt  }
0x7e: {  	_ =	shalt  }
0x7f: {  	_ =	shalt  }
0x80: {  	_ =	shalt  }
0x81: {  	_ =	shalt  }
0x82: {  	_ =	shalt  }
0x83: {  	_ =	shalt  }
0x84: {  	_ =	shalt  }
0x85: {  	_ =	shalt  }
0x86: {  	_ =	shalt  }
0x87: {  	_ =	shalt  }
.Lfunc_end0:
.L_simem_size_0:
called_computation.3_lowered:
.L_overlay_start_0:
0x88: {  	s2 =	sld [smem:$0x3FD9]  }
0x89: {  	s3 =	sld [smem:$0x3FFE];
	_ =	sdelay $0x1  }
0x8a: {  	s1 =	srdreg.scid  }
0x8b: {  	s0 =	sand.u32 $0x1, s1  }
0x8c: {  	s17 =	sshll.u32 s0, $0xA;
	s2 =	sadd.s32 s3, s2  }
0x8d: {  	s2 =	sadd.s32 s2, s17  }
0x8e: {  	[smem:$0x3FBE] =	sst s2  }
0x8f: {  	_ = 	snop  }
0x90: {  	s2 =	sld [smem:$0x3FD0];
	(tm) =	ssettm $0x1  }
0x91: {  	s18 =	sld [smem:$0x3FFB];
	_ =	sdelay $0x3  }
0x92: {  	_ =	strace s18  }
0x93: {  	s3 =	sld [smem:$0x3FFC];
	_ =	sdelay $0x3  }
0x94: {  	_ =	strace s3  }
0x95: {  	s3 =	sld [smem:$0x3FFD];
	_ =	sdelay $0x3  }
0x96: {  	_ =	strace s3  }
0x97: {  	_ =	strace $0x8FFFFFFF  }
0x98: {  	s19 =	sld [smem:$0x3FDB];
	_ =	sdelay $0x1  }
0x99: {  	s4 =	simm.s32 $_scs_section_size  }
0x9a: {  	s5 =	simm.s32 $_size__tile_overlayer_lowered;
	s6 =	simm.s32 $_tile_overlayer_lowered  }
0x9b: {  	s22 =	simm.s32 $0x1BFF;
	s21 =	sshll.u32 s6, $0x1;
	s3 =	sadd.s32 s4, s19  }
0x9c: {  	s7 =	simm.s32 $0x0;
	s20 =	sshll.u32 s5, $0x1;
	s5 =	sadd.s32 s21, s3  }
0x9d: {  	[timem:s7], [sflag:s22] =	dma.local [hbm:s5], s20  }
0x9e: {  	_ =	swait.ge [sflag:s22], s20  }
0x9f: {  	s4 =	ssub.s32 $0x0, s20;
	[sflag:s22] =	ssyncset.done $0x0  }
0xa0: {  	[sflag:s22] =	ssyncadd.s32 s4;
	_ =	sdelay $0x1  }
0xa1: {  	s23 =	simm.s32 $0x1B8B  }
0xa2: {  	_ =	swait.ge [sflag:s23], $0x1  }
0xa3: {  	[sflag:s23] =	ssyncset.done $0x0  }
0xa4: {  	s25 =	simm.s32 $0x1B8E;
	s24 =	sld [smem:$0x3FFE];
	[sflag:s23] =	ssyncadd.s32 $0xFFFFFFFF  }
0xa5: {  	s26 =	simm.s32 $execute0_lowered;
	[smem:$0x3FD2] =	sst s25  }
0xa6: {  	s5 =	sshll.u32 s26, $0x1;
	_ =	strace $0x8000004F;
	[dreg:$0x1] =	wrdreg $0xFFFFFFFF  }
0xa7: {  	s28 =	simm.s32 $_size_execute0_lowered;
	s3 =	sadd.s32 s3, s5;
	[dreg:$0x0] =	wrdreg $0x0  }
0xa8: {  	s5 =	sshll.u32 s28, $0x1;
	[dreg:$0x2] =	wrdreg s3  }
0xa9: {  	[dreg:$0x3] =	wrdreg s5  }
0xaa: {  	[dreg:$0x4] =	wrdreg $0xC0  }
0xab: {  	_ =	task [dreg:s7], $0x5FFFF  }
0xac: {  	[dreg:$0x1] =	wrdreg $0xFFFFFFFF  }
0xad: {  	[dreg:$0x0] =	wrdreg $0x60  }
0xae: {  	[dreg:$0x2] =	wrdreg s2  }
0xaf: {  	[dreg:$0x3] =	wrdreg s24  }
0xb0: {  	[dreg:$0x4] =	wrdreg $0x9  }
0xb1: {  	_ =	task.clear_ibuf [dreg:s7], $0x5FFFF;
	_ =	strace $0x9000004F  }
0xb2: {  	s29 =	simm.s32 $0x9;
	_ =	strace $0x80000051  }
0xb3: {  	_ =	swait.ge [sflag:s29], $0x1  }
0xb4: {  	[sflag:s29] =	ssyncadd.s32 $0xFFFFFFFF  }
0xb5: {  	_ =	strace $0x90000051  }
0xb6: {  	_ =	sfence  }
0xb7: {  	s30 =	sld [smem:$0x0];
	_ =	sdelay $0x2  }
0xb8: {  	s31 =	sshll.u32 s1, $0xD;
	s1 =	sshrl.u32 s1, $0x2  }
0xb9: {  	s3 =	sand.u32 $0x4000, s31;
	s1 =	sadd.s32 s1, s30  }
0xba: {  	s0 =	sor.u32 s3, s0;
	s1 =	sshll.u32 s1, $0x11  }
0xbb: {  	s0 =	sor.u32 s1, s0  }
0xbc: {  	s0 =	sadd.s32 $0x8F2B, s0  }
0xbd: {  	[sflag:s0] =	ssyncadd.remote.s32 $0x1  }
0xbe: {  	_ =	sfence.sel $0xFFFF  }
0xbf: {  	[dreg:$0x0] =	wrdreg $0xFFFFFFFF;
	(pc) =	sbr.abs _section_cstart, $3  }
0xc0: {  	[dreg:$0x1] =	wrdreg $0xFFFFFFFF  }
0xc1: {  	_ =	task.clear_ibuf [dreg:s7], $0x2FFFF;
	_ =	strace $0x9FFFFFFF  }
0xc2: {  	(tm) =	ssettm $0x7FFFFFFF  }
0xc3: {  	_ =	shalt  }
tec
execute0_lowered:
.L_overlay_start_1:
0x0: {  	(tag) =	ssettag $0x1  }
0x1: {  	s1 =	srdreg.scid;
	s0 =	stileid.u32  }
0x2: {  	s12 =	sand.u32 $0x1, s1;
	s28 =	sshll.u32 s0, $0x1  }
0x3: {  	s2 =	rddreg [dreg:$0x0];
	s8 =	sor.u32 s12, s28  }
0x4: {  	s9 =	rddreg [dreg:$0x1];
	s11 =	smul.u32 $0x180, s8  }
0x5: {  	s3 =	simm.s32 $0x0;
	s1 =	rddreg [dreg:$0x2]  }
0x6: {  	[smem:$0x7FF] =	sst s3;
	s13 =	sadd.s32 $0x1800, s9;
	s4 =	sshrl.u32 s11, $0x3  }
0x7: {  	_ =	strace $0x80000050;
	s5 =	sadd.s32 s13, s4;
	s4 =	simm.s32 $0x2  }
0x8: {  	[tilespmem:s3], [sflag:$0x2] =	stream.linear.gather [hbm4b:s5+s3], $0x80, $0x38;
	[tilespmem:$0x4080] =	vst v63  }
0x9: {  	_ =	swait.ge [sflag:s4], $0x80  }
0xa: {  	[sflag:s4] =	ssyncset.done $0x0  }
0xb: {  	s6 =	simm.s32 $0x80;
	s7 =	simm.s32 $0x1;
	[sflag:s4] =	ssyncadd.s32 $0xFFFFFF80  }
0xc: {  	[tilespmem:s6], [sflag:$0x1] =	stream.indirect.gather [hbm4b:s2+s6], $0x80, s3, s6, $0xb8;
	[tilespmem:$0x4080] =	vst v63  }
0xd: {  	s8 =	smul.u32 $0x1800, s8;
	_ =	swait.ge [sflag:s7], $0x4000  }
0xe: {  	s14 =	sadd.s32 $0x1E00, s9;
	[sflag:s7] =	ssyncset.done $0x0  }
0xf: {  	s8 =	sadd.s32 s14, s8;
	[sflag:s7] =	ssyncadd.s32 $0xFFFFC000  }
0x10: {  	[hbm4b:s8+s3] =	stream.linear.scatter [tilespmem:s6], [sflag:$0x2], $0x4000, $0x38;
	[tilespmem:$0x4080] =	vst v63  }
0x11: {  	s10 =	sadd.s32 $0x80, s11;
	_ =	swait.ge [sflag:s4], $0x4000  }
0x12: {  	s29 =	sshrl.u32 s10, $0x3;
	[sflag:s4] =	ssyncset.done $0x0  }
0x13: {  	s9 =	sadd.s32 s13, s29;
	[sflag:s4] =	ssyncadd.s32 $0xFFFFC000  }
0x14: {  	[tilespmem:s3], [sflag:$0x2] =	stream.linear.gather [hbm4b:s9+s3], $0x80, $0x38;
	[tilespmem:$0x4080] =	vst v63  }
0x15: {  	_ =	swait.ge [sflag:s4], $0x80  }
0x16: {  	[sflag:s4] =	ssyncset.done $0x0  }
0x17: {  	[sflag:s4] =	ssyncadd.s32 $0xFFFFFF80  }
0x18: {  	[tilespmem:s6], [sflag:$0x1] =	stream.indirect.gather [hbm4b:s2+s6], $0x80, s3, s6, $0xb8;
	[tilespmem:$0x4080] =	vst v63  }
0x19: {  	_ =	swait.ge [sflag:s7], $0x4000  }
0x1a: {  	s10 =	sshll.u32 s10, $0x4;
	[sflag:s7] =	ssyncset.done $0x0  }
0x1b: {  	s10 =	sadd.s32 s14, s10;
	[sflag:s7] =	ssyncadd.s32 $0xFFFFC000  }
0x1c: {  	[hbm4b:s10+s3] =	stream.linear.scatter [tilespmem:s6], [sflag:$0x2], $0x4000, $0x38;
	[tilespmem:$0x4080] =	vst v63  }
0x1d: {  	s15 =	sadd.s32 $0x100, s11;
	_ =	swait.ge [sflag:s4], $0x4000  }
0x1e: {  	s11 =	sshrl.u32 s15, $0x3;
	[sflag:s4] =	ssyncset.done $0x0  }
0x1f: {  	s12 =	ssub.s32 $0x2, s12;
	s11 =	sadd.s32 s13, s11;
	[sflag:s4] =	ssyncadd.s32 $0xFFFFC000  }
0x20: {  	[tilespmem:s3], [sflag:$0x2] =	stream.linear.gather [hbm4b:s11+s3], $0x80, $0x38;
	[tilespmem:$0x4080] =	vst v63  }
0x21: {  	s30 =	sshrl.u32 s12, $0x1;
	_ =	swait.ge [sflag:s4], $0x80  }
0x22: {  	s13 =	ssub.s32 s12, s30;
	[sflag:s4] =	ssyncset.done $0x0  }
0x23: {  	s13 =	smax.u32 s13, $0x1;
	[sflag:s4] =	ssyncadd.s32 $0xFFFFFF80  }
0x24: {  	[tilespmem:s6], [sflag:$0x1] =	stream.indirect.gather [hbm4b:s2+s6], $0x80, s3, s6, $0xb8;
	[tilespmem:$0x4080] =	vst v63  }
0x25: {  	p0 =	sne.s32 s13, $0x1;
	_ =	swait.ge [sflag:s7], $0x4000  }
.Ltmp0:
0x26: {  	s31 =	sshll.u32 s15, $0x4;
	[sflag:s7] =	ssyncset.done $0x0;
	(pc) =	sbr.rel @!p0 .LBB2_2-.Ltmp0, $4  }
0x27: {  	s12 =	sadd.s32 s14, s31;
	[sflag:s7] =	ssyncadd.s32 $0xFFFFC000  }
0x28: {  	[hbm4b:s12+s3] =	stream.linear.scatter [tilespmem:s6], [sflag:$0x2], $0x4000, $0x38;
	[tilespmem:$0x4080] =	vst v63  }
0x29: {  	_ =	swait.ge [sflag:s4], $0x4000  }
0x2a: {  	s13 =	sadd.s32 $0xFFFFFFFF, s13;
	[sflag:s4] =	ssyncset.done $0x0  }
.LBB2_1:
0x2b: {  	p0 =	sne.s32 s13, $0x1;
	s13 =	sadd.s32 $0xFFFFFFFF, s13;
	[sflag:s4] =	ssyncadd.s32 $0xFFFFC000  }
0x2c: {  	[tilespmem:s3], [sflag:$0x2] =	stream.linear.gather [hbm4b:s5+s3], $0x80, $0x38;
	[tilespmem:$0x4080] =	vst v63  }
0x2d: {  	_ =	swait.ge [sflag:s4], $0x80  }
0x2e: {  	[sflag:s4] =	ssyncset.done $0x0  }
0x2f: {  	[sflag:s4] =	ssyncadd.s32 $0xFFFFFF80  }
0x30: {  	[tilespmem:s6], [sflag:$0x1] =	stream.indirect.gather [hbm4b:s2+s6], $0x80, s3, s6, $0xb8;
	[tilespmem:$0x4080] =	vst v63  }
0x31: {  	_ =	swait.ge [sflag:s7], $0x4000  }
0x32: {  	[sflag:s7] =	ssyncset.done $0x0  }
0x33: {  	[sflag:s7] =	ssyncadd.s32 $0xFFFFC000  }
0x34: {  	[hbm4b:s8+s3] =	stream.linear.scatter [tilespmem:s6], [sflag:$0x2], $0x4000, $0x38;
	[tilespmem:$0x4080] =	vst v63  }
0x35: {  	_ =	swait.ge [sflag:s4], $0x4000  }
0x36: {  	[sflag:s4] =	ssyncset.done $0x0  }
0x37: {  	[sflag:s4] =	ssyncadd.s32 $0xFFFFC000  }
0x38: {  	[tilespmem:s3], [sflag:$0x2] =	stream.linear.gather [hbm4b:s9+s3], $0x80, $0x38;
	[tilespmem:$0x4080] =	vst v63  }
0x39: {  	_ =	swait.ge [sflag:s4], $0x80  }
0x3a: {  	[sflag:s4] =	ssyncset.done $0x0  }
0x3b: {  	[sflag:s4] =	ssyncadd.s32 $0xFFFFFF80  }
0x3c: {  	[tilespmem:s6], [sflag:$0x1] =	stream.indirect.gather [hbm4b:s2+s6], $0x80, s3, s6, $0xb8;
	[tilespmem:$0x4080] =	vst v63  }
0x3d: {  	_ =	swait.ge [sflag:s7], $0x4000  }
0x3e: {  	[sflag:s7] =	ssyncset.done $0x0  }
0x3f: {  	[sflag:s7] =	ssyncadd.s32 $0xFFFFC000  }
0x40: {  	[hbm4b:s10+s3] =	stream.linear.scatter [tilespmem:s6], [sflag:$0x2], $0x4000, $0x38;
	[tilespmem:$0x4080] =	vst v63  }
0x41: {  	_ =	swait.ge [sflag:s4], $0x4000  }
0x42: {  	[sflag:s4] =	ssyncset.done $0x0  }
0x43: {  	[sflag:s4] =	ssyncadd.s32 $0xFFFFC000  }
0x44: {  	[tilespmem:s3], [sflag:$0x2] =	stream.linear.gather [hbm4b:s11+s3], $0x80, $0x38;
	[tilespmem:$0x4080] =	vst v63  }
0x45: {  	_ =	swait.ge [sflag:s4], $0x80  }
0x46: {  	[sflag:s4] =	ssyncset.done $0x0  }
0x47: {  	[sflag:s4] =	ssyncadd.s32 $0xFFFFFF80  }
0x48: {  	[tilespmem:s6], [sflag:$0x1] =	stream.indirect.gather [hbm4b:s2+s6], $0x80, s3, s6, $0xb8;
	[tilespmem:$0x4080] =	vst v63  }
0x49: {  	_ =	swait.ge [sflag:s7], $0x4000  }
.Ltmp1:
0x4a: {  	[sflag:s7] =	ssyncset.done $0x0;
	(pc) =	sbr.rel @p0 .LBB2_1-.Ltmp1, $4  }
0x4b: {  	[sflag:s7] =	ssyncadd.s32 $0xFFFFC000  }
0x4c: {  	[hbm4b:s12+s3] =	stream.linear.scatter [tilespmem:s6], [sflag:$0x2], $0x4000, $0x38;
	[tilespmem:$0x4080] =	vst v63  }
0x4d: {  	_ =	swait.ge [sflag:s4], $0x4000  }
0x4e: {  	[sflag:s4] =	ssyncset.done $0x0  }
.LBB2_2:
0x4f: {  	[sflag:s4] =	ssyncadd.s32 $0xFFFFC000  }
0x50: {  	_ =	sfence.sel $0x180000  }
0x51: {  	[bflag:$0x0] =	sbarrier.arrive $0xFFFF  }
0x52: {  	p0 =	sne.s32 s0, $0x0;
	_ =	strace $0x90000050  }
0x53: {  	s0 =	sadd.s32 @!p0 $0x100000, s1;
	[bflag:$0x2] =	sbarrier.arrive $0xFFFF  }
0x54: {  	[sflag:s0] =	ssyncadd.tile.s32 @!p0 $0x1;
	_ =	shalt  }
.Lfunc_end2:
_tile_overlayer_lowered:
.L_overlay_start_2:
0x55: {  	(tag) =	ssettag $0x2  }
0x56: {  	s0 =	rddreg [dreg:$0x0];
	s2 =	stileid.u32  }
0x57: {  	s1 =	rddreg [dreg:$0x1];
	p0 =	sne.s32 s2, $0x0  }
0x58: {  	s3 =	rddreg [dreg:$0x2];
	[bflag:$0x3] =	sbarrier.arrive $0xFFFF;
	s2 =	simm.s32 @!p0 $0x1C02  }
0x59: {  	[timem:s3], [sflag:s2] =	dma.local @!p0 [hbm:s0], s1  }
0x5a: {  	s0 =	simm.s32 @!p0 $0x2  }
0x5b: {  	_ =	swait.ge @!p0 [sflag:s0], s1  }
0x5c: {  	s1 =	ssub.s32 @!p0 $0x0, s1;
	[sflag:s0] =	ssyncset.done @!p0 $0x0  }
0x5d: {  	[sflag:s0] =	ssyncadd.s32 @!p0 s1  }
0x5e: {  	[bflag:$0x3] =	sbarrier.arrive $0xFFFF  }
0x5f: {  	_ =	shalt  }

// kernel: scatter_offload_async_start.1
scs
__scs_entry_jumppad:
0x0: {  	(pc) =	sbr.rel $0x88, $3  }
0x1: {  	(tag) =	ssettag $0x0;
	lr =	simm.s32 $0x1  }
0x2: {  	[smem:$0x3F97] =	sst lr;
	_ =	strace $0xD0000000  }
0x3: {  	_ = 	snop  }
0x4: {  	_ = 	snop  }
0x5: {  	_ = 	snop  }
0x6: {  	_ = 	snop  }
0x7: {  	_ = 	snop  }
__scs_overlays_trampoline_lowered:
0x8: {  	[smem:$0x3FA6] =	sst s0  }
0x9: {  	[smem:$0x3FA7] =	sst s1  }
0xa: {  	[smem:$0x3FA8] =	sst s2  }
0xb: {  	[smem:$0x3FA9] =	sst s3  }
0xc: {  	[smem:$0x3FAA] =	sst s4  }
0xd: {  	[smem:$0x3FAB] =	sst s5  }
0xe: {  	[smem:$0x3FAC] =	sst s6  }
0xf: {  	[smem:$0x3FAD] =	sst s7  }
0x10: {  	[smem:$0x3FAE] =	sst s8  }
0x11: {  	[smem:$0x3FAF] =	sst s9;
	s0 =	simm.s32 @!p0 $0x0  }
0x12: {  	s1 =	sld [smem:$0x3F95];
	s0 =	simm.s32 @p0 $0x1  }
0x13: {  	[smem:$0x3FB0] =	sst s0;
	s0 =	simm.s32 @!p1 $0x0  }
0x14: {  	s2 =	sld [smem:$0x3F94];
	s0 =	simm.s32 @p1 $0x1  }
0x15: {  	[smem:$0x3FB1] =	sst s0;
	s0 =	simm.s32 @!p2 $0x0  }
0x16: {  	s3 =	sld [smem:$0x3FDB];
	s0 =	simm.s32 @p2 $0x1  }
0x17: {  	s4 =	simm.s32 $0x1BF5;
	[smem:$0x3FB3] =	sst s0  }
0x18: {  	s0 =	sld [smem:$0x3F96];
	_ =	swait.ge [sflag:s4], $0x0  }
0x19: {  	s7 =	sld [smem:$0x3F97]  }
0x1a: {  	s8 =	sadd.s32 $0xFFFFE003, lr  }
0x1b: {  	s9 =	sadd.s32 $0xFFFFFEF7, lr;
	s5 =	simm.s32 $0xFFFFFFFF;
	p2 =	slt.u32 s8, $0xFFFFF086  }
0x1c: {  	p1 =	slt.u32 s9, $0xF7A;
	s5 =	simm.s32 @!p2 $0x0  }
0x1d: {  	s5 =	simm.s32 @p1 $0x1;
	p0 =	seq.s32 s7, s2  }
0x1e: {  	s7 =	smul.u32 @!p0 $0xF7A, s2;
	p2 =	seq.s32 @!p0 s5, $0x0  }
0x1f: {  	s9 =	smul.u32 $0xF7A, s1;
	s8 =	simm.s32 @!p0 $0x1BF5;
	p2 =	por !p2, p0  }
0x20: {  	[sflag:s8] =	ssyncset.s32 @!p0 $0xFFFFF086;
	s6 =	sadd.s32 @!p0 s3, s7;
	s7 =	simm.s32 @!p0 $0x108  }
0x21: {  	s3 =	sadd.s32 s3, s9;
	s6 =	sadd.s32 @!p0 $0x88, s6;
	s7 =	simm.s32 @p2 $0x1082  }
0x22: {  	[simem:s7], [sflag:s8] =	dma.local @!p0 [hbm:s6], $0xF7A  }
0x23: {  	s9 =	sor.u32 $0xD0000000, s2;
	s6 =	simm.s32 $0x108;
	_ =	swait.ge @!p0 [sflag:s8], $0x0  }
0x24: {  	s3 =	sadd.s32 $0x88, s3;
	s6 =	simm.s32 @!p1 $0x1082;
	[sflag:s4] =	ssyncset.s32 $0xFFFFF086  }
0x25: {  	[simem:s6], [sflag:s4] =	dma.local [hbm:s3], $0xF7A  }
0x26: {  	[smem:$0x3F97] =	sst s1;
	(tag) =	ssettag s2;
	_ =	strace s9  }
0x27: {  	s1 =	sld [smem:$0x3FA7]  }
0x28: {  	s2 =	sld [smem:$0x3FA8]  }
0x29: {  	s4 =	sld [smem:$0x3FAA]  }
0x2a: {  	p0 =	seq.s32 s5, $0x0;
	s5 =	sld [smem:$0x3FAB]  }
0x2b: {  	s6 =	sld [smem:$0x3FAC]  }
0x2c: {  	s7 =	sld [smem:$0x3FAD]  }
0x2d: {  	s3 =	simm.s32 $0x108;
	s8 =	sld [smem:$0x3FAE]  }
0x2e: {  	s3 =	simm.s32 @!p0 $0x1082;
	s9 =	sld [smem:$0x3FAF]  }
0x2f: {  	lr =	sadd.s32 s0, s3;
	s0 =	sld [smem:$0x3FA6]  }
0x30: {  	s3 =	sld [smem:$0x3FA9]  }
0x31: {  	[smem:$0x3FB2] =	sst s10  }
0x32: {  	s10 =	sld [smem:$0x3FB0];
	_ =	sdelay $0x3  }
0x33: {  	p0 =	seq.s32 s10, $0x1;
	s10 =	sld [smem:$0x3FB2];
	_ =	sdelay $0x3  }
0x34: {  	[smem:$0x3FB2] =	sst s10  }
0x35: {  	s10 =	sld [smem:$0x3FB1];
	_ =	sdelay $0x3  }
0x36: {  	p1 =	seq.s32 s10, $0x1;
	s10 =	sld [smem:$0x3FB2];
	_ =	sdelay $0x3  }
0x37: {  	[smem:$0x3FB2] =	sst s10  }
0x38: {  	s10 =	sld [smem:$0x3FB3]  }
0x39: {  	_ = 	snop;
	(pc) =	sbr.ind lr, $3  }
0x3a: {  	_ = 	snop  }
0x3b: {  	_ = 	snop  }
0x3c: {  	p2 =	seq.s32 s10, $0x1;
	s10 =	sld [smem:$0x3FB2]  }
0x3d: {  	_ =	shalt  }
0x3e: {  	_ =	shalt  }
0x3f: {  	_ =	shalt  }
0x40: {  	_ =	shalt  }
0x41: {  	_ =	shalt  }
0x42: {  	_ =	shalt  }
0x43: {  	_ =	shalt  }
0x44: {  	_ =	shalt  }
0x45: {  	_ =	shalt  }
0x46: {  	_ =	shalt  }
0x47: {  	_ =	shalt  }
0x48: {  	_ =	shalt  }
0x49: {  	_ =	shalt  }
0x4a: {  	_ =	shalt  }
0x4b: {  	_ =	shalt  }
0x4c: {  	_ =	shalt  }
0x4d: {  	_ =	shalt  }
0x4e: {  	_ =	shalt  }
0x4f: {  	_ =	shalt  }
0x50: {  	_ =	shalt  }
0x51: {  	_ =	shalt  }
0x52: {  	_ =	shalt  }
0x53: {  	_ =	shalt  }
0x54: {  	_ =	shalt  }
0x55: {  	_ =	shalt  }
0x56: {  	_ =	shalt  }
0x57: {  	_ =	shalt  }
0x58: {  	_ =	shalt  }
0x59: {  	_ =	shalt  }
0x5a: {  	_ =	shalt  }
0x5b: {  	_ =	shalt  }
0x5c: {  	_ =	shalt  }
0x5d: {  	_ =	shalt  }
0x5e: {  	_ =	shalt  }
0x5f: {  	_ =	shalt  }
0x60: {  	_ =	shalt  }
0x61: {  	_ =	shalt  }
0x62: {  	_ =	shalt  }
0x63: {  	_ =	shalt  }
0x64: {  	_ =	shalt  }
0x65: {  	_ =	shalt  }
0x66: {  	_ =	shalt  }
0x67: {  	_ =	shalt  }
0x68: {  	_ =	shalt  }
0x69: {  	_ =	shalt  }
0x6a: {  	_ =	shalt  }
0x6b: {  	_ =	shalt  }
0x6c: {  	_ =	shalt  }
0x6d: {  	_ =	shalt  }
0x6e: {  	_ =	shalt  }
0x6f: {  	_ =	shalt  }
0x70: {  	_ =	shalt  }
0x71: {  	_ =	shalt  }
0x72: {  	_ =	shalt  }
0x73: {  	_ =	shalt  }
0x74: {  	_ =	shalt  }
0x75: {  	_ =	shalt  }
0x76: {  	_ =	shalt  }
0x77: {  	_ =	shalt  }
0x78: {  	_ =	shalt  }
0x79: {  	_ =	shalt  }
0x7a: {  	_ =	shalt  }
0x7b: {  	_ =	shalt  }
0x7c: {  	_ =	shalt  }
0x7d: {  	_ =	shalt  }
0x7e: {  	_ =	shalt  }
0x7f: {  	_ =	shalt  }
0x80: {  	_ =	shalt  }
0x81: {  	_ =	shalt  }
0x82: {  	_ =	shalt  }
0x83: {  	_ =	shalt  }
0x84: {  	_ =	shalt  }
0x85: {  	_ =	shalt  }
0x86: {  	_ =	shalt  }
0x87: {  	_ =	shalt  }
.Lfunc_end0:
.L_simem_size_0:
called_computation.1_lowered:
.L_overlay_start_0:
0x88: {  	s0 =	sld [smem:$0x3FD9]  }
0x89: {  	s1 =	sld [smem:$0x3FFE];
	_ =	sdelay $0x3  }
0x8a: {  	s0 =	sadd.s32 s1, s0  }
0x8b: {  	[smem:$0x3FBE] =	sst s0  }
0x8c: {  	_ = 	snop  }
0x8d: {  	(tm) =	ssettm $0x1  }
0x8e: {  	s15 =	sld [smem:$0x3FFB];
	_ =	sdelay $0x3  }
0x8f: {  	_ =	strace s15  }
0x90: {  	s0 =	sld [smem:$0x3FFC];
	_ =	sdelay $0x3  }
0x91: {  	_ =	strace s0  }
0x92: {  	s0 =	sld [smem:$0x3FFD];
	_ =	sdelay $0x3  }
0x93: {  	_ =	strace s0  }
0x94: {  	_ =	strace $0x8FFFFFFF  }
0x95: {  	s16 =	sld [smem:$0x3FDB];
	_ =	sdelay $0x1  }
0x96: {  	s17 =	simm.s32 $_scs_section_size  }
0x97: {  	s2 =	simm.s32 $_size__tile_overlayer_lowered;
	s3 =	simm.s32 $_tile_overlayer_lowered  }
0x98: {  	s20 =	simm.s32 $0x1BFF;
	s19 =	sshll.u32 s3, $0x1;
	s0 =	sadd.s32 s17, s16  }
0x99: {  	s4 =	simm.s32 $0x0;
	s18 =	sshll.u32 s2, $0x1;
	s2 =	sadd.s32 s19, s0  }
0x9a: {  	[timem:s4], [sflag:s20] =	dma.local [hbm:s2], s18  }
0x9b: {  	_ =	swait.ge [sflag:s20], s18  }
0x9c: {  	s1 =	ssub.s32 $0x0, s18;
	[sflag:s20] =	ssyncset.done $0x0  }
0x9d: {  	[sflag:s20] =	ssyncadd.s32 s1;
	_ =	sdelay $0x1  }
0x9e: {  	s21 =	simm.s32 $0x1B8B  }
0x9f: {  	_ =	swait.ge [sflag:s21], $0x1  }
0xa0: {  	[sflag:s21] =	ssyncset.done $0x0  }
0xa1: {  	s23 =	simm.s32 $0x1B8E;
	s22 =	sld [smem:$0x3FFE];
	[sflag:s21] =	ssyncadd.s32 $0xFFFFFFFF  }
0xa2: {  	s24 =	simm.s32 $execute0_lowered;
	[smem:$0x3FD2] =	sst s23  }
0xa3: {  	s2 =	sshll.u32 s24, $0x1;
	_ =	strace $0x80000049;
	[dreg:$0x1] =	wrdreg $0xFFFFFFFF  }
0xa4: {  	s25 =	simm.s32 $_size_execute0_lowered;
	s0 =	sadd.s32 s0, s2;
	[dreg:$0x0] =	wrdreg $0x0  }
0xa5: {  	s2 =	sshll.u32 s25, $0x1;
	[dreg:$0x2] =	wrdreg s0  }
0xa6: {  	[dreg:$0x3] =	wrdreg s2  }
0xa7: {  	[dreg:$0x4] =	wrdreg $0xC0  }
0xa8: {  	_ =	task [dreg:s4], $0x5FFFF  }
0xa9: {  	[dreg:$0x1] =	wrdreg $0xFFFFFFFF  }
0xaa: {  	[dreg:$0x0] =	wrdreg $0x60  }
0xab: {  	[dreg:$0x2] =	wrdreg s22  }
0xac: {  	[dreg:$0x3] =	wrdreg $0x9  }
0xad: {  	_ =	task.clear_ibuf [dreg:s4], $0x4FFFF;
	_ =	strace $0x90000049  }
0xae: {  	s26 =	simm.s32 $0x9;
	_ =	strace $0x8000004B  }
0xaf: {  	_ =	swait.ge [sflag:s26], $0x1  }
0xb0: {  	[sflag:s26] =	ssyncadd.s32 $0xFFFFFFFF  }
0xb1: {  	_ =	strace $0x9000004B  }
0xb2: {  	_ =	sfence  }
0xb3: {  	s28 =	sld [smem:$0x0];
	_ =	sdelay $0x1  }
0xb4: {  	s29 =	srdreg.scid  }
0xb5: {  	s30 =	sshll.u32 s29, $0xD;
	s31 =	sshrl.u32 s29, $0x2  }
0xb6: {  	s1 =	sand.u32 $0x1, s29;
	s2 =	sand.u32 $0x4000, s30;
	s0 =	sadd.s32 s31, s28  }
0xb7: {  	s1 =	sor.u32 s2, s1;
	s0 =	sshll.u32 s0, $0x11  }
0xb8: {  	s0 =	sor.u32 s0, s1  }
0xb9: {  	s0 =	sadd.s32 $0x8F2B, s0  }
0xba: {  	[sflag:s0] =	ssyncadd.remote.s32 $0x1  }
0xbb: {  	_ =	sfence.sel $0xFFFF  }
0xbc: {  	[dreg:$0x0] =	wrdreg $0xFFFFFFFF;
	(pc) =	sbr.abs _section_cstart, $3  }
0xbd: {  	[dreg:$0x1] =	wrdreg $0xFFFFFFFF  }
0xbe: {  	_ =	task.clear_ibuf [dreg:s4], $0x2FFFF;
	_ =	strace $0x9FFFFFFF  }
0xbf: {  	(tm) =	ssettm $0x7FFFFFFF  }
tec
execute0_lowered:
.L_overlay_start_1:
0x0: {  	(tag) =	ssettag $0x1  }
0x1: {  	s2 =	rddreg [dreg:$0x0]  }
0x2: {  	s0 =	rddreg [dreg:$0x1]  }
0x3: {  	_ =	strace $0x8000004A;
	s4 =	stileid.u32;
	s5 =	simm.s32 $0x3E  }
0x4: {  	s1 =	sadd.s32 $0x1E00, s2;
	p0 =	sne.s32 s4, $0x0;
	[sflag:s5] =	ssyncpa.u1 $0x0  }
0x5: {  	s30 =	smin.u32 s4, $0x9;
	s3 =	simm.s32 @!p0 $0x1C3E;
	s6 =	simm.s32 @!p0 $0x0  }
0x6: {  	[spmem:s6], [sflag:s3] =	dma.local @!p0 [hbm:s1], $0x180  }
0x7: {  	s3 =	sadd.s32 s4, s30  }
0x8: {  	p1 =	slt.u32 s4, $0x9;
	s4 =	simm.s32 $0x320;
	s3 =	smul.u32 $0x190, s3  }
0x9: {  	s4 =	simm.s32 @!p1 $0x190  }
0xa: {  	s4 =	sadd.s32 s4, s3  }
0xb: {  	s4 =	smin.u32 s4, $0x2710  }
0xc: {  	s7 =	ssub.s32 s4, s3  }
0xd: {  	p1 =	sgt.s32 s7, $0x0  }
0xe: {  	s7 =	simm.s32 @!p1 $0x0  }
0xf: {  	s8 =	sand.u32 $0xFFF0, s7  }
0x10: {  	s8 =	sshrl.u32 s8, $0x4  }
0x11: {  	s6 =	simm.s32 @!p0 $0x3E;
	s31 =	smul.u32 $0xA3E, s8  }
0x12: {  	_ =	swait.ge @!p0 [sflag:s6], $0x180  }
0x13: {  	[sflag:s6] =	ssyncset.done @!p0 $0x0;
	s8 =	sshrl.u32 s31, $0x10  }
0x14: {  	s11 =	simm.s32 $0x0;
	[sflag:s6] =	ssyncadd.s32 @!p0 $0xFFFFFE80;
	s9 =	smul.u32 $0x190, s8  }
.Ltmp0:
0x15: {  	s6 =	simm.s32 $0x2;
	[bflag:$0x0] =	sbarrier.arrive $0xFFFF;
	(pc) =	sbr.rel .LBB2_1-.Ltmp0, $4  }
0x16: {  	s10 =	smov.u32 s3;
	[sflag:s5] =	ssyncpa.u1 $0x1;
	s5 =	simm.s32 $0x1  }
0x17: {  	[sflag:s5] =	ssyncpa.u1 $0x0;
	p1 =	sne.s32 s7, s9;
	s9 =	simm.s32 $0x1  }
0x18: {  	(ifvalue) =	ssetifvalue $0xC00;
	[sflag:s6] =	ssyncpa.u1 $0x0;
	s9 =	simm.s32 @!p1 $0x0  }
0x19: {  	vm0 =	vmmov $0xffff;
	s7 =	sadd.s32 $0x1800, s2;
	s8 =	sadd.s32 s8, s9;
	s9 =	simm.s32 $0x0  }
.LBB2_5:
0x1a: {  	p2 =	sne.s32 s11, s8  }
.Ltmp1:
0x1b: {  	_ = 	snop;
	(pc) =	sbr.rel @!p2 .LBB2_6-.Ltmp1, $4  }
0x1c: {  	_ = 	snop  }
0x1d: {  	s12 =	sadd.s32 $0x190, s10  }
0x1e: {  	s10 =	smov.u32 s3;
	s13 =	sadd.s32 $0x1, s11;
	p1 =	slt.s32 s12, s4  }
0x1f: {  	s11 =	smov.u32 s13;
	s10 =	smov.u32 @p1 s12  }
.LBB2_1:
0x20: {  	p1 =	sge.u32 s11, s8  }
0x21: {  	s12 =	sxor.u32 @!p1 $0xFFFFFFFF, s11  }
0x22: {  	s12 =	sand.u32 @!p1 $0x1, s12  }
0x23: {  	s12 =	smul.u32 @!p1 $0x190, s12  }
0x24: {  	s13 =	sshrl.u32 @!p1 s10, $0x3  }
0x25: {  	s16 =	sand.u32 @!p1 $0x7, s10;
	s14 =	sadd.s32 @!p1 s2, s13;
	s15 =	sadd.s32 @!p1 $0xC0, s12  }
0x26: {  	[tilespmem:s15], [sflag:$0x2] =	stream.linear.gather @!p1 [hbm4b:s14+s16], $0x190, $0x38;
	[tilespmem:$0x700] =	vst v63  }
0x27: {  	s13 =	sadd.s32 @!p1 s7, s13;
	s12 =	sadd.s32 @!p1 $0x3E0, s12  }
0x28: {  	[tilespmem:s12], [sflag:$0x2] =	stream.linear.gather @!p1 [hbm4b:s13+s16], $0x190, $0x38;
	[tilespmem:$0x700] =	vst v63  }
0x29: {  	p1 =	seq.s32 s11, $0x0  }
.Ltmp2:
0x2a: {  	_ = 	snop;
	(pc) =	sbr.rel @p1 .LBB2_5-.Ltmp2, $1  }
0x2b: {  	_ =	sdelay $0x3  }
0x2c: {  	s12 =	sand.u32 $0x1, s11  }
0x2d: {  	_ =	swait.ge [sflag:s6], $0x320;
	p1 =	seq.s32 s12, $0x1;
	s12 =	simm.s32 $0x190  }
0x2e: {  	[sflag:s6] =	ssyncset.done $0x0;
	s12 =	simm.s32 @!p1 $0x0  }
0x2f: {  	[sflag:s6] =	ssyncadd.s32 $0xFFFFFCE0;
	s14 =	sadd.s32 $0xC0, s12  }
0x30: {  	v0 =	vld.msk [tilespmem:s14+$0x0 ss:$0x1], $0xffff;
	_ =	sdelay $0x4  }
0x31: {  	v0 =	vmin.u32 v0, $0xC00;
	_ =	sdelay $0x3  }
0x32: {  	s13 =	simm.s32 $0x0;
	s12 =	sadd.s32 $0x3E0, s12;
	s14 =	sadd.s32 $0x10, s14  }
0x33: {  	[spmem:s9] =	stream.indirect_vreg.scatter.add.s32 [tilespmem:s12], [sflag:$0x1], $0x1, v0, vm0, $0x4038;
	[tilespmem:$0x700] =	vst v63  }
.LBB2_3:
0x34: {  	v0 =	vld.msk [tilespmem:s14+$0x0 ss:$0x1], $0xffff;
	s13 =	sadd.s32 $0x10, s13  }
0x35: {  	p1 =	slt.u32 s13, $0x180;
	_ =	sdelay $0x4  }
0x36: {  	v0 =	vmin.u32 v0, $0xC00  }
.Ltmp3:
0x37: {  	(pc) =	sbr.rel @p1 .LBB2_3-.Ltmp3, $3  }
0x38: {  	_ =	sdelay $0x1  }
0x39: {  	s14 =	sadd.s32 $0x10, s14;
	s12 =	sadd.s32 $0x10, s12  }
0x3a: {  	[spmem:s9] =	stream.indirect_vreg.scatter.add.s32 [tilespmem:s12], [sflag:$0x1], $0x1, v0, vm0, $0x4038;
	[tilespmem:$0x700] =	vst v63  }
.Ltmp4:
0x3b: {  	(pc) =	sbr.rel .LBB2_5-.Ltmp4, $4  }
0x3c: {  	_ = 	snop  }
0x3d: {  	_ =	swait.ge [sflag:s5], $0x190  }
0x3e: {  	[sflag:s5] =	ssyncset.done $0x0  }
0x3f: {  	[sflag:s5] =	ssyncadd.s32 $0xFFFFFE70  }
.LBB2_6:
0x40: {  	_ =	sfence.sel $0x180000  }
0x41: {  	s2 =	simm.s32 $0x2;
	[bflag:$0x0] =	sbarrier.arrive $0xFFFF  }
0x42: {  	s30 =	simm.s32 $0x1;
	[sflag:s2] =	ssyncpa.u1 $0x1  }
0x43: {  	[sflag:s30] =	ssyncpa.u1 $0x1  }
0x44: {  	_ =	sfence.stream.spmem  }
0x45: {  	s31 =	simm.s32 $0x3D;
	[bflag:$0x0] =	sbarrier.arrive $0xFFFF  }
0x46: {  	s2 =	simm.s32 @p0 $0x3D;
	[sflag:s31] =	ssyncpa.u1 $0x0  }
0x47: {  	[sflag:s2] =	ssyncpa.u1 @p0 $0x1  }
0x48: {  	[bflag:$0x0] =	sbarrier.arrive @p0 $0xFFFF  }
0x49: {  	_ =	strace @p0 $0x9000004A  }
0x4a: {  	s3 =	simm.s32 @!p0 $0x1C3D;
	s2 =	simm.s32 @!p0 $0x0;
	[bflag:$0x2] =	sbarrier.arrive @p0 $0xFFFF  }
0x4b: {  	[hbm:s1], [sflag:s3] =	dma.local @!p0 [spmem:s2], $0x180  }
0x4c: {  	s1 =	simm.s32 @!p0 $0x3D  }
0x4d: {  	_ =	swait.ge @!p0 [sflag:s1], $0x180  }
0x4e: {  	[sflag:s1] =	ssyncset.done @!p0 $0x0  }
0x4f: {  	[sflag:s1] =	ssyncadd.s32 @!p0 $0xFFFFFE80  }
0x50: {  	[sflag:s1] =	ssyncpa.u1 @!p0 $0x1  }
0x51: {  	[bflag:$0x0] =	sbarrier.arrive @!p0 $0xFFFF  }
0x52: {  	_ =	strace @!p0 $0x9000004A  }
0x53: {  	s0 =	sadd.s32 @!p0 $0x100000, s0;
	[bflag:$0x2] =	sbarrier.arrive @!p0 $0xFFFF  }
0x54: {  	[sflag:s0] =	ssyncadd.tile.s32 @!p0 $0x1;
	_ =	shalt  }
.Lfunc_end2:
_tile_overlayer_lowered:
.L_overlay_start_2:
0x55: {  	(tag) =	ssettag $0x2  }
0x56: {  	s0 =	rddreg [dreg:$0x0];
	s2 =	stileid.u32  }
0x57: {  	s1 =	rddreg [dreg:$0x1];
	p0 =	sne.s32 s2, $0x0  }
0x58: {  	s3 =	rddreg [dreg:$0x2];
	[bflag:$0x3] =	sbarrier.arrive $0xFFFF;
	s2 =	simm.s32 @!p0 $0x1C01  }
0x59: {  	[timem:s3], [sflag:s2] =	dma.local @!p0 [hbm:s0], s1  }
0x5a: {  	s0 =	simm.s32 @!p0 $0x1  }
0x5b: {  	_ =	swait.ge @!p0 [sflag:s0], s1  }
0x5c: {  	s1 =	ssub.s32 @!p0 $0x0, s1;
	[sflag:s0] =	ssyncset.done @!p0 $0x0  }
0x5d: {  	[sflag:s0] =	ssyncadd.s32 @!p0 s1  }
0x5e: {  	[bflag:$0x3] =	sbarrier.arrive $0xFFFF  }
0x5f: {  	_ =	shalt  }

// kernel: scatter_offload_async_start
scs
__scs_entry_jumppad:
0x0: {  	(pc) =	sbr.rel $0x88, $3  }
0x1: {  	(tag) =	ssettag $0x0;
	lr =	simm.s32 $0x1  }
0x2: {  	[smem:$0x3F97] =	sst lr;
	_ =	strace $0xD0000000  }
0x3: {  	_ = 	snop  }
0x4: {  	_ = 	snop  }
0x5: {  	_ = 	snop  }
0x6: {  	_ = 	snop  }
0x7: {  	_ = 	snop  }
__scs_overlays_trampoline_lowered:
0x8: {  	[smem:$0x3FA6] =	sst s0  }
0x9: {  	[smem:$0x3FA7] =	sst s1  }
0xa: {  	[smem:$0x3FA8] =	sst s2  }
0xb: {  	[smem:$0x3FA9] =	sst s3  }
0xc: {  	[smem:$0x3FAA] =	sst s4  }
0xd: {  	[smem:$0x3FAB] =	sst s5  }
0xe: {  	[smem:$0x3FAC] =	sst s6  }
0xf: {  	[smem:$0x3FAD] =	sst s7  }
0x10: {  	[smem:$0x3FAE] =	sst s8  }
0x11: {  	[smem:$0x3FAF] =	sst s9;
	s0 =	simm.s32 @!p0 $0x0  }
0x12: {  	s1 =	sld [smem:$0x3F95];
	s0 =	simm.s32 @p0 $0x1  }
0x13: {  	[smem:$0x3FB0] =	sst s0;
	s0 =	simm.s32 @!p1 $0x0  }
0x14: {  	s2 =	sld [smem:$0x3F94];
	s0 =	simm.s32 @p1 $0x1  }
0x15: {  	[smem:$0x3FB1] =	sst s0;
	s0 =	simm.s32 @!p2 $0x0  }
0x16: {  	s3 =	sld [smem:$0x3FDB];
	s0 =	simm.s32 @p2 $0x1  }
0x17: {  	s4 =	simm.s32 $0x1BF5;
	[smem:$0x3FB3] =	sst s0  }
0x18: {  	s0 =	sld [smem:$0x3F96];
	_ =	swait.ge [sflag:s4], $0x0  }
0x19: {  	s7 =	sld [smem:$0x3F97]  }
0x1a: {  	s8 =	sadd.s32 $0xFFFFE003, lr  }
0x1b: {  	s9 =	sadd.s32 $0xFFFFFEF7, lr;
	s5 =	simm.s32 $0xFFFFFFFF;
	p2 =	slt.u32 s8, $0xFFFFF086  }
0x1c: {  	p1 =	slt.u32 s9, $0xF7A;
	s5 =	simm.s32 @!p2 $0x0  }
0x1d: {  	s5 =	simm.s32 @p1 $0x1;
	p0 =	seq.s32 s7, s2  }
0x1e: {  	s7 =	smul.u32 @!p0 $0xF7A, s2;
	p2 =	seq.s32 @!p0 s5, $0x0  }
0x1f: {  	s9 =	smul.u32 $0xF7A, s1;
	s8 =	simm.s32 @!p0 $0x1BF5;
	p2 =	por !p2, p0  }
0x20: {  	[sflag:s8] =	ssyncset.s32 @!p0 $0xFFFFF086;
	s6 =	sadd.s32 @!p0 s3, s7;
	s7 =	simm.s32 @!p0 $0x108  }
0x21: {  	s3 =	sadd.s32 s3, s9;
	s6 =	sadd.s32 @!p0 $0x88, s6;
	s7 =	simm.s32 @p2 $0x1082  }
0x22: {  	[simem:s7], [sflag:s8] =	dma.local @!p0 [hbm:s6], $0xF7A  }
0x23: {  	s9 =	sor.u32 $0xD0000000, s2;
	s6 =	simm.s32 $0x108;
	_ =	swait.ge @!p0 [sflag:s8], $0x0  }
0x24: {  	s3 =	sadd.s32 $0x88, s3;
	s6 =	simm.s32 @!p1 $0x1082;
	[sflag:s4] =	ssyncset.s32 $0xFFFFF086  }
0x25: {  	[simem:s6], [sflag:s4] =	dma.local [hbm:s3], $0xF7A  }
0x26: {  	[smem:$0x3F97] =	sst s1;
	(tag) =	ssettag s2;
	_ =	strace s9  }
0x27: {  	s1 =	sld [smem:$0x3FA7]  }
0x28: {  	s2 =	sld [smem:$0x3FA8]  }
0x29: {  	s4 =	sld [smem:$0x3FAA]  }
0x2a: {  	p0 =	seq.s32 s5, $0x0;
	s5 =	sld [smem:$0x3FAB]  }
0x2b: {  	s6 =	sld [smem:$0x3FAC]  }
0x2c: {  	s7 =	sld [smem:$0x3FAD]  }
0x2d: {  	s3 =	simm.s32 $0x108;
	s8 =	sld [smem:$0x3FAE]  }
0x2e: {  	s3 =	simm.s32 @!p0 $0x1082;
	s9 =	sld [smem:$0x3FAF]  }
0x2f: {  	lr =	sadd.s32 s0, s3;
	s0 =	sld [smem:$0x3FA6]  }
0x30: {  	s3 =	sld [smem:$0x3FA9]  }
0x31: {  	[smem:$0x3FB2] =	sst s10  }
0x32: {  	s10 =	sld [smem:$0x3FB0];
	_ =	sdelay $0x3  }
0x33: {  	p0 =	seq.s32 s10, $0x1;
	s10 =	sld [smem:$0x3FB2];
	_ =	sdelay $0x3  }
0x34: {  	[smem:$0x3FB2] =	sst s10  }
0x35: {  	s10 =	sld [smem:$0x3FB1];
	_ =	sdelay $0x3  }
0x36: {  	p1 =	seq.s32 s10, $0x1;
	s10 =	sld [smem:$0x3FB2];
	_ =	sdelay $0x3  }
0x37: {  	[smem:$0x3FB2] =	sst s10  }
0x38: {  	s10 =	sld [smem:$0x3FB3]  }
0x39: {  	_ = 	snop;
	(pc) =	sbr.ind lr, $3  }
0x3a: {  	_ = 	snop  }
0x3b: {  	_ = 	snop  }
0x3c: {  	p2 =	seq.s32 s10, $0x1;
	s10 =	sld [smem:$0x3FB2]  }
0x3d: {  	_ =	shalt  }
0x3e: {  	_ =	shalt  }
0x3f: {  	_ =	shalt  }
0x40: {  	_ =	shalt  }
0x41: {  	_ =	shalt  }
0x42: {  	_ =	shalt  }
0x43: {  	_ =	shalt  }
0x44: {  	_ =	shalt  }
0x45: {  	_ =	shalt  }
0x46: {  	_ =	shalt  }
0x47: {  	_ =	shalt  }
0x48: {  	_ =	shalt  }
0x49: {  	_ =	shalt  }
0x4a: {  	_ =	shalt  }
0x4b: {  	_ =	shalt  }
0x4c: {  	_ =	shalt  }
0x4d: {  	_ =	shalt  }
0x4e: {  	_ =	shalt  }
0x4f: {  	_ =	shalt  }
0x50: {  	_ =	shalt  }
0x51: {  	_ =	shalt  }
0x52: {  	_ =	shalt  }
0x53: {  	_ =	shalt  }
0x54: {  	_ =	shalt  }
0x55: {  	_ =	shalt  }
0x56: {  	_ =	shalt  }
0x57: {  	_ =	shalt  }
0x58: {  	_ =	shalt  }
0x59: {  	_ =	shalt  }
0x5a: {  	_ =	shalt  }
0x5b: {  	_ =	shalt  }
0x5c: {  	_ =	shalt  }
0x5d: {  	_ =	shalt  }
0x5e: {  	_ =	shalt  }
0x5f: {  	_ =	shalt  }
0x60: {  	_ =	shalt  }
0x61: {  	_ =	shalt  }
0x62: {  	_ =	shalt  }
0x63: {  	_ =	shalt  }
0x64: {  	_ =	shalt  }
0x65: {  	_ =	shalt  }
0x66: {  	_ =	shalt  }
0x67: {  	_ =	shalt  }
0x68: {  	_ =	shalt  }
0x69: {  	_ =	shalt  }
0x6a: {  	_ =	shalt  }
0x6b: {  	_ =	shalt  }
0x6c: {  	_ =	shalt  }
0x6d: {  	_ =	shalt  }
0x6e: {  	_ =	shalt  }
0x6f: {  	_ =	shalt  }
0x70: {  	_ =	shalt  }
0x71: {  	_ =	shalt  }
0x72: {  	_ =	shalt  }
0x73: {  	_ =	shalt  }
0x74: {  	_ =	shalt  }
0x75: {  	_ =	shalt  }
0x76: {  	_ =	shalt  }
0x77: {  	_ =	shalt  }
0x78: {  	_ =	shalt  }
0x79: {  	_ =	shalt  }
0x7a: {  	_ =	shalt  }
0x7b: {  	_ =	shalt  }
0x7c: {  	_ =	shalt  }
0x7d: {  	_ =	shalt  }
0x7e: {  	_ =	shalt  }
0x7f: {  	_ =	shalt  }
0x80: {  	_ =	shalt  }
0x81: {  	_ =	shalt  }
0x82: {  	_ =	shalt  }
0x83: {  	_ =	shalt  }
0x84: {  	_ =	shalt  }
0x85: {  	_ =	shalt  }
0x86: {  	_ =	shalt  }
0x87: {  	_ =	shalt  }
.Lfunc_end0:
.L_simem_size_0:
called_computation_lowered:
.L_overlay_start_0:
0x88: {  	s0 =	sld [smem:$0x3FD9]  }
0x89: {  	s1 =	sld [smem:$0x3FFE];
	_ =	sdelay $0x3  }
0x8a: {  	s0 =	sadd.s32 s1, s0  }
0x8b: {  	[smem:$0x3FBE] =	sst s0  }
0x8c: {  	_ = 	snop  }
0x8d: {  	(tm) =	ssettm $0x1  }
0x8e: {  	s15 =	sld [smem:$0x3FFB];
	_ =	sdelay $0x3  }
0x8f: {  	_ =	strace s15  }
0x90: {  	s0 =	sld [smem:$0x3FFC];
	_ =	sdelay $0x3  }
0x91: {  	_ =	strace s0  }
0x92: {  	s0 =	sld [smem:$0x3FFD];
	_ =	sdelay $0x3  }
0x93: {  	_ =	strace s0  }
0x94: {  	_ =	strace $0x8FFFFFFF  }
0x95: {  	s16 =	sld [smem:$0x3FDB];
	_ =	sdelay $0x1  }
0x96: {  	s17 =	simm.s32 $_scs_section_size  }
0x97: {  	s2 =	simm.s32 $_size__tile_overlayer_lowered;
	s3 =	simm.s32 $_tile_overlayer_lowered  }
0x98: {  	s20 =	simm.s32 $0x1BFF;
	s19 =	sshll.u32 s3, $0x1;
	s0 =	sadd.s32 s17, s16  }
0x99: {  	s4 =	simm.s32 $0x0;
	s18 =	sshll.u32 s2, $0x1;
	s2 =	sadd.s32 s19, s0  }
0x9a: {  	[timem:s4], [sflag:s20] =	dma.local [hbm:s2], s18  }
0x9b: {  	_ =	swait.ge [sflag:s20], s18  }
0x9c: {  	s1 =	ssub.s32 $0x0, s18;
	[sflag:s20] =	ssyncset.done $0x0  }
0x9d: {  	[sflag:s20] =	ssyncadd.s32 s1;
	_ =	sdelay $0x1  }
0x9e: {  	s21 =	simm.s32 $0x1B8B  }
0x9f: {  	_ =	swait.ge [sflag:s21], $0x1  }
0xa0: {  	[sflag:s21] =	ssyncset.done $0x0  }
0xa1: {  	s23 =	simm.s32 $0x1B8E;
	s22 =	sld [smem:$0x3FFE];
	[sflag:s21] =	ssyncadd.s32 $0xFFFFFFFF  }
0xa2: {  	s24 =	simm.s32 $execute0_lowered;
	[smem:$0x3FD2] =	sst s23  }
0xa3: {  	s2 =	sshll.u32 s24, $0x1;
	_ =	strace $0x80000046;
	[dreg:$0x1] =	wrdreg $0xFFFFFFFF  }
0xa4: {  	s25 =	simm.s32 $_size_execute0_lowered;
	s0 =	sadd.s32 s0, s2;
	[dreg:$0x0] =	wrdreg $0x0  }
0xa5: {  	s2 =	sshll.u32 s25, $0x1;
	[dreg:$0x2] =	wrdreg s0  }
0xa6: {  	[dreg:$0x3] =	wrdreg s2  }
0xa7: {  	[dreg:$0x4] =	wrdreg $0xC0  }
0xa8: {  	_ =	task [dreg:s4], $0x5FFFF  }
0xa9: {  	[dreg:$0x1] =	wrdreg $0xFFFFFFFF  }
0xaa: {  	[dreg:$0x0] =	wrdreg $0x60  }
0xab: {  	[dreg:$0x2] =	wrdreg s22  }
0xac: {  	[dreg:$0x3] =	wrdreg $0x9  }
0xad: {  	_ =	task.clear_ibuf [dreg:s4], $0x4FFFF;
	_ =	strace $0x90000046  }
0xae: {  	s26 =	simm.s32 $0x9;
	_ =	strace $0x80000048  }
0xaf: {  	_ =	swait.ge [sflag:s26], $0x1  }
0xb0: {  	[sflag:s26] =	ssyncadd.s32 $0xFFFFFFFF  }
0xb1: {  	_ =	strace $0x90000048  }
0xb2: {  	_ =	sfence  }
0xb3: {  	s28 =	sld [smem:$0x0];
	_ =	sdelay $0x1  }
0xb4: {  	s29 =	srdreg.scid  }
0xb5: {  	s30 =	sshll.u32 s29, $0xD;
	s31 =	sshrl.u32 s29, $0x2  }
0xb6: {  	s1 =	sand.u32 $0x1, s29;
	s2 =	sand.u32 $0x4000, s30;
	s0 =	sadd.s32 s31, s28  }
0xb7: {  	s1 =	sor.u32 s2, s1;
	s0 =	sshll.u32 s0, $0x11  }
0xb8: {  	s0 =	sor.u32 s0, s1  }
0xb9: {  	s0 =	sadd.s32 $0x8F2B, s0  }
0xba: {  	[sflag:s0] =	ssyncadd.remote.s32 $0x1  }
0xbb: {  	_ =	sfence.sel $0xFFFF  }
0xbc: {  	[dreg:$0x0] =	wrdreg $0xFFFFFFFF;
	(pc) =	sbr.abs _section_cstart, $3  }
0xbd: {  	[dreg:$0x1] =	wrdreg $0xFFFFFFFF  }
0xbe: {  	_ =	task.clear_ibuf [dreg:s4], $0x2FFFF;
	_ =	strace $0x9FFFFFFF  }
0xbf: {  	(tm) =	ssettm $0x7FFFFFFF  }
tec
execute0_lowered:
.L_overlay_start_1:
0x0: {  	(tag) =	ssettag $0x1  }
0x1: {  	s2 =	rddreg [dreg:$0x0]  }
0x2: {  	s0 =	rddreg [dreg:$0x1];
	_ =	strace $0x80000047  }
0x3: {  	s4 =	stileid.u32;
	s5 =	simm.s32 $0x3E;
	s1 =	sadd.s32 $0x1DA00, s2  }
0x4: {  	p0 =	sne.s32 s4, $0x0;
	[sflag:s5] =	ssyncpa.u1 $0x0;
	s29 =	smin.u32 s4, $0x8  }
0x5: {  	s30 =	sshll.u32 s4, $0x1;
	s3 =	simm.s32 @!p0 $0x1C3E;
	s6 =	simm.s32 @!p0 $0x0  }
0x6: {  	[spmem:s6], [sflag:s3] =	dma.local @!p0 [hbm:s1], $0x500  }
0x7: {  	s3 =	sadd.s32 s29, s30  }
0x8: {  	p1 =	slt.u32 s4, $0x8;
	s4 =	simm.s32 $0x5DC0;
	s3 =	smul.u32 $0x1F40, s3  }
0x9: {  	s4 =	simm.s32 @!p1 $0x3E80  }
0xa: {  	s4 =	sadd.s32 s4, s3  }
0xb: {  	s4 =	smin.u32 s4, $0x4E200  }
0xc: {  	s7 =	ssub.s32 s4, s3  }
0xd: {  	p1 =	sgt.s32 s7, $0x0  }
0xe: {  	s7 =	simm.s32 @!p1 $0x0  }
0xf: {  	s6 =	simm.s32 @!p0 $0x3E;
	s31 =	smulhi.u32 $0x10624DD3, s7  }
0x10: {  	_ =	swait.ge @!p0 [sflag:s6], $0x500  }
0x11: {  	[sflag:s6] =	ssyncset.done @!p0 $0x0;
	s8 =	sshrl.u32 s31, $0x9  }
0x12: {  	s11 =	simm.s32 $0x0;
	[sflag:s6] =	ssyncadd.s32 @!p0 $0xFFFFFB00;
	s9 =	smul.u32 $0x1F40, s8  }
.Ltmp0:
0x13: {  	s6 =	simm.s32 $0x2;
	[bflag:$0x0] =	sbarrier.arrive $0xFFFF;
	(pc) =	sbr.rel .LBB2_1-.Ltmp0, $4  }
0x14: {  	s10 =	smov.u32 s3;
	[sflag:s5] =	ssyncpa.u1 $0x1;
	s5 =	simm.s32 $0x1  }
0x15: {  	[sflag:s5] =	ssyncpa.u1 $0x0;
	p1 =	sne.s32 s7, s9;
	s9 =	simm.s32 $0x1  }
0x16: {  	(ifvalue) =	ssetifvalue $0x2800;
	[sflag:s6] =	ssyncpa.u1 $0x0;
	s9 =	simm.s32 @!p1 $0x0  }
0x17: {  	vm0 =	vmmov $0xffff;
	s7 =	sadd.s32 $0x9E00, s2;
	s8 =	sadd.s32 s9, s8;
	s9 =	simm.s32 $0x0  }
.LBB2_5:
0x18: {  	p2 =	sne.s32 s11, s8  }
.Ltmp1:
0x19: {  	_ = 	snop;
	(pc) =	sbr.rel @!p2 .LBB2_6-.Ltmp1, $4  }
0x1a: {  	_ = 	snop  }
0x1b: {  	s12 =	sadd.s32 $0x1F40, s10  }
0x1c: {  	s10 =	smov.u32 s3;
	s13 =	sadd.s32 $0x1, s11;
	p1 =	slt.s32 s12, s4  }
0x1d: {  	s11 =	smov.u32 s13;
	s10 =	smov.u32 @p1 s12  }
.LBB2_1:
0x1e: {  	p1 =	sge.u32 s11, s8  }
0x1f: {  	s12 =	sxor.u32 @!p1 $0xFFFFFFFF, s11  }
0x20: {  	s12 =	sand.u32 @!p1 $0x1, s12  }
0x21: {  	s12 =	smul.u32 @!p1 $0x1F40, s12  }
0x22: {  	s13 =	sshrl.u32 @!p1 s10, $0x3  }
0x23: {  	s16 =	sand.u32 @!p1 $0x7, s10;
	s14 =	sadd.s32 @!p1 s2, s13;
	s15 =	sadd.s32 @!p1 $0x280, s12  }
0x24: {  	[tilespmem:s15], [sflag:$0x2] =	stream.linear.gather @!p1 [hbm4b:s14+s16], $0x1F40, $0x38;
	[tilespmem:$0x7F80] =	vst v63  }
0x25: {  	s13 =	sadd.s32 @!p1 s7, s13;
	s12 =	sadd.s32 @!p1 $0x4100, s12  }
0x26: {  	[tilespmem:s12], [sflag:$0x2] =	stream.linear.gather @!p1 [hbm4b:s13+s16], $0x1F40, $0x38;
	[tilespmem:$0x7F80] =	vst v63  }
0x27: {  	p1 =	seq.s32 s11, $0x0  }
.Ltmp2:
0x28: {  	_ = 	snop;
	(pc) =	sbr.rel @p1 .LBB2_5-.Ltmp2, $1  }
0x29: {  	_ =	sdelay $0x3  }
0x2a: {  	s12 =	sand.u32 $0x1, s11  }
0x2b: {  	_ =	swait.ge [sflag:s6], $0x3E80;
	p1 =	seq.s32 s12, $0x1;
	s12 =	simm.s32 $0x1F40  }
0x2c: {  	[sflag:s6] =	ssyncset.done $0x0;
	s12 =	simm.s32 @!p1 $0x0  }
0x2d: {  	[sflag:s6] =	ssyncadd.s32 $0xFFFFC180;
	s14 =	sadd.s32 $0x280, s12  }
0x2e: {  	v0 =	vld.msk [tilespmem:s14+$0x0 ss:$0x1], $0xffff;
	_ =	sdelay $0x4  }
0x2f: {  	v0 =	vmin.u32 v0, $0x2800;
	_ =	sdelay $0x3  }
0x30: {  	s13 =	simm.s32 $0x0;
	s12 =	sadd.s32 $0x4100, s12;
	s14 =	sadd.s32 $0x10, s14  }
0x31: {  	[spmem:s9] =	stream.indirect_vreg.scatter.add.s32 [tilespmem:s12], [sflag:$0x1], $0x1, v0, vm0, $0x4038;
	[tilespmem:$0x7F80] =	vst v63  }
.LBB2_3:
0x32: {  	v0 =	vld.msk [tilespmem:s14+$0x0 ss:$0x1], $0xffff;
	s13 =	sadd.s32 $0x10, s13  }
0x33: {  	p1 =	slt.u32 s13, $0x1F30;
	_ =	sdelay $0x4  }
0x34: {  	v0 =	vmin.u32 v0, $0x2800  }
.Ltmp3:
0x35: {  	(pc) =	sbr.rel @p1 .LBB2_3-.Ltmp3, $3  }
0x36: {  	_ =	sdelay $0x1  }
0x37: {  	s14 =	sadd.s32 $0x10, s14;
	s12 =	sadd.s32 $0x10, s12  }
0x38: {  	[spmem:s9] =	stream.indirect_vreg.scatter.add.s32 [tilespmem:s12], [sflag:$0x1], $0x1, v0, vm0, $0x4038;
	[tilespmem:$0x7F80] =	vst v63  }
.Ltmp4:
0x39: {  	(pc) =	sbr.rel .LBB2_5-.Ltmp4, $4  }
0x3a: {  	_ = 	snop  }
0x3b: {  	_ =	swait.ge [sflag:s5], $0x1F40  }
0x3c: {  	[sflag:s5] =	ssyncset.done $0x0  }
0x3d: {  	[sflag:s5] =	ssyncadd.s32 $0xFFFFE0C0  }
.LBB2_6:
0x3e: {  	_ =	sfence.sel $0x180000  }
0x3f: {  	s2 =	simm.s32 $0x2;
	[bflag:$0x0] =	sbarrier.arrive $0xFFFF  }
0x40: {  	s30 =	simm.s32 $0x1;
	[sflag:s2] =	ssyncpa.u1 $0x1  }
0x41: {  	[sflag:s30] =	ssyncpa.u1 $0x1  }
0x42: {  	_ =	sfence.stream.spmem  }
0x43: {  	s31 =	simm.s32 $0x3D;
	[bflag:$0x0] =	sbarrier.arrive $0xFFFF  }
0x44: {  	s2 =	simm.s32 @p0 $0x3D;
	[sflag:s31] =	ssyncpa.u1 $0x0  }
0x45: {  	[sflag:s2] =	ssyncpa.u1 @p0 $0x1  }
0x46: {  	[bflag:$0x0] =	sbarrier.arrive @p0 $0xFFFF  }
0x47: {  	_ =	strace @p0 $0x90000047  }
0x48: {  	s3 =	simm.s32 @!p0 $0x1C3D;
	s2 =	simm.s32 @!p0 $0x0;
	[bflag:$0x2] =	sbarrier.arrive @p0 $0xFFFF  }
0x49: {  	[hbm:s1], [sflag:s3] =	dma.local @!p0 [spmem:s2], $0x500  }
0x4a: {  	s1 =	simm.s32 @!p0 $0x3D  }
0x4b: {  	_ =	swait.ge @!p0 [sflag:s1], $0x500  }
0x4c: {  	[sflag:s1] =	ssyncset.done @!p0 $0x0  }
0x4d: {  	[sflag:s1] =	ssyncadd.s32 @!p0 $0xFFFFFB00  }
0x4e: {  	[sflag:s1] =	ssyncpa.u1 @!p0 $0x1  }
0x4f: {  	[bflag:$0x0] =	sbarrier.arrive @!p0 $0xFFFF  }
0x50: {  	_ =	strace @!p0 $0x90000047  }
0x51: {  	s0 =	sadd.s32 @!p0 $0x100000, s0;
	[bflag:$0x2] =	sbarrier.arrive @!p0 $0xFFFF  }
0x52: {  	[sflag:s0] =	ssyncadd.tile.s32 @!p0 $0x1;
	_ =	shalt  }
.Lfunc_end2:
_tile_overlayer_lowered:
.L_overlay_start_2:
0x53: {  	(tag) =	ssettag $0x2  }
0x54: {  	s0 =	rddreg [dreg:$0x0];
	s2 =	stileid.u32  }
0x55: {  	s1 =	rddreg [dreg:$0x1];
	p0 =	sne.s32 s2, $0x0  }
0x56: {  	s3 =	rddreg [dreg:$0x2];
	[bflag:$0x3] =	sbarrier.arrive $0xFFFF;
	s2 =	simm.s32 @!p0 $0x1C01  }
0x57: {  	[timem:s3], [sflag:s2] =	dma.local @!p0 [hbm:s0], s1  }
0x58: {  	s0 =	simm.s32 @!p0 $0x1  }
0x59: {  	_ =	swait.ge @!p0 [sflag:s0], s1  }
0x5a: {  	s1 =	ssub.s32 @!p0 $0x0, s1;
	[sflag:s0] =	ssyncset.done @!p0 $0x0  }
0x5b: {  	[sflag:s0] =	ssyncadd.s32 @!p0 s1  }
0x5c: {  	[bflag:$0x3] =	sbarrier.arrive $0xFFFF  }
0x5d: {  	_ =	shalt  }

</sc_bundles>
